<compile_context>
chip_gen: v7x
topology: tpu7x:2x2x1
jax: 0.10.2.dev20260603
libtpu: 0.0.44.dev20260713+nightly
codegen_flags: <defaults>
</compile_context>

<pallas_src>
import functools

import jax
import jax.numpy as jnp
from jax import lax
from jax.experimental import pallas as pl
from jax.experimental.pallas import tpu as pltpu
from jax.experimental.pallas import tpu_sc as plsc

N = 10000
E = 320000
D_IN = 128
D_HID = 64
D_OUT = 40

NC = 2
NS = 16
NW = NC * NS
EPW = E // NW
CB = 80
NCHUNK = EPW // CB
NBUF = 5
L = 16
STRIPE = 624
LAST_BASE = STRIPE * (NS - 1)
LAST_ROWS = N - LAST_BASE

_MESH = plsc.VectorSubcoreMesh(
    core_axis_name="c", subcore_axis_name="s", num_cores=NC, num_subcores=NS)
_SC_PARAMS = pltpu.CompilerParams(
    needs_layout_passes=False, use_tc_tiling_on_sc=False)


HR = 80


@functools.partial(
    pl.kernel,
    out_type=jax.ShapeDtypeStruct((NW, HR, 128), jnp.float32),
    mesh=_MESH,
    compiler_params=_SC_PARAMS,
    scratch_types=[
        pltpu.VMEM((NCHUNK, CB), jnp.int32),
        pltpu.VMEM((HR, 128), jnp.float32),
    ],
)
def _sc_degree(edges_hbm, out_hbm, colv, hist):
    cid = lax.axis_index("c")
    sid = lax.axis_index("s")
    wid = sid * NC + cid
    pltpu.sync_copy(edges_hbm.at[1].at[wid], colv)

    zeros = jnp.zeros((L,), jnp.float32)

    def zero_body(r, _):
        for c in range(128 // L):
            hist[r, pl.ds(c * L, L)] = zeros
        return 0

    lax.fori_loop(0, HR, zero_body, 0, unroll=4)

    ones = jnp.ones((L,), jnp.float32)

    def add_body(r, _):
        for c in range(CB // L):
            idx = colv[r, pl.ds(c * L, L)]
            plsc.addupdate_scatter(
                hist, [lax.shift_right_logical(idx, 7), idx & 127], ones)
        return 0

    lax.fori_loop(0, NCHUNK, add_body, 0, unroll=2)
    pltpu.sync_copy(hist, out_hbm.at[wid])


def _sc_spmm_body(D, h_hbm, edges_hbm, z_hbm, out_hbm,
                  rowi, coli, gbuf, acc, gsem):
    cid = lax.axis_index("c")
    sid = lax.axis_index("s")
    wid = sid * NC + cid
    pltpu.sync_copy(edges_hbm.at[0].at[wid], rowi)
    pltpu.sync_copy(edges_hbm.at[1].at[wid], coli)

    def _gather(j, b):
        return pltpu.make_async_copy(h_hbm.at[rowi.at[j]], gbuf.at[b],
                                     gsem.at[b])

    for b in range(NBUF):
        _gather(b, b).start()

    @pl.when(sid < NS - 1)
    def _():
        pltpu.sync_copy(z_hbm.at[pl.ds(0, STRIPE)],
                        acc.at[pl.ds(sid * STRIPE, STRIPE)])

    @pl.when(sid == NS - 1)
    def _():
        pltpu.sync_copy(z_hbm, acc.at[pl.ds(LAST_BASE, LAST_ROWS)])

    plsc.subcore_barrier()

    def chunk_body(g, _):
        for b in range(NBUF):
            j = g * NBUF + b
            _gather(j, b).wait()
            pltpu.sync_copy(gbuf.at[b], acc.at[coli.at[j]], add=True)

            @pl.when(j + NBUF < NCHUNK)
            def _():
                _gather(j + NBUF, b).start()
        return 0

    lax.fori_loop(0, NCHUNK // NBUF, chunk_body, 0)
    plsc.subcore_barrier()

    @pl.when(sid < NS - 1)
    def _():
        pltpu.sync_copy(acc.at[pl.ds(sid * STRIPE, STRIPE)],
                        out_hbm.at[cid, pl.ds(sid * STRIPE, STRIPE)])

    @pl.when(sid == NS - 1)
    def _():
        pltpu.sync_copy(acc.at[pl.ds(LAST_BASE, LAST_ROWS)],
                        out_hbm.at[cid, pl.ds(LAST_BASE, LAST_ROWS)])


def _make_sc_spmm(D):
    return functools.partial(
        pl.kernel,
        out_type=jax.ShapeDtypeStruct((NC, N, D), jnp.float32),
        mesh=_MESH,
        compiler_params=_SC_PARAMS,
        scratch_types=[
            pltpu.VMEM((NCHUNK, CB), jnp.int32),
            pltpu.VMEM((NCHUNK, CB), jnp.int32),
            pltpu.VMEM((NBUF, CB, D), jnp.float32),
            pltpu.VMEM_SHARED((N, D), jnp.float32),
            pltpu.SemaphoreType.DMA((NBUF,)),
        ],
    )(functools.partial(_sc_spmm_body, D))


_sc_spmm64 = _make_sc_spmm(D_HID)
_sc_spmm40 = _make_sc_spmm(D_OUT)


def _dinv_from_hist(hist):
    deg = jnp.sum(hist, axis=0).reshape(HR * 128)[:N] + 1.0
    return lax.rsqrt(deg)[:, None]


def _tc1a_body(x_ref, w1_ref, out_ref):
    out_ref[...] = jnp.dot(x_ref[...], w1_ref[...],
                           preferred_element_type=jnp.float32)


def _pack2(y):
    y3 = y.reshape(N // 2, 2, y.shape[1])
    return jnp.concatenate([y3[:, 0, :], y3[:, 1, :]], axis=1)


def _unpack2(y, d):
    a, b = y[:, :d], y[:, d:]
    return jnp.stack([a, b], axis=1).reshape(2 * y.shape[0], d)


def _tc1b_body(hist_ref, h_ref, out_ref):
    h1p = h_ref[...] * _dinv_from_hist(hist_ref[...])
    out_ref[...] = _pack2(h1p)


def _tc1c_body(hist_ref, d64_ref, d40_ref):
    dinv = _dinv_from_hist(hist_ref[...])
    d64_ref[...] = _pack2(jnp.broadcast_to(dinv, (N, D_HID)))
    d40_ref[...] = _pack2(jnp.broadcast_to(dinv, (N, D_OUT)))


def _tc2_body(p_ref, h1p_ref, d64_ref, w2blk_ref, b1_ref, out_ref):
    aggP = p_ref[0] + p_ref[1] + h1p_ref[...]
    hP = jnp.maximum(aggP * d64_ref[...] + b1_ref[...], 0.0)
    h2P = jnp.dot(hP, w2blk_ref[...], preferred_element_type=jnp.float32)
    out_ref[...] = h2P * _pack2_view40(d64_ref[...])


def _pack2_view40(d64):
    return jnp.concatenate([d64[:, :D_OUT], d64[:, D_HID:D_HID + D_OUT]],
                           axis=1)


def _tc3_body(p_ref, h2p_ref, d40_ref, b2_ref, out_ref):
    zP = (p_ref[0] + p_ref[1] + h2p_ref[...]) * d40_ref[...] + b2_ref[...]

    def _lsm(z):
        m = jnp.max(z, axis=1, keepdims=True)
        e = jnp.exp(z - m)
        s = jnp.sum(e, axis=1, keepdims=True)
        return z - m - jnp.log(s)

    za = _lsm(zP[:, :D_OUT])
    zb = _lsm(zP[:, D_OUT:])
    out_ref[...] = _unpack2(jnp.concatenate([za, zb], axis=1), D_OUT)


def _tc_call(body, n_in, out_shape):
    multi = isinstance(out_shape, tuple)
    return pl.pallas_call(
        body,
        out_shape=out_shape,
        in_specs=[pl.BlockSpec(memory_space=pltpu.VMEM)] * n_in,
        out_specs=(tuple(pl.BlockSpec(memory_space=pltpu.VMEM)
                         for _ in out_shape)
                   if multi else pl.BlockSpec(memory_space=pltpu.VMEM)),
    )


def kernel(x, edge_index, W1, b1, W2, b2):
    edges4 = edge_index.astype(jnp.int32).reshape(2, NW, NCHUNK, CB)

    z64 = jnp.zeros((LAST_ROWS, D_HID), jnp.float32)
    z40 = jnp.zeros((LAST_ROWS, D_OUT), jnp.float32)

    hist = _sc_degree(edges4)

    h1 = _tc_call(_tc1a_body, 2,
                  jax.ShapeDtypeStruct((N, D_HID), jnp.float32))(x, W1)
    h1p = _tc_call(_tc1b_body, 2,
                   jax.ShapeDtypeStruct((N // 2, 2 * D_HID), jnp.float32))(
        hist, h1)

    d64, d40 = _tc_call(
        _tc1c_body, 1,
        (jax.ShapeDtypeStruct((N // 2, 2 * D_HID), jnp.float32),
         jax.ShapeDtypeStruct((N // 2, 2 * D_OUT), jnp.float32)))(hist)

    p1 = _sc_spmm64(h1p.reshape(N, D_HID), edges4, z64)

    w2blk = jnp.zeros((2 * D_HID, 2 * D_OUT), jnp.float32)
    w2blk = w2blk.at[:D_HID, :D_OUT].set(W2)
    w2blk = w2blk.at[D_HID:, D_OUT:].set(W2)

    h2p = _tc_call(_tc2_body, 5,
                   jax.ShapeDtypeStruct((N // 2, 2 * D_OUT), jnp.float32))(
        p1.reshape(NC, N // 2, 2 * D_HID), h1p, d64, w2blk,
        jnp.concatenate([b1, b1]).reshape(1, 2 * D_HID))

    p2 = _sc_spmm40(h2p.reshape(N, D_OUT), edges4, z40)

    PB = 1000
    out = pl.pallas_call(
        _tc3_body,
        grid=(N // 2 // PB,),
        out_shape=jax.ShapeDtypeStruct((N, D_OUT), jnp.float32),
        in_specs=[
            pl.BlockSpec((NC, PB, 2 * D_OUT), lambda i: (0, i, 0)),
            pl.BlockSpec((PB, 2 * D_OUT), lambda i: (i, 0)),
            pl.BlockSpec((PB, 2 * D_OUT), lambda i: (i, 0)),
            pl.BlockSpec((1, 2 * D_OUT), lambda i: (0, 0)),
        ],
        out_specs=pl.BlockSpec((2 * PB, D_OUT), lambda i: (i, 0)),
    )(p2.reshape(NC, N // 2, 2 * D_OUT), h2p, d40,
      jnp.concatenate([b2, b2]).reshape(1, 2 * D_OUT))
    return out

# --- scband reference (transcript-rebuilt; emitter-appended) ---
"""Pipeline reference for scband-gcn-16922171146360 (READ-ONLY COPY).

The authoritative reference and input builder live on the scoring server;
editing this copy changes nothing except your own understanding.
"""

import jax, jax.numpy as jnp
import numpy as np

N_NODES = 10000
N_EDGES = 320000
D_IN = 128
D_HID = 64
D_OUT = 40


def setup_inputs(seed: int = 0) -> dict:
    key = jax.random.key(seed)
    k1, k2, k3, k4, k5, k6 = jax.random.split(key, 6)
    x = jax.random.normal(k1, (N_NODES, D_IN), dtype=jnp.float32)
    edge_index = jax.random.randint(k2, (2, N_EDGES), 0, N_NODES, dtype=jnp.int64)
    # Glorot-initialized weights like PyG GCNConv, zero bias
    s1 = (6.0 / (D_IN + D_HID)) ** 0.5
    W1 = jax.random.uniform(k3, (D_IN, D_HID), dtype=jnp.float32, minval=-s1, maxval=s1)
    b1 = jnp.zeros((D_HID,), dtype=jnp.float32)
    s2 = (6.0 / (D_HID + D_OUT)) ** 0.5
    W2 = jax.random.uniform(k4, (D_HID, D_OUT), dtype=jnp.float32, minval=-s2, maxval=s2)
    b2 = jnp.zeros((D_OUT,), dtype=jnp.float32)
    return {"x": x, "edge_index": edge_index, "W1": W1, "b1": b1, "W2": W2, "b2": b2}


def _gcn_conv(x, edge_index, W, b):
    # Faithful PyG GCNConv: add self-loops, symmetric normalization, linear, scatter-add aggregate, bias
    N = x.shape[0]
    loop = jnp.arange(N, dtype=edge_index.dtype)
    row = jnp.concatenate([edge_index[0], loop])  # source
    col = jnp.concatenate([edge_index[1], loop])  # target (aggregation)
    deg = jax.ops.segment_sum(jnp.ones_like(col, dtype=x.dtype), col, num_segments=N)
    deg_inv_sqrt = jnp.where(deg > 0, deg ** -0.5, 0.0)
    norm = deg_inv_sqrt[row] * deg_inv_sqrt[col]
    h = x @ W
    msg = jnp.take(h, row, axis=0) * norm[:, None]
    out = jax.ops.segment_sum(msg, col, num_segments=N)
    return out + b


def reference(x, edge_index, W1, b1, W2, b2):
    h = _gcn_conv(x, edge_index, W1, b1)
    h = jax.nn.relu(h)
    # dropout is identity in eval mode
    h = _gcn_conv(h, edge_index, W2, b2)
    return jax.nn.log_softmax(h, axis=1)

if __name__ == "__main__":
    import jax
    _d = setup_inputs()
    print(jax.jit(kernel)(*tuple(_d.values())))

</pallas_src>

<mosaic_0001>
#map = affine_map<(d0, d1) -> (0, 0)>
#map1 = affine_map<(d0, d1) -> (0, 0, 0, 0)>
#map2 = affine_map<(d0, d1) -> (0, 0, 0)>
module attributes {stable_mosaic.version = 14 : i64} {
  func.func @_sc_spmm_body(%arg0: i32, %arg1: i32, %arg2: memref<10000x40xf32, #tpu.memory_space<hbm>>, %arg3: memref<2x32x125x80xi32, #tpu.memory_space<hbm>>, %arg4: memref<640x40xf32, #tpu.memory_space<hbm>>, %arg5: memref<2x10000x40xf32, #tpu.memory_space<hbm>>, %arg6: memref<125x80xi32, #tpu.memory_space<vmem>>, %arg7: memref<125x80xi32, #tpu.memory_space<vmem>>, %arg8: memref<5x80x40xf32, #tpu.memory_space<vmem>>, %arg9: memref<10000x40xf32, #tpu.memory_space<vmem_shared>>, %arg10: memref<5x!tpu.dma_semaphore, #tpu.memory_space<semaphore_mem>>) attributes {dimension_semantics = [#tpu.dimension_semantics<core_parallel>, #tpu.dimension_semantics<subcore_parallel>], iteration_bounds = array<i64: 2, 16>, scalar_prefetch = 0 : i64, scratch_operands = 5 : i64, tpu.core_type = #tpu.core_type<sc_vector_subcore>, window_params = [{transform_indices = #map}, {transform_indices = #map1}, {transform_indices = #map}, {transform_indices = #map2}]} {
    %mul3A = arith.constant 2 : i32
    %mul3A_0 = arith.muli %arg1, %mul3A : i32
    %add3A = arith.addi %mul3A_0, %arg0 : i32
    %run_scoped3A = arith.constant 0 : i32
    "tpu.region"() ({
      %run_scoped3A_99 = tpu.sem_alloc : memref<!tpu.dma_semaphore, #tpu.memory_space<semaphore_mem>>
      %dma_start3A_100 = arith.constant 0 : i32
      %dma_start3A_101 = arith.constant 0 : i32
      %dma_start3A_102 = arith.constant 0 : i32
      %dma_start3A_103 = tpu.memref_slice %arg3[%run_scoped3A, %dma_start3A_100, %dma_start3A_101, %dma_start3A_102] : memref<2x32x125x80xi32, #tpu.memory_space<hbm>> -> memref<1x32x125x80xi32, #tpu.memory_space<hbm>>
      %dma_start3A_104 = tpu.memref_squeeze %dma_start3A_103 : memref<1x32x125x80xi32, #tpu.memory_space<hbm>> -> memref<32x125x80xi32, #tpu.memory_space<hbm>>
      %dma_start3A_105 = arith.constant 0 : i32
      %dma_start3A_106 = arith.constant 0 : i32
      %dma_start3A_107 = tpu.memref_slice %dma_start3A_104[%add3A, %dma_start3A_105, %dma_start3A_106] : memref<32x125x80xi32, #tpu.memory_space<hbm>> -> memref<1x125x80xi32, #tpu.memory_space<hbm>>
      %dma_start3A_108 = tpu.memref_squeeze %dma_start3A_107 : memref<1x125x80xi32, #tpu.memory_space<hbm>> -> memref<125x80xi32, #tpu.memory_space<hbm>>
      %dma_start3A_109 = arith.constant 0 : i32
      %dma_start3A_110 = arith.constant 0 : i32
      %dma_start3A_111 = arith.constant 0 : i32
      %dma_start3A_112 = tpu.memref_slice %arg3[%run_scoped3A, %dma_start3A_109, %dma_start3A_110, %dma_start3A_111] : memref<2x32x125x80xi32, #tpu.memory_space<hbm>> -> memref<1x32x125x80xi32, #tpu.memory_space<hbm>>
      %dma_start3A_113 = tpu.memref_squeeze %dma_start3A_112 : memref<1x32x125x80xi32, #tpu.memory_space<hbm>> -> memref<32x125x80xi32, #tpu.memory_space<hbm>>
      %dma_start3A_114 = arith.constant 0 : i32
      %dma_start3A_115 = arith.constant 0 : i32
      %dma_start3A_116 = tpu.memref_slice %dma_start3A_113[%add3A, %dma_start3A_114, %dma_start3A_115] : memref<32x125x80xi32, #tpu.memory_space<hbm>> -> memref<1x125x80xi32, #tpu.memory_space<hbm>>
      %dma_start3A_117 = tpu.memref_squeeze %dma_start3A_116 : memref<1x125x80xi32, #tpu.memory_space<hbm>> -> memref<125x80xi32, #tpu.memory_space<hbm>>
      tpu.enqueue_dma source(%dma_start3A_117 : memref<125x80xi32, #tpu.memory_space<hbm>>) target(%arg6 : memref<125x80xi32, #tpu.memory_space<vmem>>) target_semaphore(%run_scoped3A_99 : memref<!tpu.dma_semaphore, #tpu.memory_space<semaphore_mem>>)
      %dma_wait3A = arith.constant 0 : i32
      %dma_wait3A_118 = arith.constant 0 : i32
      %dma_wait3A_119 = arith.constant 0 : i32
      %dma_wait3A_120 = tpu.memref_slice %arg3[%run_scoped3A, %dma_wait3A, %dma_wait3A_118, %dma_wait3A_119] : memref<2x32x125x80xi32, #tpu.memory_space<hbm>> -> memref<1x32x125x80xi32, #tpu.memory_space<hbm>>
      %dma_wait3A_121 = tpu.memref_squeeze %dma_wait3A_120 : memref<1x32x125x80xi32, #tpu.memory_space<hbm>> -> memref<32x125x80xi32, #tpu.memory_space<hbm>>
      %dma_wait3A_122 = arith.constant 0 : i32
      %dma_wait3A_123 = arith.constant 0 : i32
      %dma_wait3A_124 = tpu.memref_slice %dma_wait3A_121[%add3A, %dma_wait3A_122, %dma_wait3A_123] : memref<32x125x80xi32, #tpu.memory_space<hbm>> -> memref<1x125x80xi32, #tpu.memory_space<hbm>>
      %dma_wait3A_125 = tpu.memref_squeeze %dma_wait3A_124 : memref<1x125x80xi32, #tpu.memory_space<hbm>> -> memref<125x80xi32, #tpu.memory_space<hbm>>
      %dma_wait3A_126 = arith.constant 0 : i32
      %dma_wait3A_127 = arith.constant 0 : i32
      %dma_wait3A_128 = arith.constant 0 : i32
      %dma_wait3A_129 = tpu.memref_slice %arg3[%run_scoped3A, %dma_wait3A_126, %dma_wait3A_127, %dma_wait3A_128] : memref<2x32x125x80xi32, #tpu.memory_space<hbm>> -> memref<1x32x125x80xi32, #tpu.memory_space<hbm>>
      %dma_wait3A_130 = tpu.memref_squeeze %dma_wait3A_129 : memref<1x32x125x80xi32, #tpu.memory_space<hbm>> -> memref<32x125x80xi32, #tpu.memory_space<hbm>>
      %dma_wait3A_131 = arith.constant 0 : i32
      %dma_wait3A_132 = arith.constant 0 : i32
      %dma_wait3A_133 = tpu.memref_slice %dma_wait3A_130[%add3A, %dma_wait3A_131, %dma_wait3A_132] : memref<32x125x80xi32, #tpu.memory_space<hbm>> -> memref<1x125x80xi32, #tpu.memory_space<hbm>>
      %dma_wait3A_134 = tpu.memref_squeeze %dma_wait3A_133 : memref<1x125x80xi32, #tpu.memory_space<hbm>> -> memref<125x80xi32, #tpu.memory_space<hbm>>
      tpu.wait_dma2 semaphore(%run_scoped3A_99 : memref<!tpu.dma_semaphore, #tpu.memory_space<semaphore_mem>>) src(%dma_wait3A_134 : memref<125x80xi32, #tpu.memory_space<hbm>>) dst(%arg6 : memref<125x80xi32, #tpu.memory_space<vmem>>)
      tpu.yield
    }) : () -> ()
    %run_scoped3A_1 = arith.constant 1 : i32
    "tpu.region"() ({
      %run_scoped3A_99 = tpu.sem_alloc : memref<!tpu.dma_semaphore, #tpu.memory_space<semaphore_mem>>
      %dma_start3A_100 = arith.constant 0 : i32
      %dma_start3A_101 = arith.constant 0 : i32
      %dma_start3A_102 = arith.constant 0 : i32
      %dma_start3A_103 = tpu.memref_slice %arg3[%run_scoped3A_1, %dma_start3A_100, %dma_start3A_101, %dma_start3A_102] : memref<2x32x125x80xi32, #tpu.memory_space<hbm>> -> memref<1x32x125x80xi32, #tpu.memory_space<hbm>>
      %dma_start3A_104 = tpu.memref_squeeze %dma_start3A_103 : memref<1x32x125x80xi32, #tpu.memory_space<hbm>> -> memref<32x125x80xi32, #tpu.memory_space<hbm>>
      %dma_start3A_105 = arith.constant 0 : i32
      %dma_start3A_106 = arith.constant 0 : i32
      %dma_start3A_107 = tpu.memref_slice %dma_start3A_104[%add3A, %dma_start3A_105, %dma_start3A_106] : memref<32x125x80xi32, #tpu.memory_space<hbm>> -> memref<1x125x80xi32, #tpu.memory_space<hbm>>
      %dma_start3A_108 = tpu.memref_squeeze %dma_start3A_107 : memref<1x125x80xi32, #tpu.memory_space<hbm>> -> memref<125x80xi32, #tpu.memory_space<hbm>>
      %dma_start3A_109 = arith.constant 0 : i32
      %dma_start3A_110 = arith.constant 0 : i32
      %dma_start3A_111 = arith.constant 0 : i32
      %dma_start3A_112 = tpu.memref_slice %arg3[%run_scoped3A_1, %dma_start3A_109, %dma_start3A_110, %dma_start3A_111] : memref<2x32x125x80xi32, #tpu.memory_space<hbm>> -> memref<1x32x125x80xi32, #tpu.memory_space<hbm>>
      %dma_start3A_113 = tpu.memref_squeeze %dma_start3A_112 : memref<1x32x125x80xi32, #tpu.memory_space<hbm>> -> memref<32x125x80xi32, #tpu.memory_space<hbm>>
      %dma_start3A_114 = arith.constant 0 : i32
      %dma_start3A_115 = arith.constant 0 : i32
      %dma_start3A_116 = tpu.memref_slice %dma_start3A_113[%add3A, %dma_start3A_114, %dma_start3A_115] : memref<32x125x80xi32, #tpu.memory_space<hbm>> -> memref<1x125x80xi32, #tpu.memory_space<hbm>>
      %dma_start3A_117 = tpu.memref_squeeze %dma_start3A_116 : memref<1x125x80xi32, #tpu.memory_space<hbm>> -> memref<125x80xi32, #tpu.memory_space<hbm>>
      tpu.enqueue_dma source(%dma_start3A_117 : memref<125x80xi32, #tpu.memory_space<hbm>>) target(%arg7 : memref<125x80xi32, #tpu.memory_space<vmem>>) target_semaphore(%run_scoped3A_99 : memref<!tpu.dma_semaphore, #tpu.memory_space<semaphore_mem>>)
      %dma_wait3A = arith.constant 0 : i32
      %dma_wait3A_118 = arith.constant 0 : i32
      %dma_wait3A_119 = arith.constant 0 : i32
      %dma_wait3A_120 = tpu.memref_slice %arg3[%run_scoped3A_1, %dma_wait3A, %dma_wait3A_118, %dma_wait3A_119] : memref<2x32x125x80xi32, #tpu.memory_space<hbm>> -> memref<1x32x125x80xi32, #tpu.memory_space<hbm>>
      %dma_wait3A_121 = tpu.memref_squeeze %dma_wait3A_120 : memref<1x32x125x80xi32, #tpu.memory_space<hbm>> -> memref<32x125x80xi32, #tpu.memory_space<hbm>>
      %dma_wait3A_122 = arith.constant 0 : i32
      %dma_wait3A_123 = arith.constant 0 : i32
      %dma_wait3A_124 = tpu.memref_slice %dma_wait3A_121[%add3A, %dma_wait3A_122, %dma_wait3A_123] : memref<32x125x80xi32, #tpu.memory_space<hbm>> -> memref<1x125x80xi32, #tpu.memory_space<hbm>>
      %dma_wait3A_125 = tpu.memref_squeeze %dma_wait3A_124 : memref<1x125x80xi32, #tpu.memory_space<hbm>> -> memref<125x80xi32, #tpu.memory_space<hbm>>
      %dma_wait3A_126 = arith.constant 0 : i32
      %dma_wait3A_127 = arith.constant 0 : i32
      %dma_wait3A_128 = arith.constant 0 : i32
      %dma_wait3A_129 = tpu.memref_slice %arg3[%run_scoped3A_1, %dma_wait3A_126, %dma_wait3A_127, %dma_wait3A_128] : memref<2x32x125x80xi32, #tpu.memory_space<hbm>> -> memref<1x32x125x80xi32, #tpu.memory_space<hbm>>
      %dma_wait3A_130 = tpu.memref_squeeze %dma_wait3A_129 : memref<1x32x125x80xi32, #tpu.memory_space<hbm>> -> memref<32x125x80xi32, #tpu.memory_space<hbm>>
      %dma_wait3A_131 = arith.constant 0 : i32
      %dma_wait3A_132 = arith.constant 0 : i32
      %dma_wait3A_133 = tpu.memref_slice %dma_wait3A_130[%add3A, %dma_wait3A_131, %dma_wait3A_132] : memref<32x125x80xi32, #tpu.memory_space<hbm>> -> memref<1x125x80xi32, #tpu.memory_space<hbm>>
      %dma_wait3A_134 = tpu.memref_squeeze %dma_wait3A_133 : memref<1x125x80xi32, #tpu.memory_space<hbm>> -> memref<125x80xi32, #tpu.memory_space<hbm>>
      tpu.wait_dma2 semaphore(%run_scoped3A_99 : memref<!tpu.dma_semaphore, #tpu.memory_space<semaphore_mem>>) src(%dma_wait3A_134 : memref<125x80xi32, #tpu.memory_space<hbm>>) dst(%arg7 : memref<125x80xi32, #tpu.memory_space<vmem>>)
      tpu.yield
    }) : () -> ()
    %dma_start3A = arith.constant 0 : i32
    %dma_start3A_2 = arith.constant 0 : i32
    %dma_start3A_3 = arith.constant 0 : i32
    %dma_start3A_4 = arith.constant 0 : i32
    %dma_start3A_5 = arith.constant 0 : i32
    %dma_start3A_6 = tpu.memref_slice %arg8[%dma_start3A_2, %dma_start3A_4, %dma_start3A_5] : memref<5x80x40xf32, #tpu.memory_space<vmem>> -> memref<1x80x40xf32, #tpu.memory_space<vmem>>
    %dma_start3A_7 = tpu.memref_squeeze %dma_start3A_6 : memref<1x80x40xf32, #tpu.memory_space<vmem>> -> memref<80x40xf32, #tpu.memory_space<vmem>>
    %dma_start3A_8 = arith.constant 0 : i32
    %dma_start3A_9 = tpu.memref_slice %arg6[%dma_start3A, %dma_start3A_8] : memref<125x80xi32, #tpu.memory_space<vmem>> -> memref<1x80xi32, #tpu.memory_space<vmem>>
    %dma_start3A_10 = tpu.memref_squeeze %dma_start3A_9 : memref<1x80xi32, #tpu.memory_space<vmem>> -> memref<80xi32, #tpu.memory_space<vmem>>
    %dma_start3A_11 = arith.constant 0 : i32
    %dma_start3A_12 = arith.constant 0 : i32
    %dma_start3A_13 = tpu.memref_slice %arg2[%dma_start3A_11, %dma_start3A_12] : memref<10000x40xf32, #tpu.memory_space<hbm>> -> memref<10000x40xf32, #tpu.memory_space<hbm>>
    %dma_start3A_14 = tpu.memref_slice %arg10[%dma_start3A_3] : memref<5x!tpu.dma_semaphore, #tpu.memory_space<semaphore_mem>> -> memref<1x!tpu.dma_semaphore, #tpu.memory_space<semaphore_mem>>
    %dma_start3A_15 = tpu.memref_squeeze %dma_start3A_14 : memref<1x!tpu.dma_semaphore, #tpu.memory_space<semaphore_mem>> -> memref<!tpu.dma_semaphore, #tpu.memory_space<semaphore_mem>>
    tpu.enqueue_indirect_dma source(%dma_start3A_13 : memref<10000x40xf32, #tpu.memory_space<hbm>>) target(%dma_start3A_7 : memref<80x40xf32, #tpu.memory_space<vmem>>) offsets(%dma_start3A_10 : memref<80xi32, #tpu.memory_space<vmem>>) semaphore(%dma_start3A_15 : memref<!tpu.dma_semaphore, #tpu.memory_space<semaphore_mem>>)
    %dma_start3A_16 = arith.constant 1 : i32
    %dma_start3A_17 = arith.constant 1 : i32
    %dma_start3A_18 = arith.constant 1 : i32
    %dma_start3A_19 = arith.constant 0 : i32
    %dma_start3A_20 = arith.constant 0 : i32
    %dma_start3A_21 = tpu.memref_slice %arg8[%dma_start3A_17, %dma_start3A_19, %dma_start3A_20] : memref<5x80x40xf32, #tpu.memory_space<vmem>> -> memref<1x80x40xf32, #tpu.memory_space<vmem>>
    %dma_start3A_22 = tpu.memref_squeeze %dma_start3A_21 : memref<1x80x40xf32, #tpu.memory_space<vmem>> -> memref<80x40xf32, #tpu.memory_space<vmem>>
    %dma_start3A_23 = arith.constant 0 : i32
    %dma_start3A_24 = tpu.memref_slice %arg6[%dma_start3A_16, %dma_start3A_23] : memref<125x80xi32, #tpu.memory_space<vmem>> -> memref<1x80xi32, #tpu.memory_space<vmem>>
    %dma_start3A_25 = tpu.memref_squeeze %dma_start3A_24 : memref<1x80xi32, #tpu.memory_space<vmem>> -> memref<80xi32, #tpu.memory_space<vmem>>
    %dma_start3A_26 = arith.constant 0 : i32
    %dma_start3A_27 = arith.constant 0 : i32
    %dma_start3A_28 = tpu.memref_slice %arg2[%dma_start3A_26, %dma_start3A_27] : memref<10000x40xf32, #tpu.memory_space<hbm>> -> memref<10000x40xf32, #tpu.memory_space<hbm>>
    %dma_start3A_29 = tpu.memref_slice %arg10[%dma_start3A_18] : memref<5x!tpu.dma_semaphore, #tpu.memory_space<semaphore_mem>> -> memref<1x!tpu.dma_semaphore, #tpu.memory_space<semaphore_mem>>
    %dma_start3A_30 = tpu.memref_squeeze %dma_start3A_29 : memref<1x!tpu.dma_semaphore, #tpu.memory_space<semaphore_mem>> -> memref<!tpu.dma_semaphore, #tpu.memory_space<semaphore_mem>>
    tpu.enqueue_indirect_dma source(%dma_start3A_28 : memref<10000x40xf32, #tpu.memory_space<hbm>>) target(%dma_start3A_22 : memref<80x40xf32, #tpu.memory_space<vmem>>) offsets(%dma_start3A_25 : memref<80xi32, #tpu.memory_space<vmem>>) semaphore(%dma_start3A_30 : memref<!tpu.dma_semaphore, #tpu.memory_space<semaphore_mem>>)
    %dma_start3A_31 = arith.constant 2 : i32
    %dma_start3A_32 = arith.constant 2 : i32
    %dma_start3A_33 = arith.constant 2 : i32
    %dma_start3A_34 = arith.constant 0 : i32
    %dma_start3A_35 = arith.constant 0 : i32
    %dma_start3A_36 = tpu.memref_slice %arg8[%dma_start3A_32, %dma_start3A_34, %dma_start3A_35] : memref<5x80x40xf32, #tpu.memory_space<vmem>> -> memref<1x80x40xf32, #tpu.memory_space<vmem>>
    %dma_start3A_37 = tpu.memref_squeeze %dma_start3A_36 : memref<1x80x40xf32, #tpu.memory_space<vmem>> -> memref<80x40xf32, #tpu.memory_space<vmem>>
    %dma_start3A_38 = arith.constant 0 : i32
    %dma_start3A_39 = tpu.memref_slice %arg6[%dma_start3A_31, %dma_start3A_38] : memref<125x80xi32, #tpu.memory_space<vmem>> -> memref<1x80xi32, #tpu.memory_space<vmem>>
    %dma_start3A_40 = tpu.memref_squeeze %dma_start3A_39 : memref<1x80xi32, #tpu.memory_space<vmem>> -> memref<80xi32, #tpu.memory_space<vmem>>
    %dma_start3A_41 = arith.constant 0 : i32
    %dma_start3A_42 = arith.constant 0 : i32
    %dma_start3A_43 = tpu.memref_slice %arg2[%dma_start3A_41, %dma_start3A_42] : memref<10000x40xf32, #tpu.memory_space<hbm>> -> memref<10000x40xf32, #tpu.memory_space<hbm>>
    %dma_start3A_44 = tpu.memref_slice %arg10[%dma_start3A_33] : memref<5x!tpu.dma_semaphore, #tpu.memory_space<semaphore_mem>> -> memref<1x!tpu.dma_semaphore, #tpu.memory_space<semaphore_mem>>
    %dma_start3A_45 = tpu.memref_squeeze %dma_start3A_44 : memref<1x!tpu.dma_semaphore, #tpu.memory_space<semaphore_mem>> -> memref<!tpu.dma_semaphore, #tpu.memory_space<semaphore_mem>>
    tpu.enqueue_indirect_dma source(%dma_start3A_43 : memref<10000x40xf32, #tpu.memory_space<hbm>>) target(%dma_start3A_37 : memref<80x40xf32, #tpu.memory_space<vmem>>) offsets(%dma_start3A_40 : memref<80xi32, #tpu.memory_space<vmem>>) semaphore(%dma_start3A_45 : memref<!tpu.dma_semaphore, #tpu.memory_space<semaphore_mem>>)
    %dma_start3A_46 = arith.constant 3 : i32
    %dma_start3A_47 = arith.constant 3 : i32
    %dma_start3A_48 = arith.constant 3 : i32
    %dma_start3A_49 = arith.constant 0 : i32
    %dma_start3A_50 = arith.constant 0 : i32
    %dma_start3A_51 = tpu.memref_slice %arg8[%dma_start3A_47, %dma_start3A_49, %dma_start3A_50] : memref<5x80x40xf32, #tpu.memory_space<vmem>> -> memref<1x80x40xf32, #tpu.memory_space<vmem>>
    %dma_start3A_52 = tpu.memref_squeeze %dma_start3A_51 : memref<1x80x40xf32, #tpu.memory_space<vmem>> -> memref<80x40xf32, #tpu.memory_space<vmem>>
    %dma_start3A_53 = arith.constant 0 : i32
    %dma_start3A_54 = tpu.memref_slice %arg6[%dma_start3A_46, %dma_start3A_53] : memref<125x80xi32, #tpu.memory_space<vmem>> -> memref<1x80xi32, #tpu.memory_space<vmem>>
    %dma_start3A_55 = tpu.memref_squeeze %dma_start3A_54 : memref<1x80xi32, #tpu.memory_space<vmem>> -> memref<80xi32, #tpu.memory_space<vmem>>
    %dma_start3A_56 = arith.constant 0 : i32
    %dma_start3A_57 = arith.constant 0 : i32
    %dma_start3A_58 = tpu.memref_slice %arg2[%dma_start3A_56, %dma_start3A_57] : memref<10000x40xf32, #tpu.memory_space<hbm>> -> memref<10000x40xf32, #tpu.memory_space<hbm>>
    %dma_start3A_59 = tpu.memref_slice %arg10[%dma_start3A_48] : memref<5x!tpu.dma_semaphore, #tpu.memory_space<semaphore_mem>> -> memref<1x!tpu.dma_semaphore, #tpu.memory_space<semaphore_mem>>
    %dma_start3A_60 = tpu.memref_squeeze %dma_start3A_59 : memref<1x!tpu.dma_semaphore, #tpu.memory_space<semaphore_mem>> -> memref<!tpu.dma_semaphore, #tpu.memory_space<semaphore_mem>>
    tpu.enqueue_indirect_dma source(%dma_start3A_58 : memref<10000x40xf32, #tpu.memory_space<hbm>>) target(%dma_start3A_52 : memref<80x40xf32, #tpu.memory_space<vmem>>) offsets(%dma_start3A_55 : memref<80xi32, #tpu.memory_space<vmem>>) semaphore(%dma_start3A_60 : memref<!tpu.dma_semaphore, #tpu.memory_space<semaphore_mem>>)
    %dma_start3A_61 = arith.constant 4 : i32
    %dma_start3A_62 = arith.constant 4 : i32
    %dma_start3A_63 = arith.constant 4 : i32
    %dma_start3A_64 = arith.constant 0 : i32
    %dma_start3A_65 = arith.constant 0 : i32
    %dma_start3A_66 = tpu.memref_slice %arg8[%dma_start3A_62, %dma_start3A_64, %dma_start3A_65] : memref<5x80x40xf32, #tpu.memory_space<vmem>> -> memref<1x80x40xf32, #tpu.memory_space<vmem>>
    %dma_start3A_67 = tpu.memref_squeeze %dma_start3A_66 : memref<1x80x40xf32, #tpu.memory_space<vmem>> -> memref<80x40xf32, #tpu.memory_space<vmem>>
    %dma_start3A_68 = arith.constant 0 : i32
    %dma_start3A_69 = tpu.memref_slice %arg6[%dma_start3A_61, %dma_start3A_68] : memref<125x80xi32, #tpu.memory_space<vmem>> -> memref<1x80xi32, #tpu.memory_space<vmem>>
    %dma_start3A_70 = tpu.memref_squeeze %dma_start3A_69 : memref<1x80xi32, #tpu.memory_space<vmem>> -> memref<80xi32, #tpu.memory_space<vmem>>
    %dma_start3A_71 = arith.constant 0 : i32
    %dma_start3A_72 = arith.constant 0 : i32
    %dma_start3A_73 = tpu.memref_slice %arg2[%dma_start3A_71, %dma_start3A_72] : memref<10000x40xf32, #tpu.memory_space<hbm>> -> memref<10000x40xf32, #tpu.memory_space<hbm>>
    %dma_start3A_74 = tpu.memref_slice %arg10[%dma_start3A_63] : memref<5x!tpu.dma_semaphore, #tpu.memory_space<semaphore_mem>> -> memref<1x!tpu.dma_semaphore, #tpu.memory_space<semaphore_mem>>
    %dma_start3A_75 = tpu.memref_squeeze %dma_start3A_74 : memref<1x!tpu.dma_semaphore, #tpu.memory_space<semaphore_mem>> -> memref<!tpu.dma_semaphore, #tpu.memory_space<semaphore_mem>>
    tpu.enqueue_indirect_dma source(%dma_start3A_73 : memref<10000x40xf32, #tpu.memory_space<hbm>>) target(%dma_start3A_67 : memref<80x40xf32, #tpu.memory_space<vmem>>) offsets(%dma_start3A_70 : memref<80xi32, #tpu.memory_space<vmem>>) semaphore(%dma_start3A_75 : memref<!tpu.dma_semaphore, #tpu.memory_space<semaphore_mem>>)
    %lt3A = arith.constant 15 : i32
    %lt3A_76 = arith.cmpi slt, %arg1, %lt3A : i32
    %convert_element_type3A = arith.extui %lt3A_76 : i1 to i32
    %cond3A = arith.constant 0 : i32
    %cond3A_77 = arith.cmpi ne, %convert_element_type3A, %cond3A : i32
    scf.if %cond3A_77 {
      %mul3A_99 = arith.constant 624 : i32
      %mul3A_100 = arith.muli %arg1, %mul3A_99 : i32
      "tpu.region"() ({
        %run_scoped3A_101 = tpu.sem_alloc : memref<!tpu.dma_semaphore, #tpu.memory_space<semaphore_mem>>
        %dma_start3A_102 = arith.constant 0 : i32
        %dma_start3A_103 = tpu.memref_slice %arg9[%mul3A_100, %dma_start3A_102] : memref<10000x40xf32, #tpu.memory_space<vmem_shared>> -> memref<624x40xf32, #tpu.memory_space<vmem_shared>>
        %dma_start3A_104 = arith.constant 0 : i32
        %dma_start3A_105 = arith.constant 0 : i32
        %dma_start3A_106 = tpu.memref_slice %arg4[%dma_start3A_104, %dma_start3A_105] : memref<640x40xf32, #tpu.memory_space<hbm>> -> memref<624x40xf32, #tpu.memory_space<hbm>>
        tpu.enqueue_dma source(%dma_start3A_106 : memref<624x40xf32, #tpu.memory_space<hbm>>) target(%dma_start3A_103 : memref<624x40xf32, #tpu.memory_space<vmem_shared>>) target_semaphore(%run_scoped3A_101 : memref<!tpu.dma_semaphore, #tpu.memory_space<semaphore_mem>>)
        %dma_wait3A = arith.constant 0 : i32
        %dma_wait3A_107 = tpu.memref_slice %arg9[%mul3A_100, %dma_wait3A] : memref<10000x40xf32, #tpu.memory_space<vmem_shared>> -> memref<624x40xf32, #tpu.memory_space<vmem_shared>>
        %dma_wait3A_108 = arith.constant 0 : i32
        %dma_wait3A_109 = arith.constant 0 : i32
        %dma_wait3A_110 = tpu.memref_slice %arg4[%dma_wait3A_108, %dma_wait3A_109] : memref<640x40xf32, #tpu.memory_space<hbm>> -> memref<624x40xf32, #tpu.memory_space<hbm>>
        tpu.wait_dma2 semaphore(%run_scoped3A_101 : memref<!tpu.dma_semaphore, #tpu.memory_space<semaphore_mem>>) src(%dma_wait3A_110 : memref<624x40xf32, #tpu.memory_space<hbm>>) dst(%dma_wait3A_107 : memref<624x40xf32, #tpu.memory_space<vmem_shared>>)
        tpu.yield
      }) : () -> ()
    } else {
    }
    %eq3A = arith.constant 15 : i32
    %eq3A_78 = arith.cmpi eq, %arg1, %eq3A : i32
    %convert_element_type3A_79 = arith.extui %eq3A_78 : i1 to i32
    %cond3A_80 = arith.constant 0 : i32
    %cond3A_81 = arith.cmpi ne, %convert_element_type3A_79, %cond3A_80 : i32
    scf.if %cond3A_81 {
      "tpu.region"() ({
        %run_scoped3A_99 = tpu.sem_alloc : memref<!tpu.dma_semaphore, #tpu.memory_space<semaphore_mem>>
        %dma_start3A_100 = arith.constant 9360 : i32
        %dma_start3A_101 = arith.constant 0 : i32
        %dma_start3A_102 = tpu.memref_slice %arg9[%dma_start3A_100, %dma_start3A_101] : memref<10000x40xf32, #tpu.memory_space<vmem_shared>> -> memref<640x40xf32, #tpu.memory_space<vmem_shared>>
        tpu.enqueue_dma source(%arg4 : memref<640x40xf32, #tpu.memory_space<hbm>>) target(%dma_start3A_102 : memref<640x40xf32, #tpu.memory_space<vmem_shared>>) target_semaphore(%run_scoped3A_99 : memref<!tpu.dma_semaphore, #tpu.memory_space<semaphore_mem>>)
        %dma_wait3A = arith.constant 9360 : i32
        %dma_wait3A_103 = arith.constant 0 : i32
        %dma_wait3A_104 = tpu.memref_slice %arg9[%dma_wait3A, %dma_wait3A_103] : memref<10000x40xf32, #tpu.memory_space<vmem_shared>> -> memref<640x40xf32, #tpu.memory_space<vmem_shared>>
        tpu.wait_dma2 semaphore(%run_scoped3A_99 : memref<!tpu.dma_semaphore, #tpu.memory_space<semaphore_mem>>) src(%arg4 : memref<640x40xf32, #tpu.memory_space<hbm>>) dst(%dma_wait3A_104 : memref<640x40xf32, #tpu.memory_space<vmem_shared>>)
        tpu.yield
      }) : () -> ()
    } else {
    }
    %barrier3A = arith.constant 0 : index
    tpu.barrier barrier_id(%barrier3A)
    %scan3A = arith.constant 0 : i32
    %scan3A_82 = arith.constant 0 : i32
    %scan3A_83 = arith.constant 25 : i32
    %scan3A_84 = arith.addi %scan3A_82, %scan3A_83 : i32
    %scan3A_85 = arith.constant 1 : i32
    %scan3A_86 = scf.for %scan3A_99 = %scan3A_82 to %scan3A_84 step %scan3A_85 iter_args(%scan3A_100 = %scan3A) -> (i32)  : i32 {
      %mul3A_101 = arith.constant 5 : i32
      %mul3A_102 = arith.muli %scan3A_99, %mul3A_101 : i32
      %add3A_103 = arith.constant 0 : i32
      %add3A_104 = arith.addi %mul3A_102, %add3A_103 : i32
      %dma_wait3A = arith.constant 0 : i32
      %dma_wait3A_105 = arith.constant 0 : i32
      %dma_wait3A_106 = arith.constant 0 : i32
      %dma_wait3A_107 = arith.constant 0 : i32
      %dma_wait3A_108 = tpu.memref_slice %arg8[%dma_wait3A, %dma_wait3A_106, %dma_wait3A_107] : memref<5x80x40xf32, #tpu.memory_space<vmem>> -> memref<1x80x40xf32, #tpu.memory_space<vmem>>
      %dma_wait3A_109 = tpu.memref_squeeze %dma_wait3A_108 : memref<1x80x40xf32, #tpu.memory_space<vmem>> -> memref<80x40xf32, #tpu.memory_space<vmem>>
      %dma_wait3A_110 = arith.constant 0 : i32
      %dma_wait3A_111 = tpu.memref_slice %arg6[%add3A_104, %dma_wait3A_110] : memref<125x80xi32, #tpu.memory_space<vmem>> -> memref<1x80xi32, #tpu.memory_space<vmem>>
      %dma_wait3A_112 = tpu.memref_squeeze %dma_wait3A_111 : memref<1x80xi32, #tpu.memory_space<vmem>> -> memref<80xi32, #tpu.memory_space<vmem>>
      %dma_wait3A_113 = arith.constant 0 : i32
      %dma_wait3A_114 = arith.constant 0 : i32
      %dma_wait3A_115 = tpu.memref_slice %arg2[%dma_wait3A_113, %dma_wait3A_114] : memref<10000x40xf32, #tpu.memory_space<hbm>> -> memref<10000x40xf32, #tpu.memory_space<hbm>>
      %dma_wait3A_116 = tpu.memref_slice %arg10[%dma_wait3A_105] : memref<5x!tpu.dma_semaphore, #tpu.memory_space<semaphore_mem>> -> memref<1x!tpu.dma_semaphore, #tpu.memory_space<semaphore_mem>>
      %dma_wait3A_117 = tpu.memref_squeeze %dma_wait3A_116 : memref<1x!tpu.dma_semaphore, #tpu.memory_space<semaphore_mem>> -> memref<!tpu.dma_semaphore, #tpu.memory_space<semaphore_mem>>
      tpu.wait_indirect_dma semaphore(%dma_wait3A_117 : memref<!tpu.dma_semaphore, #tpu.memory_space<semaphore_mem>>) src(%dma_wait3A_115 : memref<10000x40xf32, #tpu.memory_space<hbm>>) dst(%dma_wait3A_109 : memref<80x40xf32, #tpu.memory_space<vmem>>)
      %run_scoped3A_118 = arith.constant 0 : i32
      "tpu.region"() ({
        %run_scoped3A_231 = tpu.sem_alloc : memref<!tpu.dma_semaphore, #tpu.memory_space<semaphore_mem>>
        %dma_start3A_232 = arith.constant 0 : i32
        %dma_start3A_233 = arith.constant 0 : i32
        %dma_start3A_234 = tpu.memref_slice %arg8[%run_scoped3A_118, %dma_start3A_232, %dma_start3A_233] : memref<5x80x40xf32, #tpu.memory_space<vmem>> -> memref<1x80x40xf32, #tpu.memory_space<vmem>>
        %dma_start3A_235 = tpu.memref_squeeze %dma_start3A_234 : memref<1x80x40xf32, #tpu.memory_space<vmem>> -> memref<80x40xf32, #tpu.memory_space<vmem>>
        %dma_start3A_236 = arith.constant 0 : i32
        %dma_start3A_237 = tpu.memref_slice %arg7[%add3A_104, %dma_start3A_236] : memref<125x80xi32, #tpu.memory_space<vmem>> -> memref<1x80xi32, #tpu.memory_space<vmem>>
        %dma_start3A_238 = tpu.memref_squeeze %dma_start3A_237 : memref<1x80xi32, #tpu.memory_space<vmem>> -> memref<80xi32, #tpu.memory_space<vmem>>
        %dma_start3A_239 = arith.constant 0 : i32
        %dma_start3A_240 = arith.constant 0 : i32
        %dma_start3A_241 = tpu.memref_slice %arg9[%dma_start3A_239, %dma_start3A_240] : memref<10000x40xf32, #tpu.memory_space<vmem_shared>> -> memref<10000x40xf32, #tpu.memory_space<vmem_shared>>
        tpu.enqueue_indirect_dma source(%dma_start3A_235 : memref<80x40xf32, #tpu.memory_space<vmem>>) target(%dma_start3A_241 : memref<10000x40xf32, #tpu.memory_space<vmem_shared>>) offsets(%dma_start3A_238 : memref<80xi32, #tpu.memory_space<vmem>>) semaphore(%run_scoped3A_231 : memref<!tpu.dma_semaphore, #tpu.memory_space<semaphore_mem>>) {add = true}
        %dma_wait3A_242 = arith.constant 0 : i32
        %dma_wait3A_243 = arith.constant 0 : i32
        %dma_wait3A_244 = tpu.memref_slice %arg8[%run_scoped3A_118, %dma_wait3A_242, %dma_wait3A_243] : memref<5x80x40xf32, #tpu.memory_space<vmem>> -> memref<1x80x40xf32, #tpu.memory_space<vmem>>
        %dma_wait3A_245 = tpu.memref_squeeze %dma_wait3A_244 : memref<1x80x40xf32, #tpu.memory_space<vmem>> -> memref<80x40xf32, #tpu.memory_space<vmem>>
        %dma_wait3A_246 = arith.constant 0 : i32
        %dma_wait3A_247 = tpu.memref_slice %arg7[%add3A_104, %dma_wait3A_246] : memref<125x80xi32, #tpu.memory_space<vmem>> -> memref<1x80xi32, #tpu.memory_space<vmem>>
        %dma_wait3A_248 = tpu.memref_squeeze %dma_wait3A_247 : memref<1x80xi32, #tpu.memory_space<vmem>> -> memref<80xi32, #tpu.memory_space<vmem>>
        %dma_wait3A_249 = arith.constant 0 : i32
        %dma_wait3A_250 = arith.constant 0 : i32
        %dma_wait3A_251 = tpu.memref_slice %arg9[%dma_wait3A_249, %dma_wait3A_250] : memref<10000x40xf32, #tpu.memory_space<vmem_shared>> -> memref<10000x40xf32, #tpu.memory_space<vmem_shared>>
        tpu.wait_indirect_dma semaphore(%run_scoped3A_231 : memref<!tpu.dma_semaphore, #tpu.memory_space<semaphore_mem>>) src(%dma_wait3A_245 : memref<80x40xf32, #tpu.memory_space<vmem>>) dst(%dma_wait3A_251 : memref<10000x40xf32, #tpu.memory_space<vmem_shared>>)
        tpu.yield
      }) : () -> ()
      %add3A_119 = arith.constant 5 : i32
      %add3A_120 = arith.addi %add3A_104, %add3A_119 : i32
      %lt3A_121 = arith.constant 125 : i32
      %lt3A_122 = arith.cmpi slt, %add3A_120, %lt3A_121 : i32
      %convert_element_type3A_123 = arith.extui %lt3A_122 : i1 to i32
      %cond3A_124 = arith.constant 0 : i32
      %cond3A_125 = arith.cmpi ne, %convert_element_type3A_123, %cond3A_124 : i32
      scf.if %cond3A_125 {
        %add3A_231 = arith.constant 5 : i32
        %add3A_232 = arith.addi %add3A_104, %add3A_231 : i32
        %dma_start3A_233 = arith.constant 0 : i32
        %dma_start3A_234 = arith.constant 0 : i32
        %dma_start3A_235 = arith.constant 0 : i32
        %dma_start3A_236 = arith.constant 0 : i32
        %dma_start3A_237 = tpu.memref_slice %arg8[%dma_start3A_233, %dma_start3A_235, %dma_start3A_236] : memref<5x80x40xf32, #tpu.memory_space<vmem>> -> memref<1x80x40xf32, #tpu.memory_space<vmem>>
        %dma_start3A_238 = tpu.memref_squeeze %dma_start3A_237 : memref<1x80x40xf32, #tpu.memory_space<vmem>> -> memref<80x40xf32, #tpu.memory_space<vmem>>
        %dma_start3A_239 = arith.constant 0 : i32
        %dma_start3A_240 = tpu.memref_slice %arg6[%add3A_232, %dma_start3A_239] : memref<125x80xi32, #tpu.memory_space<vmem>> -> memref<1x80xi32, #tpu.memory_space<vmem>>
        %dma_start3A_241 = tpu.memref_squeeze %dma_start3A_240 : memref<1x80xi32, #tpu.memory_space<vmem>> -> memref<80xi32, #tpu.memory_space<vmem>>
        %dma_start3A_242 = arith.constant 0 : i32
        %dma_start3A_243 = arith.constant 0 : i32
        %dma_start3A_244 = tpu.memref_slice %arg2[%dma_start3A_242, %dma_start3A_243] : memref<10000x40xf32, #tpu.memory_space<hbm>> -> memref<10000x40xf32, #tpu.memory_space<hbm>>
        %dma_start3A_245 = tpu.memref_slice %arg10[%dma_start3A_234] : memref<5x!tpu.dma_semaphore, #tpu.memory_space<semaphore_mem>> -> memref<1x!tpu.dma_semaphore, #tpu.memory_space<semaphore_mem>>
        %dma_start3A_246 = tpu.memref_squeeze %dma_start3A_245 : memref<1x!tpu.dma_semaphore, #tpu.memory_space<semaphore_mem>> -> memref<!tpu.dma_semaphore, #tpu.memory_space<semaphore_mem>>
        tpu.enqueue_indirect_dma source(%dma_start3A_244 : memref<10000x40xf32, #tpu.memory_space<hbm>>) target(%dma_start3A_238 : memref<80x40xf32, #tpu.memory_space<vmem>>) offsets(%dma_start3A_241 : memref<80xi32, #tpu.memory_space<vmem>>) semaphore(%dma_start3A_246 : memref<!tpu.dma_semaphore, #tpu.memory_space<semaphore_mem>>)
      } else {
      }
      %mul3A_126 = arith.constant 5 : i32
      %mul3A_127 = arith.muli %scan3A_99, %mul3A_126 : i32
      %add3A_128 = arith.constant 1 : i32
      %add3A_129 = arith.addi %mul3A_127, %add3A_128 : i32
      %dma_wait3A_130 = arith.constant 1 : i32
      %dma_wait3A_131 = arith.constant 1 : i32
      %dma_wait3A_132 = arith.constant 0 : i32
      %dma_wait3A_133 = arith.constant 0 : i32
      %dma_wait3A_134 = tpu.memref_slice %arg8[%dma_wait3A_130, %dma_wait3A_132, %dma_wait3A_133] : memref<5x80x40xf32, #tpu.memory_space<vmem>> -> memref<1x80x40xf32, #tpu.memory_space<vmem>>
      %dma_wait3A_135 = tpu.memref_squeeze %dma_wait3A_134 : memref<1x80x40xf32, #tpu.memory_space<vmem>> -> memref<80x40xf32, #tpu.memory_space<vmem>>
      %dma_wait3A_136 = arith.constant 0 : i32
      %dma_wait3A_137 = tpu.memref_slice %arg6[%add3A_129, %dma_wait3A_136] : memref<125x80xi32, #tpu.memory_space<vmem>> -> memref<1x80xi32, #tpu.memory_space<vmem>>
      %dma_wait3A_138 = tpu.memref_squeeze %dma_wait3A_137 : memref<1x80xi32, #tpu.memory_space<vmem>> -> memref<80xi32, #tpu.memory_space<vmem>>
      %dma_wait3A_139 = arith.constant 0 : i32
      %dma_wait3A_140 = arith.constant 0 : i32
      %dma_wait3A_141 = tpu.memref_slice %arg2[%dma_wait3A_139, %dma_wait3A_140] : memref<10000x40xf32, #tpu.memory_space<hbm>> -> memref<10000x40xf32, #tpu.memory_space<hbm>>
      %dma_wait3A_142 = tpu.memref_slice %arg10[%dma_wait3A_131] : memref<5x!tpu.dma_semaphore, #tpu.memory_space<semaphore_mem>> -> memref<1x!tpu.dma_semaphore, #tpu.memory_space<semaphore_mem>>
      %dma_wait3A_143 = tpu.memref_squeeze %dma_wait3A_142 : memref<1x!tpu.dma_semaphore, #tpu.memory_space<semaphore_mem>> -> memref<!tpu.dma_semaphore, #tpu.memory_space<semaphore_mem>>
      tpu.wait_indirect_dma semaphore(%dma_wait3A_143 : memref<!tpu.dma_semaphore, #tpu.memory_space<semaphore_mem>>) src(%dma_wait3A_141 : memref<10000x40xf32, #tpu.memory_space<hbm>>) dst(%dma_wait3A_135 : memref<80x40xf32, #tpu.memory_space<vmem>>)
      %run_scoped3A_144 = arith.constant 1 : i32
      "tpu.region"() ({
        %run_scoped3A_231 = tpu.sem_alloc : memref<!tpu.dma_semaphore, #tpu.memory_space<semaphore_mem>>
        %dma_start3A_232 = arith.constant 0 : i32
        %dma_start3A_233 = arith.constant 0 : i32
        %dma_start3A_234 = tpu.memref_slice %arg8[%run_scoped3A_144, %dma_start3A_232, %dma_start3A_233] : memref<5x80x40xf32, #tpu.memory_space<vmem>> -> memref<1x80x40xf32, #tpu.memory_space<vmem>>
        %dma_start3A_235 = tpu.memref_squeeze %dma_start3A_234 : memref<1x80x40xf32, #tpu.memory_space<vmem>> -> memref<80x40xf32, #tpu.memory_space<vmem>>
        %dma_start3A_236 = arith.constant 0 : i32
        %dma_start3A_237 = tpu.memref_slice %arg7[%add3A_129, %dma_start3A_236] : memref<125x80xi32, #tpu.memory_space<vmem>> -> memref<1x80xi32, #tpu.memory_space<vmem>>
        %dma_start3A_238 = tpu.memref_squeeze %dma_start3A_237 : memref<1x80xi32, #tpu.memory_space<vmem>> -> memref<80xi32, #tpu.memory_space<vmem>>
        %dma_start3A_239 = arith.constant 0 : i32
        %dma_start3A_240 = arith.constant 0 : i32
        %dma_start3A_241 = tpu.memref_slice %arg9[%dma_start3A_239, %dma_start3A_240] : memref<10000x40xf32, #tpu.memory_space<vmem_shared>> -> memref<10000x40xf32, #tpu.memory_space<vmem_shared>>
        tpu.enqueue_indirect_dma source(%dma_start3A_235 : memref<80x40xf32, #tpu.memory_space<vmem>>) target(%dma_start3A_241 : memref<10000x40xf32, #tpu.memory_space<vmem_shared>>) offsets(%dma_start3A_238 : memref<80xi32, #tpu.memory_space<vmem>>) semaphore(%run_scoped3A_231 : memref<!tpu.dma_semaphore, #tpu.memory_space<semaphore_mem>>) {add = true}
        %dma_wait3A_242 = arith.constant 0 : i32
        %dma_wait3A_243 = arith.constant 0 : i32
        %dma_wait3A_244 = tpu.memref_slice %arg8[%run_scoped3A_144, %dma_wait3A_242, %dma_wait3A_243] : memref<5x80x40xf32, #tpu.memory_space<vmem>> -> memref<1x80x40xf32, #tpu.memory_space<vmem>>
        %dma_wait3A_245 = tpu.memref_squeeze %dma_wait3A_244 : memref<1x80x40xf32, #tpu.memory_space<vmem>> -> memref<80x40xf32, #tpu.memory_space<vmem>>
        %dma_wait3A_246 = arith.constant 0 : i32
        %dma_wait3A_247 = tpu.memref_slice %arg7[%add3A_129, %dma_wait3A_246] : memref<125x80xi32, #tpu.memory_space<vmem>> -> memref<1x80xi32, #tpu.memory_space<vmem>>
        %dma_wait3A_248 = tpu.memref_squeeze %dma_wait3A_247 : memref<1x80xi32, #tpu.memory_space<vmem>> -> memref<80xi32, #tpu.memory_space<vmem>>
        %dma_wait3A_249 = arith.constant 0 : i32
        %dma_wait3A_250 = arith.constant 0 : i32
        %dma_wait3A_251 = tpu.memref_slice %arg9[%dma_wait3A_249, %dma_wait3A_250] : memref<10000x40xf32, #tpu.memory_space<vmem_shared>> -> memref<10000x40xf32, #tpu.memory_space<vmem_shared>>
        tpu.wait_indirect_dma semaphore(%run_scoped3A_231 : memref<!tpu.dma_semaphore, #tpu.memory_space<semaphore_mem>>) src(%dma_wait3A_245 : memref<80x40xf32, #tpu.memory_space<vmem>>) dst(%dma_wait3A_251 : memref<10000x40xf32, #tpu.memory_space<vmem_shared>>)
        tpu.yield
      }) : () -> ()
      %add3A_145 = arith.constant 5 : i32
      %add3A_146 = arith.addi %add3A_129, %add3A_145 : i32
      %lt3A_147 = arith.constant 125 : i32
      %lt3A_148 = arith.cmpi slt, %add3A_146, %lt3A_147 : i32
      %convert_element_type3A_149 = arith.extui %lt3A_148 : i1 to i32
      %cond3A_150 = arith.constant 0 : i32
      %cond3A_151 = arith.cmpi ne, %convert_element_type3A_149, %cond3A_150 : i32
      scf.if %cond3A_151 {
        %add3A_231 = arith.constant 5 : i32
        %add3A_232 = arith.addi %add3A_129, %add3A_231 : i32
        %dma_start3A_233 = arith.constant 1 : i32
        %dma_start3A_234 = arith.constant 1 : i32
        %dma_start3A_235 = arith.constant 0 : i32
        %dma_start3A_236 = arith.constant 0 : i32
        %dma_start3A_237 = tpu.memref_slice %arg8[%dma_start3A_233, %dma_start3A_235, %dma_start3A_236] : memref<5x80x40xf32, #tpu.memory_space<vmem>> -> memref<1x80x40xf32, #tpu.memory_space<vmem>>
        %dma_start3A_238 = tpu.memref_squeeze %dma_start3A_237 : memref<1x80x40xf32, #tpu.memory_space<vmem>> -> memref<80x40xf32, #tpu.memory_space<vmem>>
        %dma_start3A_239 = arith.constant 0 : i32
        %dma_start3A_240 = tpu.memref_slice %arg6[%add3A_232, %dma_start3A_239] : memref<125x80xi32, #tpu.memory_space<vmem>> -> memref<1x80xi32, #tpu.memory_space<vmem>>
        %dma_start3A_241 = tpu.memref_squeeze %dma_start3A_240 : memref<1x80xi32, #tpu.memory_space<vmem>> -> memref<80xi32, #tpu.memory_space<vmem>>
        %dma_start3A_242 = arith.constant 0 : i32
        %dma_start3A_243 = arith.constant 0 : i32
        %dma_start3A_244 = tpu.memref_slice %arg2[%dma_start3A_242, %dma_start3A_243] : memref<10000x40xf32, #tpu.memory_space<hbm>> -> memref<10000x40xf32, #tpu.memory_space<hbm>>
        %dma_start3A_245 = tpu.memref_slice %arg10[%dma_start3A_234] : memref<5x!tpu.dma_semaphore, #tpu.memory_space<semaphore_mem>> -> memref<1x!tpu.dma_semaphore, #tpu.memory_space<semaphore_mem>>
        %dma_start3A_246 = tpu.memref_squeeze %dma_start3A_245 : memref<1x!tpu.dma_semaphore, #tpu.memory_space<semaphore_mem>> -> memref<!tpu.dma_semaphore, #tpu.memory_space<semaphore_mem>>
        tpu.enqueue_indirect_dma source(%dma_start3A_244 : memref<10000x40xf32, #tpu.memory_space<hbm>>) target(%dma_start3A_238 : memref<80x40xf32, #tpu.memory_space<vmem>>) offsets(%dma_start3A_241 : memref<80xi32, #tpu.memory_space<vmem>>) semaphore(%dma_start3A_246 : memref<!tpu.dma_semaphore, #tpu.memory_space<semaphore_mem>>)
      } else {
      }
      %mul3A_152 = arith.constant 5 : i32
      %mul3A_153 = arith.muli %scan3A_99, %mul3A_152 : i32
      %add3A_154 = arith.constant 2 : i32
      %add3A_155 = arith.addi %mul3A_153, %add3A_154 : i32
      %dma_wait3A_156 = arith.constant 2 : i32
      %dma_wait3A_157 = arith.constant 2 : i32
      %dma_wait3A_158 = arith.constant 0 : i32
      %dma_wait3A_159 = arith.constant 0 : i32
      %dma_wait3A_160 = tpu.memref_slice %arg8[%dma_wait3A_156, %dma_wait3A_158, %dma_wait3A_159] : memref<5x80x40xf32, #tpu.memory_space<vmem>> -> memref<1x80x40xf32, #tpu.memory_space<vmem>>
      %dma_wait3A_161 = tpu.memref_squeeze %dma_wait3A_160 : memref<1x80x40xf32, #tpu.memory_space<vmem>> -> memref<80x40xf32, #tpu.memory_space<vmem>>
      %dma_wait3A_162 = arith.constant 0 : i32
      %dma_wait3A_163 = tpu.memref_slice %arg6[%add3A_155, %dma_wait3A_162] : memref<125x80xi32, #tpu.memory_space<vmem>> -> memref<1x80xi32, #tpu.memory_space<vmem>>
      %dma_wait3A_164 = tpu.memref_squeeze %dma_wait3A_163 : memref<1x80xi32, #tpu.memory_space<vmem>> -> memref<80xi32, #tpu.memory_space<vmem>>
      %dma_wait3A_165 = arith.constant 0 : i32
      %dma_wait3A_166 = arith.constant 0 : i32
      %dma_wait3A_167 = tpu.memref_slice %arg2[%dma_wait3A_165, %dma_wait3A_166] : memref<10000x40xf32, #tpu.memory_space<hbm>> -> memref<10000x40xf32, #tpu.memory_space<hbm>>
      %dma_wait3A_168 = tpu.memref_slice %arg10[%dma_wait3A_157] : memref<5x!tpu.dma_semaphore, #tpu.memory_space<semaphore_mem>> -> memref<1x!tpu.dma_semaphore, #tpu.memory_space<semaphore_mem>>
      %dma_wait3A_169 = tpu.memref_squeeze %dma_wait3A_168 : memref<1x!tpu.dma_semaphore, #tpu.memory_space<semaphore_mem>> -> memref<!tpu.dma_semaphore, #tpu.memory_space<semaphore_mem>>
      tpu.wait_indirect_dma semaphore(%dma_wait3A_169 : memref<!tpu.dma_semaphore, #tpu.memory_space<semaphore_mem>>) src(%dma_wait3A_167 : memref<10000x40xf32, #tpu.memory_space<hbm>>) dst(%dma_wait3A_161 : memref<80x40xf32, #tpu.memory_space<vmem>>)
      %run_scoped3A_170 = arith.constant 2 : i32
      "tpu.region"() ({
        %run_scoped3A_231 = tpu.sem_alloc : memref<!tpu.dma_semaphore, #tpu.memory_space<semaphore_mem>>
        %dma_start3A_232 = arith.constant 0 : i32
        %dma_start3A_233 = arith.constant 0 : i32
        %dma_start3A_234 = tpu.memref_slice %arg8[%run_scoped3A_170, %dma_start3A_232, %dma_start3A_233] : memref<5x80x40xf32, #tpu.memory_space<vmem>> -> memref<1x80x40xf32, #tpu.memory_space<vmem>>
        %dma_start3A_235 = tpu.memref_squeeze %dma_start3A_234 : memref<1x80x40xf32, #tpu.memory_space<vmem>> -> memref<80x40xf32, #tpu.memory_space<vmem>>
        %dma_start3A_236 = arith.constant 0 : i32
        %dma_start3A_237 = tpu.memref_slice %arg7[%add3A_155, %dma_start3A_236] : memref<125x80xi32, #tpu.memory_space<vmem>> -> memref<1x80xi32, #tpu.memory_space<vmem>>
        %dma_start3A_238 = tpu.memref_squeeze %dma_start3A_237 : memref<1x80xi32, #tpu.memory_space<vmem>> -> memref<80xi32, #tpu.memory_space<vmem>>
        %dma_start3A_239 = arith.constant 0 : i32
        %dma_start3A_240 = arith.constant 0 : i32
        %dma_start3A_241 = tpu.memref_slice %arg9[%dma_start3A_239, %dma_start3A_240] : memref<10000x40xf32, #tpu.memory_space<vmem_shared>> -> memref<10000x40xf32, #tpu.memory_space<vmem_shared>>
        tpu.enqueue_indirect_dma source(%dma_start3A_235 : memref<80x40xf32, #tpu.memory_space<vmem>>) target(%dma_start3A_241 : memref<10000x40xf32, #tpu.memory_space<vmem_shared>>) offsets(%dma_start3A_238 : memref<80xi32, #tpu.memory_space<vmem>>) semaphore(%run_scoped3A_231 : memref<!tpu.dma_semaphore, #tpu.memory_space<semaphore_mem>>) {add = true}
        %dma_wait3A_242 = arith.constant 0 : i32
        %dma_wait3A_243 = arith.constant 0 : i32
        %dma_wait3A_244 = tpu.memref_slice %arg8[%run_scoped3A_170, %dma_wait3A_242, %dma_wait3A_243] : memref<5x80x40xf32, #tpu.memory_space<vmem>> -> memref<1x80x40xf32, #tpu.memory_space<vmem>>
        %dma_wait3A_245 = tpu.memref_squeeze %dma_wait3A_244 : memref<1x80x40xf32, #tpu.memory_space<vmem>> -> memref<80x40xf32, #tpu.memory_space<vmem>>
        %dma_wait3A_246 = arith.constant 0 : i32
        %dma_wait3A_247 = tpu.memref_slice %arg7[%add3A_155, %dma_wait3A_246] : memref<125x80xi32, #tpu.memory_space<vmem>> -> memref<1x80xi32, #tpu.memory_space<vmem>>
        %dma_wait3A_248 = tpu.memref_squeeze %dma_wait3A_247 : memref<1x80xi32, #tpu.memory_space<vmem>> -> memref<80xi32, #tpu.memory_space<vmem>>
        %dma_wait3A_249 = arith.constant 0 : i32
        %dma_wait3A_250 = arith.constant 0 : i32
        %dma_wait3A_251 = tpu.memref_slice %arg9[%dma_wait3A_249, %dma_wait3A_250] : memref<10000x40xf32, #tpu.memory_space<vmem_shared>> -> memref<10000x40xf32, #tpu.memory_space<vmem_shared>>
        tpu.wait_indirect_dma semaphore(%run_scoped3A_231 : memref<!tpu.dma_semaphore, #tpu.memory_space<semaphore_mem>>) src(%dma_wait3A_245 : memref<80x40xf32, #tpu.memory_space<vmem>>) dst(%dma_wait3A_251 : memref<10000x40xf32, #tpu.memory_space<vmem_shared>>)
        tpu.yield
      }) : () -> ()
      %add3A_171 = arith.constant 5 : i32
      %add3A_172 = arith.addi %add3A_155, %add3A_171 : i32
      %lt3A_173 = arith.constant 125 : i32
      %lt3A_174 = arith.cmpi slt, %add3A_172, %lt3A_173 : i32
      %convert_element_type3A_175 = arith.extui %lt3A_174 : i1 to i32
      %cond3A_176 = arith.constant 0 : i32
      %cond3A_177 = arith.cmpi ne, %convert_element_type3A_175, %cond3A_176 : i32
      scf.if %cond3A_177 {
        %add3A_231 = arith.constant 5 : i32
        %add3A_232 = arith.addi %add3A_155, %add3A_231 : i32
        %dma_start3A_233 = arith.constant 2 : i32
        %dma_start3A_234 = arith.constant 2 : i32
        %dma_start3A_235 = arith.constant 0 : i32
        %dma_start3A_236 = arith.constant 0 : i32
        %dma_start3A_237 = tpu.memref_slice %arg8[%dma_start3A_233, %dma_start3A_235, %dma_start3A_236] : memref<5x80x40xf32, #tpu.memory_space<vmem>> -> memref<1x80x40xf32, #tpu.memory_space<vmem>>
        %dma_start3A_238 = tpu.memref_squeeze %dma_start3A_237 : memref<1x80x40xf32, #tpu.memory_space<vmem>> -> memref<80x40xf32, #tpu.memory_space<vmem>>
        %dma_start3A_239 = arith.constant 0 : i32
        %dma_start3A_240 = tpu.memref_slice %arg6[%add3A_232, %dma_start3A_239] : memref<125x80xi32, #tpu.memory_space<vmem>> -> memref<1x80xi32, #tpu.memory_space<vmem>>
        %dma_start3A_241 = tpu.memref_squeeze %dma_start3A_240 : memref<1x80xi32, #tpu.memory_space<vmem>> -> memref<80xi32, #tpu.memory_space<vmem>>
        %dma_start3A_242 = arith.constant 0 : i32
        %dma_start3A_243 = arith.constant 0 : i32
        %dma_start3A_244 = tpu.memref_slice %arg2[%dma_start3A_242, %dma_start3A_243] : memref<10000x40xf32, #tpu.memory_space<hbm>> -> memref<10000x40xf32, #tpu.memory_space<hbm>>
        %dma_start3A_245 = tpu.memref_slice %arg10[%dma_start3A_234] : memref<5x!tpu.dma_semaphore, #tpu.memory_space<semaphore_mem>> -> memref<1x!tpu.dma_semaphore, #tpu.memory_space<semaphore_mem>>
        %dma_start3A_246 = tpu.memref_squeeze %dma_start3A_245 : memref<1x!tpu.dma_semaphore, #tpu.memory_space<semaphore_mem>> -> memref<!tpu.dma_semaphore, #tpu.memory_space<semaphore_mem>>
        tpu.enqueue_indirect_dma source(%dma_start3A_244 : memref<10000x40xf32, #tpu.memory_space<hbm>>) target(%dma_start3A_238 : memref<80x40xf32, #tpu.memory_space<vmem>>) offsets(%dma_start3A_241 : memref<80xi32, #tpu.memory_space<vmem>>) semaphore(%dma_start3A_246 : memref<!tpu.dma_semaphore, #tpu.memory_space<semaphore_mem>>)
      } else {
      }
      %mul3A_178 = arith.constant 5 : i32
      %mul3A_179 = arith.muli %scan3A_99, %mul3A_178 : i32
      %add3A_180 = arith.constant 3 : i32
      %add3A_181 = arith.addi %mul3A_179, %add3A_180 : i32
      %dma_wait3A_182 = arith.constant 3 : i32
      %dma_wait3A_183 = arith.constant 3 : i32
      %dma_wait3A_184 = arith.constant 0 : i32
      %dma_wait3A_185 = arith.constant 0 : i32
      %dma_wait3A_186 = tpu.memref_slice %arg8[%dma_wait3A_182, %dma_wait3A_184, %dma_wait3A_185] : memref<5x80x40xf32, #tpu.memory_space<vmem>> -> memref<1x80x40xf32, #tpu.memory_space<vmem>>
      %dma_wait3A_187 = tpu.memref_squeeze %dma_wait3A_186 : memref<1x80x40xf32, #tpu.memory_space<vmem>> -> memref<80x40xf32, #tpu.memory_space<vmem>>
      %dma_wait3A_188 = arith.constant 0 : i32
      %dma_wait3A_189 = tpu.memref_slice %arg6[%add3A_181, %dma_wait3A_188] : memref<125x80xi32, #tpu.memory_space<vmem>> -> memref<1x80xi32, #tpu.memory_space<vmem>>
      %dma_wait3A_190 = tpu.memref_squeeze %dma_wait3A_189 : memref<1x80xi32, #tpu.memory_space<vmem>> -> memref<80xi32, #tpu.memory_space<vmem>>
      %dma_wait3A_191 = arith.constant 0 : i32
      %dma_wait3A_192 = arith.constant 0 : i32
      %dma_wait3A_193 = tpu.memref_slice %arg2[%dma_wait3A_191, %dma_wait3A_192] : memref<10000x40xf32, #tpu.memory_space<hbm>> -> memref<10000x40xf32, #tpu.memory_space<hbm>>
      %dma_wait3A_194 = tpu.memref_slice %arg10[%dma_wait3A_183] : memref<5x!tpu.dma_semaphore, #tpu.memory_space<semaphore_mem>> -> memref<1x!tpu.dma_semaphore, #tpu.memory_space<semaphore_mem>>
      %dma_wait3A_195 = tpu.memref_squeeze %dma_wait3A_194 : memref<1x!tpu.dma_semaphore, #tpu.memory_space<semaphore_mem>> -> memref<!tpu.dma_semaphore, #tpu.memory_space<semaphore_mem>>
      tpu.wait_indirect_dma semaphore(%dma_wait3A_195 : memref<!tpu.dma_semaphore, #tpu.memory_space<semaphore_mem>>) src(%dma_wait3A_193 : memref<10000x40xf32, #tpu.memory_space<hbm>>) dst(%dma_wait3A_187 : memref<80x40xf32, #tpu.memory_space<vmem>>)
      %run_scoped3A_196 = arith.constant 3 : i32
      "tpu.region"() ({
        %run_scoped3A_231 = tpu.sem_alloc : memref<!tpu.dma_semaphore, #tpu.memory_space<semaphore_mem>>
        %dma_start3A_232 = arith.constant 0 : i32
        %dma_start3A_233 = arith.constant 0 : i32
        %dma_start3A_234 = tpu.memref_slice %arg8[%run_scoped3A_196, %dma_start3A_232, %dma_start3A_233] : memref<5x80x40xf32, #tpu.memory_space<vmem>> -> memref<1x80x40xf32, #tpu.memory_space<vmem>>
        %dma_start3A_235 = tpu.memref_squeeze %dma_start3A_234 : memref<1x80x40xf32, #tpu.memory_space<vmem>> -> memref<80x40xf32, #tpu.memory_space<vmem>>
        %dma_start3A_236 = arith.constant 0 : i32
        %dma_start3A_237 = tpu.memref_slice %arg7[%add3A_181, %dma_start3A_236] : memref<125x80xi32, #tpu.memory_space<vmem>> -> memref<1x80xi32, #tpu.memory_space<vmem>>
        %dma_start3A_238 = tpu.memref_squeeze %dma_start3A_237 : memref<1x80xi32, #tpu.memory_space<vmem>> -> memref<80xi32, #tpu.memory_space<vmem>>
        %dma_start3A_239 = arith.constant 0 : i32
        %dma_start3A_240 = arith.constant 0 : i32
        %dma_start3A_241 = tpu.memref_slice %arg9[%dma_start3A_239, %dma_start3A_240] : memref<10000x40xf32, #tpu.memory_space<vmem_shared>> -> memref<10000x40xf32, #tpu.memory_space<vmem_shared>>
        tpu.enqueue_indirect_dma source(%dma_start3A_235 : memref<80x40xf32, #tpu.memory_space<vmem>>) target(%dma_start3A_241 : memref<10000x40xf32, #tpu.memory_space<vmem_shared>>) offsets(%dma_start3A_238 : memref<80xi32, #tpu.memory_space<vmem>>) semaphore(%run_scoped3A_231 : memref<!tpu.dma_semaphore, #tpu.memory_space<semaphore_mem>>) {add = true}
        %dma_wait3A_242 = arith.constant 0 : i32
        %dma_wait3A_243 = arith.constant 0 : i32
        %dma_wait3A_244 = tpu.memref_slice %arg8[%run_scoped3A_196, %dma_wait3A_242, %dma_wait3A_243] : memref<5x80x40xf32, #tpu.memory_space<vmem>> -> memref<1x80x40xf32, #tpu.memory_space<vmem>>
        %dma_wait3A_245 = tpu.memref_squeeze %dma_wait3A_244 : memref<1x80x40xf32, #tpu.memory_space<vmem>> -> memref<80x40xf32, #tpu.memory_space<vmem>>
        %dma_wait3A_246 = arith.constant 0 : i32
        %dma_wait3A_247 = tpu.memref_slice %arg7[%add3A_181, %dma_wait3A_246] : memref<125x80xi32, #tpu.memory_space<vmem>> -> memref<1x80xi32, #tpu.memory_space<vmem>>
        %dma_wait3A_248 = tpu.memref_squeeze %dma_wait3A_247 : memref<1x80xi32, #tpu.memory_space<vmem>> -> memref<80xi32, #tpu.memory_space<vmem>>
        %dma_wait3A_249 = arith.constant 0 : i32
        %dma_wait3A_250 = arith.constant 0 : i32
        %dma_wait3A_251 = tpu.memref_slice %arg9[%dma_wait3A_249, %dma_wait3A_250] : memref<10000x40xf32, #tpu.memory_space<vmem_shared>> -> memref<10000x40xf32, #tpu.memory_space<vmem_shared>>
        tpu.wait_indirect_dma semaphore(%run_scoped3A_231 : memref<!tpu.dma_semaphore, #tpu.memory_space<semaphore_mem>>) src(%dma_wait3A_245 : memref<80x40xf32, #tpu.memory_space<vmem>>) dst(%dma_wait3A_251 : memref<10000x40xf32, #tpu.memory_space<vmem_shared>>)
        tpu.yield
      }) : () -> ()
      %add3A_197 = arith.constant 5 : i32
      %add3A_198 = arith.addi %add3A_181, %add3A_197 : i32
      %lt3A_199 = arith.constant 125 : i32
      %lt3A_200 = arith.cmpi slt, %add3A_198, %lt3A_199 : i32
      %convert_element_type3A_201 = arith.extui %lt3A_200 : i1 to i32
      %cond3A_202 = arith.constant 0 : i32
      %cond3A_203 = arith.cmpi ne, %convert_element_type3A_201, %cond3A_202 : i32
      scf.if %cond3A_203 {
        %add3A_231 = arith.constant 5 : i32
        %add3A_232 = arith.addi %add3A_181, %add3A_231 : i32
        %dma_start3A_233 = arith.constant 3 : i32
        %dma_start3A_234 = arith.constant 3 : i32
        %dma_start3A_235 = arith.constant 0 : i32
        %dma_start3A_236 = arith.constant 0 : i32
        %dma_start3A_237 = tpu.memref_slice %arg8[%dma_start3A_233, %dma_start3A_235, %dma_start3A_236] : memref<5x80x40xf32, #tpu.memory_space<vmem>> -> memref<1x80x40xf32, #tpu.memory_space<vmem>>
        %dma_start3A_238 = tpu.memref_squeeze %dma_start3A_237 : memref<1x80x40xf32, #tpu.memory_space<vmem>> -> memref<80x40xf32, #tpu.memory_space<vmem>>
        %dma_start3A_239 = arith.constant 0 : i32
        %dma_start3A_240 = tpu.memref_slice %arg6[%add3A_232, %dma_start3A_239] : memref<125x80xi32, #tpu.memory_space<vmem>> -> memref<1x80xi32, #tpu.memory_space<vmem>>
        %dma_start3A_241 = tpu.memref_squeeze %dma_start3A_240 : memref<1x80xi32, #tpu.memory_space<vmem>> -> memref<80xi32, #tpu.memory_space<vmem>>
        %dma_start3A_242 = arith.constant 0 : i32
        %dma_start3A_243 = arith.constant 0 : i32
        %dma_start3A_244 = tpu.memref_slice %arg2[%dma_start3A_242, %dma_start3A_243] : memref<10000x40xf32, #tpu.memory_space<hbm>> -> memref<10000x40xf32, #tpu.memory_space<hbm>>
        %dma_start3A_245 = tpu.memref_slice %arg10[%dma_start3A_234] : memref<5x!tpu.dma_semaphore, #tpu.memory_space<semaphore_mem>> -> memref<1x!tpu.dma_semaphore, #tpu.memory_space<semaphore_mem>>
        %dma_start3A_246 = tpu.memref_squeeze %dma_start3A_245 : memref<1x!tpu.dma_semaphore, #tpu.memory_space<semaphore_mem>> -> memref<!tpu.dma_semaphore, #tpu.memory_space<semaphore_mem>>
        tpu.enqueue_indirect_dma source(%dma_start3A_244 : memref<10000x40xf32, #tpu.memory_space<hbm>>) target(%dma_start3A_238 : memref<80x40xf32, #tpu.memory_space<vmem>>) offsets(%dma_start3A_241 : memref<80xi32, #tpu.memory_space<vmem>>) semaphore(%dma_start3A_246 : memref<!tpu.dma_semaphore, #tpu.memory_space<semaphore_mem>>)
      } else {
      }
      %mul3A_204 = arith.constant 5 : i32
      %mul3A_205 = arith.muli %scan3A_99, %mul3A_204 : i32
      %add3A_206 = arith.constant 4 : i32
      %add3A_207 = arith.addi %mul3A_205, %add3A_206 : i32
      %dma_wait3A_208 = arith.constant 4 : i32
      %dma_wait3A_209 = arith.constant 4 : i32
      %dma_wait3A_210 = arith.constant 0 : i32
      %dma_wait3A_211 = arith.constant 0 : i32
      %dma_wait3A_212 = tpu.memref_slice %arg8[%dma_wait3A_208, %dma_wait3A_210, %dma_wait3A_211] : memref<5x80x40xf32, #tpu.memory_space<vmem>> -> memref<1x80x40xf32, #tpu.memory_space<vmem>>
      %dma_wait3A_213 = tpu.memref_squeeze %dma_wait3A_212 : memref<1x80x40xf32, #tpu.memory_space<vmem>> -> memref<80x40xf32, #tpu.memory_space<vmem>>
      %dma_wait3A_214 = arith.constant 0 : i32
      %dma_wait3A_215 = tpu.memref_slice %arg6[%add3A_207, %dma_wait3A_214] : memref<125x80xi32, #tpu.memory_space<vmem>> -> memref<1x80xi32, #tpu.memory_space<vmem>>
      %dma_wait3A_216 = tpu.memref_squeeze %dma_wait3A_215 : memref<1x80xi32, #tpu.memory_space<vmem>> -> memref<80xi32, #tpu.memory_space<vmem>>
      %dma_wait3A_217 = arith.constant 0 : i32
      %dma_wait3A_218 = arith.constant 0 : i32
      %dma_wait3A_219 = tpu.memref_slice %arg2[%dma_wait3A_217, %dma_wait3A_218] : memref<10000x40xf32, #tpu.memory_space<hbm>> -> memref<10000x40xf32, #tpu.memory_space<hbm>>
      %dma_wait3A_220 = tpu.memref_slice %arg10[%dma_wait3A_209] : memref<5x!tpu.dma_semaphore, #tpu.memory_space<semaphore_mem>> -> memref<1x!tpu.dma_semaphore, #tpu.memory_space<semaphore_mem>>
      %dma_wait3A_221 = tpu.memref_squeeze %dma_wait3A_220 : memref<1x!tpu.dma_semaphore, #tpu.memory_space<semaphore_mem>> -> memref<!tpu.dma_semaphore, #tpu.memory_space<semaphore_mem>>
      tpu.wait_indirect_dma semaphore(%dma_wait3A_221 : memref<!tpu.dma_semaphore, #tpu.memory_space<semaphore_mem>>) src(%dma_wait3A_219 : memref<10000x40xf32, #tpu.memory_space<hbm>>) dst(%dma_wait3A_213 : memref<80x40xf32, #tpu.memory_space<vmem>>)
      %run_scoped3A_222 = arith.constant 4 : i32
      "tpu.region"() ({
        %run_scoped3A_231 = tpu.sem_alloc : memref<!tpu.dma_semaphore, #tpu.memory_space<semaphore_mem>>
        %dma_start3A_232 = arith.constant 0 : i32
        %dma_start3A_233 = arith.constant 0 : i32
        %dma_start3A_234 = tpu.memref_slice %arg8[%run_scoped3A_222, %dma_start3A_232, %dma_start3A_233] : memref<5x80x40xf32, #tpu.memory_space<vmem>> -> memref<1x80x40xf32, #tpu.memory_space<vmem>>
        %dma_start3A_235 = tpu.memref_squeeze %dma_start3A_234 : memref<1x80x40xf32, #tpu.memory_space<vmem>> -> memref<80x40xf32, #tpu.memory_space<vmem>>
        %dma_start3A_236 = arith.constant 0 : i32
        %dma_start3A_237 = tpu.memref_slice %arg7[%add3A_207, %dma_start3A_236] : memref<125x80xi32, #tpu.memory_space<vmem>> -> memref<1x80xi32, #tpu.memory_space<vmem>>
        %dma_start3A_238 = tpu.memref_squeeze %dma_start3A_237 : memref<1x80xi32, #tpu.memory_space<vmem>> -> memref<80xi32, #tpu.memory_space<vmem>>
        %dma_start3A_239 = arith.constant 0 : i32
        %dma_start3A_240 = arith.constant 0 : i32
        %dma_start3A_241 = tpu.memref_slice %arg9[%dma_start3A_239, %dma_start3A_240] : memref<10000x40xf32, #tpu.memory_space<vmem_shared>> -> memref<10000x40xf32, #tpu.memory_space<vmem_shared>>
        tpu.enqueue_indirect_dma source(%dma_start3A_235 : memref<80x40xf32, #tpu.memory_space<vmem>>) target(%dma_start3A_241 : memref<10000x40xf32, #tpu.memory_space<vmem_shared>>) offsets(%dma_start3A_238 : memref<80xi32, #tpu.memory_space<vmem>>) semaphore(%run_scoped3A_231 : memref<!tpu.dma_semaphore, #tpu.memory_space<semaphore_mem>>) {add = true}
        %dma_wait3A_242 = arith.constant 0 : i32
        %dma_wait3A_243 = arith.constant 0 : i32
        %dma_wait3A_244 = tpu.memref_slice %arg8[%run_scoped3A_222, %dma_wait3A_242, %dma_wait3A_243] : memref<5x80x40xf32, #tpu.memory_space<vmem>> -> memref<1x80x40xf32, #tpu.memory_space<vmem>>
        %dma_wait3A_245 = tpu.memref_squeeze %dma_wait3A_244 : memref<1x80x40xf32, #tpu.memory_space<vmem>> -> memref<80x40xf32, #tpu.memory_space<vmem>>
        %dma_wait3A_246 = arith.constant 0 : i32
        %dma_wait3A_247 = tpu.memref_slice %arg7[%add3A_207, %dma_wait3A_246] : memref<125x80xi32, #tpu.memory_space<vmem>> -> memref<1x80xi32, #tpu.memory_space<vmem>>
        %dma_wait3A_248 = tpu.memref_squeeze %dma_wait3A_247 : memref<1x80xi32, #tpu.memory_space<vmem>> -> memref<80xi32, #tpu.memory_space<vmem>>
        %dma_wait3A_249 = arith.constant 0 : i32
        %dma_wait3A_250 = arith.constant 0 : i32
        %dma_wait3A_251 = tpu.memref_slice %arg9[%dma_wait3A_249, %dma_wait3A_250] : memref<10000x40xf32, #tpu.memory_space<vmem_shared>> -> memref<10000x40xf32, #tpu.memory_space<vmem_shared>>
        tpu.wait_indirect_dma semaphore(%run_scoped3A_231 : memref<!tpu.dma_semaphore, #tpu.memory_space<semaphore_mem>>) src(%dma_wait3A_245 : memref<80x40xf32, #tpu.memory_space<vmem>>) dst(%dma_wait3A_251 : memref<10000x40xf32, #tpu.memory_space<vmem_shared>>)
        tpu.yield
      }) : () -> ()
      %add3A_223 = arith.constant 5 : i32
      %add3A_224 = arith.addi %add3A_207, %add3A_223 : i32
      %lt3A_225 = arith.constant 125 : i32
      %lt3A_226 = arith.cmpi slt, %add3A_224, %lt3A_225 : i32
      %convert_element_type3A_227 = arith.extui %lt3A_226 : i1 to i32
      %cond3A_228 = arith.constant 0 : i32
      %cond3A_229 = arith.cmpi ne, %convert_element_type3A_227, %cond3A_228 : i32
      scf.if %cond3A_229 {
        %add3A_231 = arith.constant 5 : i32
        %add3A_232 = arith.addi %add3A_207, %add3A_231 : i32
        %dma_start3A_233 = arith.constant 4 : i32
        %dma_start3A_234 = arith.constant 4 : i32
        %dma_start3A_235 = arith.constant 0 : i32
        %dma_start3A_236 = arith.constant 0 : i32
        %dma_start3A_237 = tpu.memref_slice %arg8[%dma_start3A_233, %dma_start3A_235, %dma_start3A_236] : memref<5x80x40xf32, #tpu.memory_space<vmem>> -> memref<1x80x40xf32, #tpu.memory_space<vmem>>
        %dma_start3A_238 = tpu.memref_squeeze %dma_start3A_237 : memref<1x80x40xf32, #tpu.memory_space<vmem>> -> memref<80x40xf32, #tpu.memory_space<vmem>>
        %dma_start3A_239 = arith.constant 0 : i32
        %dma_start3A_240 = tpu.memref_slice %arg6[%add3A_232, %dma_start3A_239] : memref<125x80xi32, #tpu.memory_space<vmem>> -> memref<1x80xi32, #tpu.memory_space<vmem>>
        %dma_start3A_241 = tpu.memref_squeeze %dma_start3A_240 : memref<1x80xi32, #tpu.memory_space<vmem>> -> memref<80xi32, #tpu.memory_space<vmem>>
        %dma_start3A_242 = arith.constant 0 : i32
        %dma_start3A_243 = arith.constant 0 : i32
        %dma_start3A_244 = tpu.memref_slice %arg2[%dma_start3A_242, %dma_start3A_243] : memref<10000x40xf32, #tpu.memory_space<hbm>> -> memref<10000x40xf32, #tpu.memory_space<hbm>>
        %dma_start3A_245 = tpu.memref_slice %arg10[%dma_start3A_234] : memref<5x!tpu.dma_semaphore, #tpu.memory_space<semaphore_mem>> -> memref<1x!tpu.dma_semaphore, #tpu.memory_space<semaphore_mem>>
        %dma_start3A_246 = tpu.memref_squeeze %dma_start3A_245 : memref<1x!tpu.dma_semaphore, #tpu.memory_space<semaphore_mem>> -> memref<!tpu.dma_semaphore, #tpu.memory_space<semaphore_mem>>
        tpu.enqueue_indirect_dma source(%dma_start3A_244 : memref<10000x40xf32, #tpu.memory_space<hbm>>) target(%dma_start3A_238 : memref<80x40xf32, #tpu.memory_space<vmem>>) offsets(%dma_start3A_241 : memref<80xi32, #tpu.memory_space<vmem>>) semaphore(%dma_start3A_246 : memref<!tpu.dma_semaphore, #tpu.memory_space<semaphore_mem>>)
      } else {
      }
      %scan3A_230 = arith.constant 0 : i32
      scf.yield %scan3A_230 : i32
    }
    %scan3A_87 = arith.constant 25 : i32
    %barrier3A_88 = arith.constant 0 : index
    tpu.barrier barrier_id(%barrier3A_88)
    %lt3A_89 = arith.constant 15 : i32
    %lt3A_90 = arith.cmpi slt, %arg1, %lt3A_89 : i32
    %convert_element_type3A_91 = arith.extui %lt3A_90 : i1 to i32
    %cond3A_92 = arith.constant 0 : i32
    %cond3A_93 = arith.cmpi ne, %convert_element_type3A_91, %cond3A_92 : i32
    scf.if %cond3A_93 {
      %mul3A_99 = arith.constant 624 : i32
      %mul3A_100 = arith.muli %arg1, %mul3A_99 : i32
      %mul3A_101 = arith.constant 624 : i32
      %mul3A_102 = arith.muli %arg1, %mul3A_101 : i32
      "tpu.region"() ({
        %run_scoped3A_103 = tpu.sem_alloc : memref<!tpu.dma_semaphore, #tpu.memory_space<semaphore_mem>>
        %dma_start3A_104 = arith.constant 0 : i32
        %dma_start3A_105 = tpu.memref_slice %arg5[%arg0, %mul3A_102, %dma_start3A_104] : memref<2x10000x40xf32, #tpu.memory_space<hbm>> -> memref<1x624x40xf32, #tpu.memory_space<hbm>>
        %dma_start3A_106 = tpu.memref_squeeze %dma_start3A_105 : memref<1x624x40xf32, #tpu.memory_space<hbm>> -> memref<624x40xf32, #tpu.memory_space<hbm>>
        %dma_start3A_107 = arith.constant 0 : i32
        %dma_start3A_108 = tpu.memref_slice %arg9[%mul3A_100, %dma_start3A_107] : memref<10000x40xf32, #tpu.memory_space<vmem_shared>> -> memref<624x40xf32, #tpu.memory_space<vmem_shared>>
        tpu.enqueue_dma source(%dma_start3A_108 : memref<624x40xf32, #tpu.memory_space<vmem_shared>>) target(%dma_start3A_106 : memref<624x40xf32, #tpu.memory_space<hbm>>) target_semaphore(%run_scoped3A_103 : memref<!tpu.dma_semaphore, #tpu.memory_space<semaphore_mem>>)
        %dma_wait3A = arith.constant 0 : i32
        %dma_wait3A_109 = tpu.memref_slice %arg5[%arg0, %mul3A_102, %dma_wait3A] : memref<2x10000x40xf32, #tpu.memory_space<hbm>> -> memref<1x624x40xf32, #tpu.memory_space<hbm>>
        %dma_wait3A_110 = tpu.memref_squeeze %dma_wait3A_109 : memref<1x624x40xf32, #tpu.memory_space<hbm>> -> memref<624x40xf32, #tpu.memory_space<hbm>>
        %dma_wait3A_111 = arith.constant 0 : i32
        %dma_wait3A_112 = tpu.memref_slice %arg9[%mul3A_100, %dma_wait3A_111] : memref<10000x40xf32, #tpu.memory_space<vmem_shared>> -> memref<624x40xf32, #tpu.memory_space<vmem_shared>>
        tpu.wait_dma2 semaphore(%run_scoped3A_103 : memref<!tpu.dma_semaphore, #tpu.memory_space<semaphore_mem>>) src(%dma_wait3A_112 : memref<624x40xf32, #tpu.memory_space<vmem_shared>>) dst(%dma_wait3A_110 : memref<624x40xf32, #tpu.memory_space<hbm>>)
        tpu.yield
      }) : () -> ()
    } else {
    }
    %eq3A_94 = arith.constant 15 : i32
    %eq3A_95 = arith.cmpi eq, %arg1, %eq3A_94 : i32
    %convert_element_type3A_96 = arith.extui %eq3A_95 : i1 to i32
    %cond3A_97 = arith.constant 0 : i32
    %cond3A_98 = arith.cmpi ne, %convert_element_type3A_96, %cond3A_97 : i32
    scf.if %cond3A_98 {
      "tpu.region"() ({
        %run_scoped3A_99 = tpu.sem_alloc : memref<!tpu.dma_semaphore, #tpu.memory_space<semaphore_mem>>
        %dma_start3A_100 = arith.constant 9360 : i32
        %dma_start3A_101 = arith.constant 0 : i32
        %dma_start3A_102 = tpu.memref_slice %arg5[%arg0, %dma_start3A_100, %dma_start3A_101] : memref<2x10000x40xf32, #tpu.memory_space<hbm>> -> memref<1x640x40xf32, #tpu.memory_space<hbm>>
        %dma_start3A_103 = tpu.memref_squeeze %dma_start3A_102 : memref<1x640x40xf32, #tpu.memory_space<hbm>> -> memref<640x40xf32, #tpu.memory_space<hbm>>
        %dma_start3A_104 = arith.constant 9360 : i32
        %dma_start3A_105 = arith.constant 0 : i32
        %dma_start3A_106 = tpu.memref_slice %arg9[%dma_start3A_104, %dma_start3A_105] : memref<10000x40xf32, #tpu.memory_space<vmem_shared>> -> memref<640x40xf32, #tpu.memory_space<vmem_shared>>
        tpu.enqueue_dma source(%dma_start3A_106 : memref<640x40xf32, #tpu.memory_space<vmem_shared>>) target(%dma_start3A_103 : memref<640x40xf32, #tpu.memory_space<hbm>>) target_semaphore(%run_scoped3A_99 : memref<!tpu.dma_semaphore, #tpu.memory_space<semaphore_mem>>)
        %dma_wait3A = arith.constant 9360 : i32
        %dma_wait3A_107 = arith.constant 0 : i32
        %dma_wait3A_108 = tpu.memref_slice %arg5[%arg0, %dma_wait3A, %dma_wait3A_107] : memref<2x10000x40xf32, #tpu.memory_space<hbm>> -> memref<1x640x40xf32, #tpu.memory_space<hbm>>
        %dma_wait3A_109 = tpu.memref_squeeze %dma_wait3A_108 : memref<1x640x40xf32, #tpu.memory_space<hbm>> -> memref<640x40xf32, #tpu.memory_space<hbm>>
        %dma_wait3A_110 = arith.constant 9360 : i32
        %dma_wait3A_111 = arith.constant 0 : i32
        %dma_wait3A_112 = tpu.memref_slice %arg9[%dma_wait3A_110, %dma_wait3A_111] : memref<10000x40xf32, #tpu.memory_space<vmem_shared>> -> memref<640x40xf32, #tpu.memory_space<vmem_shared>>
        tpu.wait_dma2 semaphore(%run_scoped3A_99 : memref<!tpu.dma_semaphore, #tpu.memory_space<semaphore_mem>>) src(%dma_wait3A_112 : memref<640x40xf32, #tpu.memory_space<vmem_shared>>) dst(%dma_wait3A_109 : memref<640x40xf32, #tpu.memory_space<hbm>>)
        tpu.yield
      }) : () -> ()
    } else {
    }
    return
  }
}

#map = affine_map<(d0, d1) -> (0, 0, 0, 0)>
#map1 = affine_map<(d0, d1) -> (0, 0, 0)>
module attributes {stable_mosaic.version = 14 : i64} {
  func.func @_sc_degree(%arg0: i32, %arg1: i32, %arg2: memref<2x32x125x80xi32, #tpu.memory_space<hbm>>, %arg3: memref<32x80x128xf32, #tpu.memory_space<hbm>>, %arg4: memref<125x80xi32, #tpu.memory_space<vmem>>, %arg5: memref<80x128xf32, #tpu.memory_space<vmem>>) attributes {dimension_semantics = [#tpu.dimension_semantics<core_parallel>, #tpu.dimension_semantics<subcore_parallel>], iteration_bounds = array<i64: 2, 16>, scalar_prefetch = 0 : i64, scratch_operands = 2 : i64, tpu.core_type = #tpu.core_type<sc_vector_subcore>, window_params = [{transform_indices = #map}, {transform_indices = #map1}]} {
    %mul3A = arith.constant 2 : i32
    %mul3A_0 = arith.muli %arg1, %mul3A : i32
    %add3A = arith.addi %mul3A_0, %arg0 : i32
    %run_scoped3A = arith.constant 1 : i32
    "tpu.region"() ({
      %run_scoped3A_62 = tpu.sem_alloc : memref<!tpu.dma_semaphore, #tpu.memory_space<semaphore_mem>>
      %dma_start3A = arith.constant 0 : i32
      %dma_start3A_63 = arith.constant 0 : i32
      %dma_start3A_64 = arith.constant 0 : i32
      %dma_start3A_65 = tpu.memref_slice %arg2[%run_scoped3A, %dma_start3A, %dma_start3A_63, %dma_start3A_64] : memref<2x32x125x80xi32, #tpu.memory_space<hbm>> -> memref<1x32x125x80xi32, #tpu.memory_space<hbm>>
      %dma_start3A_66 = tpu.memref_squeeze %dma_start3A_65 : memref<1x32x125x80xi32, #tpu.memory_space<hbm>> -> memref<32x125x80xi32, #tpu.memory_space<hbm>>
      %dma_start3A_67 = arith.constant 0 : i32
      %dma_start3A_68 = arith.constant 0 : i32
      %dma_start3A_69 = tpu.memref_slice %dma_start3A_66[%add3A, %dma_start3A_67, %dma_start3A_68] : memref<32x125x80xi32, #tpu.memory_space<hbm>> -> memref<1x125x80xi32, #tpu.memory_space<hbm>>
      %dma_start3A_70 = tpu.memref_squeeze %dma_start3A_69 : memref<1x125x80xi32, #tpu.memory_space<hbm>> -> memref<125x80xi32, #tpu.memory_space<hbm>>
      %dma_start3A_71 = arith.constant 0 : i32
      %dma_start3A_72 = arith.constant 0 : i32
      %dma_start3A_73 = arith.constant 0 : i32
      %dma_start3A_74 = tpu.memref_slice %arg2[%run_scoped3A, %dma_start3A_71, %dma_start3A_72, %dma_start3A_73] : memref<2x32x125x80xi32, #tpu.memory_space<hbm>> -> memref<1x32x125x80xi32, #tpu.memory_space<hbm>>
      %dma_start3A_75 = tpu.memref_squeeze %dma_start3A_74 : memref<1x32x125x80xi32, #tpu.memory_space<hbm>> -> memref<32x125x80xi32, #tpu.memory_space<hbm>>
      %dma_start3A_76 = arith.constant 0 : i32
      %dma_start3A_77 = arith.constant 0 : i32
      %dma_start3A_78 = tpu.memref_slice %dma_start3A_75[%add3A, %dma_start3A_76, %dma_start3A_77] : memref<32x125x80xi32, #tpu.memory_space<hbm>> -> memref<1x125x80xi32, #tpu.memory_space<hbm>>
      %dma_start3A_79 = tpu.memref_squeeze %dma_start3A_78 : memref<1x125x80xi32, #tpu.memory_space<hbm>> -> memref<125x80xi32, #tpu.memory_space<hbm>>
      tpu.enqueue_dma source(%dma_start3A_79 : memref<125x80xi32, #tpu.memory_space<hbm>>) target(%arg4 : memref<125x80xi32, #tpu.memory_space<vmem>>) target_semaphore(%run_scoped3A_62 : memref<!tpu.dma_semaphore, #tpu.memory_space<semaphore_mem>>)
      %dma_wait3A = arith.constant 0 : i32
      %dma_wait3A_80 = arith.constant 0 : i32
      %dma_wait3A_81 = arith.constant 0 : i32
      %dma_wait3A_82 = tpu.memref_slice %arg2[%run_scoped3A, %dma_wait3A, %dma_wait3A_80, %dma_wait3A_81] : memref<2x32x125x80xi32, #tpu.memory_space<hbm>> -> memref<1x32x125x80xi32, #tpu.memory_space<hbm>>
      %dma_wait3A_83 = tpu.memref_squeeze %dma_wait3A_82 : memref<1x32x125x80xi32, #tpu.memory_space<hbm>> -> memref<32x125x80xi32, #tpu.memory_space<hbm>>
      %dma_wait3A_84 = arith.constant 0 : i32
      %dma_wait3A_85 = arith.constant 0 : i32
      %dma_wait3A_86 = tpu.memref_slice %dma_wait3A_83[%add3A, %dma_wait3A_84, %dma_wait3A_85] : memref<32x125x80xi32, #tpu.memory_space<hbm>> -> memref<1x125x80xi32, #tpu.memory_space<hbm>>
      %dma_wait3A_87 = tpu.memref_squeeze %dma_wait3A_86 : memref<1x125x80xi32, #tpu.memory_space<hbm>> -> memref<125x80xi32, #tpu.memory_space<hbm>>
      %dma_wait3A_88 = arith.constant 0 : i32
      %dma_wait3A_89 = arith.constant 0 : i32
      %dma_wait3A_90 = arith.constant 0 : i32
      %dma_wait3A_91 = tpu.memref_slice %arg2[%run_scoped3A, %dma_wait3A_88, %dma_wait3A_89, %dma_wait3A_90] : memref<2x32x125x80xi32, #tpu.memory_space<hbm>> -> memref<1x32x125x80xi32, #tpu.memory_space<hbm>>
      %dma_wait3A_92 = tpu.memref_squeeze %dma_wait3A_91 : memref<1x32x125x80xi32, #tpu.memory_space<hbm>> -> memref<32x125x80xi32, #tpu.memory_space<hbm>>
      %dma_wait3A_93 = arith.constant 0 : i32
      %dma_wait3A_94 = arith.constant 0 : i32
      %dma_wait3A_95 = tpu.memref_slice %dma_wait3A_92[%add3A, %dma_wait3A_93, %dma_wait3A_94] : memref<32x125x80xi32, #tpu.memory_space<hbm>> -> memref<1x125x80xi32, #tpu.memory_space<hbm>>
      %dma_wait3A_96 = tpu.memref_squeeze %dma_wait3A_95 : memref<1x125x80xi32, #tpu.memory_space<hbm>> -> memref<125x80xi32, #tpu.memory_space<hbm>>
      tpu.wait_dma2 semaphore(%run_scoped3A_62 : memref<!tpu.dma_semaphore, #tpu.memory_space<semaphore_mem>>) src(%dma_wait3A_96 : memref<125x80xi32, #tpu.memory_space<hbm>>) dst(%arg4 : memref<125x80xi32, #tpu.memory_space<vmem>>)
      tpu.yield
    }) : () -> ()
    %broadcast_in_dim3A = arith.constant 0.000000e+00 : f32
    %broadcast_in_dim3A_1 = vector.broadcast %broadcast_in_dim3A : f32 to vector<16xf32>
    %scan3A = arith.constant 0 : i32
    %scan3A_2 = arith.constant 0 : i32
    %scan3A_3 = arith.constant 80 : i32
    %scan3A_4 = arith.addi %scan3A_2, %scan3A_3 : i32
    %scan3A_5 = arith.constant 4 : i32
    %scan3A_6 = scf.for %scan3A_62 = %scan3A_2 to %scan3A_4 step %scan3A_5 iter_args(%scan3A_63 = %scan3A) -> (i32)  : i32 {
      %swap3A = arith.index_cast %scan3A_62 : i32 to index
      %swap3A_64 = arith.constant 0 : index
      %swap3A_65 = tpu.vector_load %arg5[%swap3A, %swap3A_64] {strides = array<i32>} : memref<80x128xf32, #tpu.memory_space<vmem>>, vector<16xf32>,
      tpu.vector_store %arg5[%swap3A, %swap3A_64], %broadcast_in_dim3A_1 {strides = array<i32>} : memref<80x128xf32, #tpu.memory_space<vmem>>, vector<16xf32>,
      %swap3A_66 = arith.index_cast %scan3A_62 : i32 to index
      %swap3A_67 = arith.constant 16 : index
      %swap3A_68 = tpu.vector_load %arg5[%swap3A_66, %swap3A_67] {strides = array<i32>} : memref<80x128xf32, #tpu.memory_space<vmem>>, vector<16xf32>,
      tpu.vector_store %arg5[%swap3A_66, %swap3A_67], %broadcast_in_dim3A_1 {strides = array<i32>} : memref<80x128xf32, #tpu.memory_space<vmem>>, vector<16xf32>,
      %swap3A_69 = arith.index_cast %scan3A_62 : i32 to index
      %swap3A_70 = arith.constant 32 : index
      %swap3A_71 = tpu.vector_load %arg5[%swap3A_69, %swap3A_70] {strides = array<i32>} : memref<80x128xf32, #tpu.memory_space<vmem>>, vector<16xf32>,
      tpu.vector_store %arg5[%swap3A_69, %swap3A_70], %broadcast_in_dim3A_1 {strides = array<i32>} : memref<80x128xf32, #tpu.memory_space<vmem>>, vector<16xf32>,
      %swap3A_72 = arith.index_cast %scan3A_62 : i32 to index
      %swap3A_73 = arith.constant 48 : index
      %swap3A_74 = tpu.vector_load %arg5[%swap3A_72, %swap3A_73] {strides = array<i32>} : memref<80x128xf32, #tpu.memory_space<vmem>>, vector<16xf32>,
      tpu.vector_store %arg5[%swap3A_72, %swap3A_73], %broadcast_in_dim3A_1 {strides = array<i32>} : memref<80x128xf32, #tpu.memory_space<vmem>>, vector<16xf32>,
      %swap3A_75 = arith.index_cast %scan3A_62 : i32 to index
      %swap3A_76 = arith.constant 64 : index
      %swap3A_77 = tpu.vector_load %arg5[%swap3A_75, %swap3A_76] {strides = array<i32>} : memref<80x128xf32, #tpu.memory_space<vmem>>, vector<16xf32>,
      tpu.vector_store %arg5[%swap3A_75, %swap3A_76], %broadcast_in_dim3A_1 {strides = array<i32>} : memref<80x128xf32, #tpu.memory_space<vmem>>, vector<16xf32>,
      %swap3A_78 = arith.index_cast %scan3A_62 : i32 to index
      %swap3A_79 = arith.constant 80 : index
      %swap3A_80 = tpu.vector_load %arg5[%swap3A_78, %swap3A_79] {strides = array<i32>} : memref<80x128xf32, #tpu.memory_space<vmem>>, vector<16xf32>,
      tpu.vector_store %arg5[%swap3A_78, %swap3A_79], %broadcast_in_dim3A_1 {strides = array<i32>} : memref<80x128xf32, #tpu.memory_space<vmem>>, vector<16xf32>,
      %swap3A_81 = arith.index_cast %scan3A_62 : i32 to index
      %swap3A_82 = arith.constant 96 : index
      %swap3A_83 = tpu.vector_load %arg5[%swap3A_81, %swap3A_82] {strides = array<i32>} : memref<80x128xf32, #tpu.memory_space<vmem>>, vector<16xf32>,
      tpu.vector_store %arg5[%swap3A_81, %swap3A_82], %broadcast_in_dim3A_1 {strides = array<i32>} : memref<80x128xf32, #tpu.memory_space<vmem>>, vector<16xf32>,
      %swap3A_84 = arith.index_cast %scan3A_62 : i32 to index
      %swap3A_85 = arith.constant 112 : index
      %swap3A_86 = tpu.vector_load %arg5[%swap3A_84, %swap3A_85] {strides = array<i32>} : memref<80x128xf32, #tpu.memory_space<vmem>>, vector<16xf32>,
      tpu.vector_store %arg5[%swap3A_84, %swap3A_85], %broadcast_in_dim3A_1 {strides = array<i32>} : memref<80x128xf32, #tpu.memory_space<vmem>>, vector<16xf32>,
      %scan3A_87 = arith.constant 0 : i32
      %scan3A_88 = arith.constant 1 : i32
      %scan3A_89 = arith.addi %scan3A_62, %scan3A_88 : i32
      %swap3A_90 = arith.index_cast %scan3A_89 : i32 to index
      %swap3A_91 = arith.constant 0 : index
      %swap3A_92 = tpu.vector_load %arg5[%swap3A_90, %swap3A_91] {strides = array<i32>} : memref<80x128xf32, #tpu.memory_space<vmem>>, vector<16xf32>,
      tpu.vector_store %arg5[%swap3A_90, %swap3A_91], %broadcast_in_dim3A_1 {strides = array<i32>} : memref<80x128xf32, #tpu.memory_space<vmem>>, vector<16xf32>,
      %swap3A_93 = arith.index_cast %scan3A_89 : i32 to index
      %swap3A_94 = arith.constant 16 : index
      %swap3A_95 = tpu.vector_load %arg5[%swap3A_93, %swap3A_94] {strides = array<i32>} : memref<80x128xf32, #tpu.memory_space<vmem>>, vector<16xf32>,
      tpu.vector_store %arg5[%swap3A_93, %swap3A_94], %broadcast_in_dim3A_1 {strides = array<i32>} : memref<80x128xf32, #tpu.memory_space<vmem>>, vector<16xf32>,
      %swap3A_96 = arith.index_cast %scan3A_89 : i32 to index
      %swap3A_97 = arith.constant 32 : index
      %swap3A_98 = tpu.vector_load %arg5[%swap3A_96, %swap3A_97] {strides = array<i32>} : memref<80x128xf32, #tpu.memory_space<vmem>>, vector<16xf32>,
      tpu.vector_store %arg5[%swap3A_96, %swap3A_97], %broadcast_in_dim3A_1 {strides = array<i32>} : memref<80x128xf32, #tpu.memory_space<vmem>>, vector<16xf32>,
      %swap3A_99 = arith.index_cast %scan3A_89 : i32 to index
      %swap3A_100 = arith.constant 48 : index
      %swap3A_101 = tpu.vector_load %arg5[%swap3A_99, %swap3A_100] {strides = array<i32>} : memref<80x128xf32, #tpu.memory_space<vmem>>, vector<16xf32>,
      tpu.vector_store %arg5[%swap3A_99, %swap3A_100], %broadcast_in_dim3A_1 {strides = array<i32>} : memref<80x128xf32, #tpu.memory_space<vmem>>, vector<16xf32>,
      %swap3A_102 = arith.index_cast %scan3A_89 : i32 to index
      %swap3A_103 = arith.constant 64 : index
      %swap3A_104 = tpu.vector_load %arg5[%swap3A_102, %swap3A_103] {strides = array<i32>} : memref<80x128xf32, #tpu.memory_space<vmem>>, vector<16xf32>,
      tpu.vector_store %arg5[%swap3A_102, %swap3A_103], %broadcast_in_dim3A_1 {strides = array<i32>} : memref<80x128xf32, #tpu.memory_space<vmem>>, vector<16xf32>,
      %swap3A_105 = arith.index_cast %scan3A_89 : i32 to index
      %swap3A_106 = arith.constant 80 : index
      %swap3A_107 = tpu.vector_load %arg5[%swap3A_105, %swap3A_106] {strides = array<i32>} : memref<80x128xf32, #tpu.memory_space<vmem>>, vector<16xf32>,
      tpu.vector_store %arg5[%swap3A_105, %swap3A_106], %broadcast_in_dim3A_1 {strides = array<i32>} : memref<80x128xf32, #tpu.memory_space<vmem>>, vector<16xf32>,
      %swap3A_108 = arith.index_cast %scan3A_89 : i32 to index
      %swap3A_109 = arith.constant 96 : index
      %swap3A_110 = tpu.vector_load %arg5[%swap3A_108, %swap3A_109] {strides = array<i32>} : memref<80x128xf32, #tpu.memory_space<vmem>>, vector<16xf32>,
      tpu.vector_store %arg5[%swap3A_108, %swap3A_109], %broadcast_in_dim3A_1 {strides = array<i32>} : memref<80x128xf32, #tpu.memory_space<vmem>>, vector<16xf32>,
      %swap3A_111 = arith.index_cast %scan3A_89 : i32 to index
      %swap3A_112 = arith.constant 112 : index
      %swap3A_113 = tpu.vector_load %arg5[%swap3A_111, %swap3A_112] {strides = array<i32>} : memref<80x128xf32, #tpu.memory_space<vmem>>, vector<16xf32>,
      tpu.vector_store %arg5[%swap3A_111, %swap3A_112], %broadcast_in_dim3A_1 {strides = array<i32>} : memref<80x128xf32, #tpu.memory_space<vmem>>, vector<16xf32>,
      %scan3A_114 = arith.constant 0 : i32
      %scan3A_115 = arith.constant 2 : i32
      %scan3A_116 = arith.addi %scan3A_62, %scan3A_115 : i32
      %swap3A_117 = arith.index_cast %scan3A_116 : i32 to index
      %swap3A_118 = arith.constant 0 : index
      %swap3A_119 = tpu.vector_load %arg5[%swap3A_117, %swap3A_118] {strides = array<i32>} : memref<80x128xf32, #tpu.memory_space<vmem>>, vector<16xf32>,
      tpu.vector_store %arg5[%swap3A_117, %swap3A_118], %broadcast_in_dim3A_1 {strides = array<i32>} : memref<80x128xf32, #tpu.memory_space<vmem>>, vector<16xf32>,
      %swap3A_120 = arith.index_cast %scan3A_116 : i32 to index
      %swap3A_121 = arith.constant 16 : index
      %swap3A_122 = tpu.vector_load %arg5[%swap3A_120, %swap3A_121] {strides = array<i32>} : memref<80x128xf32, #tpu.memory_space<vmem>>, vector<16xf32>,
      tpu.vector_store %arg5[%swap3A_120, %swap3A_121], %broadcast_in_dim3A_1 {strides = array<i32>} : memref<80x128xf32, #tpu.memory_space<vmem>>, vector<16xf32>,
      %swap3A_123 = arith.index_cast %scan3A_116 : i32 to index
      %swap3A_124 = arith.constant 32 : index
      %swap3A_125 = tpu.vector_load %arg5[%swap3A_123, %swap3A_124] {strides = array<i32>} : memref<80x128xf32, #tpu.memory_space<vmem>>, vector<16xf32>,
      tpu.vector_store %arg5[%swap3A_123, %swap3A_124], %broadcast_in_dim3A_1 {strides = array<i32>} : memref<80x128xf32, #tpu.memory_space<vmem>>, vector<16xf32>,
      %swap3A_126 = arith.index_cast %scan3A_116 : i32 to index
      %swap3A_127 = arith.constant 48 : index
      %swap3A_128 = tpu.vector_load %arg5[%swap3A_126, %swap3A_127] {strides = array<i32>} : memref<80x128xf32, #tpu.memory_space<vmem>>, vector<16xf32>,
      tpu.vector_store %arg5[%swap3A_126, %swap3A_127], %broadcast_in_dim3A_1 {strides = array<i32>} : memref<80x128xf32, #tpu.memory_space<vmem>>, vector<16xf32>,
      %swap3A_129 = arith.index_cast %scan3A_116 : i32 to index
      %swap3A_130 = arith.constant 64 : index
      %swap3A_131 = tpu.vector_load %arg5[%swap3A_129, %swap3A_130] {strides = array<i32>} : memref<80x128xf32, #tpu.memory_space<vmem>>, vector<16xf32>,
      tpu.vector_store %arg5[%swap3A_129, %swap3A_130], %broadcast_in_dim3A_1 {strides = array<i32>} : memref<80x128xf32, #tpu.memory_space<vmem>>, vector<16xf32>,
      %swap3A_132 = arith.index_cast %scan3A_116 : i32 to index
      %swap3A_133 = arith.constant 80 : index
      %swap3A_134 = tpu.vector_load %arg5[%swap3A_132, %swap3A_133] {strides = array<i32>} : memref<80x128xf32, #tpu.memory_space<vmem>>, vector<16xf32>,
      tpu.vector_store %arg5[%swap3A_132, %swap3A_133], %broadcast_in_dim3A_1 {strides = array<i32>} : memref<80x128xf32, #tpu.memory_space<vmem>>, vector<16xf32>,
      %swap3A_135 = arith.index_cast %scan3A_116 : i32 to index
      %swap3A_136 = arith.constant 96 : index
      %swap3A_137 = tpu.vector_load %arg5[%swap3A_135, %swap3A_136] {strides = array<i32>} : memref<80x128xf32, #tpu.memory_space<vmem>>, vector<16xf32>,
      tpu.vector_store %arg5[%swap3A_135, %swap3A_136], %broadcast_in_dim3A_1 {strides = array<i32>} : memref<80x128xf32, #tpu.memory_space<vmem>>, vector<16xf32>,
      %swap3A_138 = arith.index_cast %scan3A_116 : i32 to index
      %swap3A_139 = arith.constant 112 : index
      %swap3A_140 = tpu.vector_load %arg5[%swap3A_138, %swap3A_139] {strides = array<i32>} : memref<80x128xf32, #tpu.memory_space<vmem>>, vector<16xf32>,
      tpu.vector_store %arg5[%swap3A_138, %swap3A_139], %broadcast_in_dim3A_1 {strides = array<i32>} : memref<80x128xf32, #tpu.memory_space<vmem>>, vector<16xf32>,
      %scan3A_141 = arith.constant 0 : i32
      %scan3A_142 = arith.constant 3 : i32
      %scan3A_143 = arith.addi %scan3A_62, %scan3A_142 : i32
      %swap3A_144 = arith.index_cast %scan3A_143 : i32 to index
      %swap3A_145 = arith.constant 0 : index
      %swap3A_146 = tpu.vector_load %arg5[%swap3A_144, %swap3A_145] {strides = array<i32>} : memref<80x128xf32, #tpu.memory_space<vmem>>, vector<16xf32>,
      tpu.vector_store %arg5[%swap3A_144, %swap3A_145], %broadcast_in_dim3A_1 {strides = array<i32>} : memref<80x128xf32, #tpu.memory_space<vmem>>, vector<16xf32>,
      %swap3A_147 = arith.index_cast %scan3A_143 : i32 to index
      %swap3A_148 = arith.constant 16 : index
      %swap3A_149 = tpu.vector_load %arg5[%swap3A_147, %swap3A_148] {strides = array<i32>} : memref<80x128xf32, #tpu.memory_space<vmem>>, vector<16xf32>,
      tpu.vector_store %arg5[%swap3A_147, %swap3A_148], %broadcast_in_dim3A_1 {strides = array<i32>} : memref<80x128xf32, #tpu.memory_space<vmem>>, vector<16xf32>,
      %swap3A_150 = arith.index_cast %scan3A_143 : i32 to index
      %swap3A_151 = arith.constant 32 : index
      %swap3A_152 = tpu.vector_load %arg5[%swap3A_150, %swap3A_151] {strides = array<i32>} : memref<80x128xf32, #tpu.memory_space<vmem>>, vector<16xf32>,
      tpu.vector_store %arg5[%swap3A_150, %swap3A_151], %broadcast_in_dim3A_1 {strides = array<i32>} : memref<80x128xf32, #tpu.memory_space<vmem>>, vector<16xf32>,
      %swap3A_153 = arith.index_cast %scan3A_143 : i32 to index
      %swap3A_154 = arith.constant 48 : index
      %swap3A_155 = tpu.vector_load %arg5[%swap3A_153, %swap3A_154] {strides = array<i32>} : memref<80x128xf32, #tpu.memory_space<vmem>>, vector<16xf32>,
      tpu.vector_store %arg5[%swap3A_153, %swap3A_154], %broadcast_in_dim3A_1 {strides = array<i32>} : memref<80x128xf32, #tpu.memory_space<vmem>>, vector<16xf32>,
      %swap3A_156 = arith.index_cast %scan3A_143 : i32 to index
      %swap3A_157 = arith.constant 64 : index
      %swap3A_158 = tpu.vector_load %arg5[%swap3A_156, %swap3A_157] {strides = array<i32>} : memref<80x128xf32, #tpu.memory_space<vmem>>, vector<16xf32>,
      tpu.vector_store %arg5[%swap3A_156, %swap3A_157], %broadcast_in_dim3A_1 {strides = array<i32>} : memref<80x128xf32, #tpu.memory_space<vmem>>, vector<16xf32>,
      %swap3A_159 = arith.index_cast %scan3A_143 : i32 to index
      %swap3A_160 = arith.constant 80 : index
      %swap3A_161 = tpu.vector_load %arg5[%swap3A_159, %swap3A_160] {strides = array<i32>} : memref<80x128xf32, #tpu.memory_space<vmem>>, vector<16xf32>,
      tpu.vector_store %arg5[%swap3A_159, %swap3A_160], %broadcast_in_dim3A_1 {strides = array<i32>} : memref<80x128xf32, #tpu.memory_space<vmem>>, vector<16xf32>,
      %swap3A_162 = arith.index_cast %scan3A_143 : i32 to index
      %swap3A_163 = arith.constant 96 : index
      %swap3A_164 = tpu.vector_load %arg5[%swap3A_162, %swap3A_163] {strides = array<i32>} : memref<80x128xf32, #tpu.memory_space<vmem>>, vector<16xf32>,
      tpu.vector_store %arg5[%swap3A_162, %swap3A_163], %broadcast_in_dim3A_1 {strides = array<i32>} : memref<80x128xf32, #tpu.memory_space<vmem>>, vector<16xf32>,
      %swap3A_165 = arith.index_cast %scan3A_143 : i32 to index
      %swap3A_166 = arith.constant 112 : index
      %swap3A_167 = tpu.vector_load %arg5[%swap3A_165, %swap3A_166] {strides = array<i32>} : memref<80x128xf32, #tpu.memory_space<vmem>>, vector<16xf32>,
      tpu.vector_store %arg5[%swap3A_165, %swap3A_166], %broadcast_in_dim3A_1 {strides = array<i32>} : memref<80x128xf32, #tpu.memory_space<vmem>>, vector<16xf32>,
      %scan3A_168 = arith.constant 0 : i32
      scf.yield %scan3A_168 : i32
    }
    %scan3A_7 = arith.constant 80 : i32
    %broadcast_in_dim3A_8 = arith.constant 1.000000e+00 : f32
    %broadcast_in_dim3A_9 = vector.broadcast %broadcast_in_dim3A_8 : f32 to vector<16xf32>
    %scan3A_10 = arith.constant 0 : i32
    %scan3A_11 = arith.constant 0 : i32
    %scan3A_12 = arith.constant 124 : i32
    %scan3A_13 = arith.addi %scan3A_11, %scan3A_12 : i32
    %scan3A_14 = arith.constant 2 : i32
    %scan3A_15 = scf.for %scan3A_62 = %scan3A_11 to %scan3A_13 step %scan3A_14 iter_args(%scan3A_63 = %scan3A_10) -> (i32)  : i32 {
      %get3A_64 = arith.index_cast %scan3A_62 : i32 to index
      %get3A_65 = arith.constant 0 : index
      %get3A_66 = tpu.vector_load %arg4[%get3A_64, %get3A_65] {strides = array<i32>} : memref<125x80xi32, #tpu.memory_space<vmem>>, vector<16xi32>,
      %shift_right_logical3A_67 = arith.constant 7 : i32
      %shift_right_logical3A_68 = vector.broadcast %shift_right_logical3A_67 : i32 to vector<16xi32>
      %shift_right_logical3A_69 = arith.shrui %get3A_66, %shift_right_logical3A_68 : vector<16xi32>
      %and3A_70 = arith.constant 127 : i32
      %and3A_71 = vector.broadcast %and3A_70 : i32 to vector<16xi32>
      %and3A_72 = arith.andi %get3A_66, %and3A_71 : vector<16xi32>
      tpu.vector_store_idx %arg5[%shift_right_logical3A_69, %and3A_72], %broadcast_in_dim3A_9 {add = true} : memref<80x128xf32, #tpu.memory_space<vmem>>[vector<16xi32>, vector<16xi32>], vector<16xf32>,
      %get3A_73 = arith.index_cast %scan3A_62 : i32 to index
      %get3A_74 = arith.constant 16 : index
      %get3A_75 = tpu.vector_load %arg4[%get3A_73, %get3A_74] {strides = array<i32>} : memref<125x80xi32, #tpu.memory_space<vmem>>, vector<16xi32>,
      %shift_right_logical3A_76 = arith.constant 7 : i32
      %shift_right_logical3A_77 = vector.broadcast %shift_right_logical3A_76 : i32 to vector<16xi32>
      %shift_right_logical3A_78 = arith.shrui %get3A_75, %shift_right_logical3A_77 : vector<16xi32>
      %and3A_79 = arith.constant 127 : i32
      %and3A_80 = vector.broadcast %and3A_79 : i32 to vector<16xi32>
      %and3A_81 = arith.andi %get3A_75, %and3A_80 : vector<16xi32>
      tpu.vector_store_idx %arg5[%shift_right_logical3A_78, %and3A_81], %broadcast_in_dim3A_9 {add = true} : memref<80x128xf32, #tpu.memory_space<vmem>>[vector<16xi32>, vector<16xi32>], vector<16xf32>,
      %get3A_82 = arith.index_cast %scan3A_62 : i32 to index
      %get3A_83 = arith.constant 32 : index
      %get3A_84 = tpu.vector_load %arg4[%get3A_82, %get3A_83] {strides = array<i32>} : memref<125x80xi32, #tpu.memory_space<vmem>>, vector<16xi32>,
      %shift_right_logical3A_85 = arith.constant 7 : i32
      %shift_right_logical3A_86 = vector.broadcast %shift_right_logical3A_85 : i32 to vector<16xi32>
      %shift_right_logical3A_87 = arith.shrui %get3A_84, %shift_right_logical3A_86 : vector<16xi32>
      %and3A_88 = arith.constant 127 : i32
      %and3A_89 = vector.broadcast %and3A_88 : i32 to vector<16xi32>
      %and3A_90 = arith.andi %get3A_84, %and3A_89 : vector<16xi32>
      tpu.vector_store_idx %arg5[%shift_right_logical3A_87, %and3A_90], %broadcast_in_dim3A_9 {add = true} : memref<80x128xf32, #tpu.memory_space<vmem>>[vector<16xi32>, vector<16xi32>], vector<16xf32>,
      %get3A_91 = arith.index_cast %scan3A_62 : i32 to index
      %get3A_92 = arith.constant 48 : index
      %get3A_93 = tpu.vector_load %arg4[%get3A_91, %get3A_92] {strides = array<i32>} : memref<125x80xi32, #tpu.memory_space<vmem>>, vector<16xi32>,
      %shift_right_logical3A_94 = arith.constant 7 : i32
      %shift_right_logical3A_95 = vector.broadcast %shift_right_logical3A_94 : i32 to vector<16xi32>
      %shift_right_logical3A_96 = arith.shrui %get3A_93, %shift_right_logical3A_95 : vector<16xi32>
      %and3A_97 = arith.constant 127 : i32
      %and3A_98 = vector.broadcast %and3A_97 : i32 to vector<16xi32>
      %and3A_99 = arith.andi %get3A_93, %and3A_98 : vector<16xi32>
      tpu.vector_store_idx %arg5[%shift_right_logical3A_96, %and3A_99], %broadcast_in_dim3A_9 {add = true} : memref<80x128xf32, #tpu.memory_space<vmem>>[vector<16xi32>, vector<16xi32>], vector<16xf32>,
      %get3A_100 = arith.index_cast %scan3A_62 : i32 to index
      %get3A_101 = arith.constant 64 : index
      %get3A_102 = tpu.vector_load %arg4[%get3A_100, %get3A_101] {strides = array<i32>} : memref<125x80xi32, #tpu.memory_space<vmem>>, vector<16xi32>,
      %shift_right_logical3A_103 = arith.constant 7 : i32
      %shift_right_logical3A_104 = vector.broadcast %shift_right_logical3A_103 : i32 to vector<16xi32>
      %shift_right_logical3A_105 = arith.shrui %get3A_102, %shift_right_logical3A_104 : vector<16xi32>
      %and3A_106 = arith.constant 127 : i32
      %and3A_107 = vector.broadcast %and3A_106 : i32 to vector<16xi32>
      %and3A_108 = arith.andi %get3A_102, %and3A_107 : vector<16xi32>
      tpu.vector_store_idx %arg5[%shift_right_logical3A_105, %and3A_108], %broadcast_in_dim3A_9 {add = true} : memref<80x128xf32, #tpu.memory_space<vmem>>[vector<16xi32>, vector<16xi32>], vector<16xf32>,
      %scan3A_109 = arith.constant 0 : i32
      %scan3A_110 = arith.constant 1 : i32
      %scan3A_111 = arith.addi %scan3A_62, %scan3A_110 : i32
      %get3A_112 = arith.index_cast %scan3A_111 : i32 to index
      %get3A_113 = arith.constant 0 : index
      %get3A_114 = tpu.vector_load %arg4[%get3A_112, %get3A_113] {strides = array<i32>} : memref<125x80xi32, #tpu.memory_space<vmem>>, vector<16xi32>,
      %shift_right_logical3A_115 = arith.constant 7 : i32
      %shift_right_logical3A_116 = vector.broadcast %shift_right_logical3A_115 : i32 to vector<16xi32>
      %shift_right_logical3A_117 = arith.shrui %get3A_114, %shift_right_logical3A_116 : vector<16xi32>
      %and3A_118 = arith.constant 127 : i32
      %and3A_119 = vector.broadcast %and3A_118 : i32 to vector<16xi32>
      %and3A_120 = arith.andi %get3A_114, %and3A_119 : vector<16xi32>
      tpu.vector_store_idx %arg5[%shift_right_logical3A_117, %and3A_120], %broadcast_in_dim3A_9 {add = true} : memref<80x128xf32, #tpu.memory_space<vmem>>[vector<16xi32>, vector<16xi32>], vector<16xf32>,
      %get3A_121 = arith.index_cast %scan3A_111 : i32 to index
      %get3A_122 = arith.constant 16 : index
      %get3A_123 = tpu.vector_load %arg4[%get3A_121, %get3A_122] {strides = array<i32>} : memref<125x80xi32, #tpu.memory_space<vmem>>, vector<16xi32>,
      %shift_right_logical3A_124 = arith.constant 7 : i32
      %shift_right_logical3A_125 = vector.broadcast %shift_right_logical3A_124 : i32 to vector<16xi32>
      %shift_right_logical3A_126 = arith.shrui %get3A_123, %shift_right_logical3A_125 : vector<16xi32>
      %and3A_127 = arith.constant 127 : i32
      %and3A_128 = vector.broadcast %and3A_127 : i32 to vector<16xi32>
      %and3A_129 = arith.andi %get3A_123, %and3A_128 : vector<16xi32>
      tpu.vector_store_idx %arg5[%shift_right_logical3A_126, %and3A_129], %broadcast_in_dim3A_9 {add = true} : memref<80x128xf32, #tpu.memory_space<vmem>>[vector<16xi32>, vector<16xi32>], vector<16xf32>,
      %get3A_130 = arith.index_cast %scan3A_111 : i32 to index
      %get3A_131 = arith.constant 32 : index
      %get3A_132 = tpu.vector_load %arg4[%get3A_130, %get3A_131] {strides = array<i32>} : memref<125x80xi32, #tpu.memory_space<vmem>>, vector<16xi32>,
      %shift_right_logical3A_133 = arith.constant 7 : i32
      %shift_right_logical3A_134 = vector.broadcast %shift_right_logical3A_133 : i32 to vector<16xi32>
      %shift_right_logical3A_135 = arith.shrui %get3A_132, %shift_right_logical3A_134 : vector<16xi32>
      %and3A_136 = arith.constant 127 : i32
      %and3A_137 = vector.broadcast %and3A_136 : i32 to vector<16xi32>
      %and3A_138 = arith.andi %get3A_132, %and3A_137 : vector<16xi32>
      tpu.vector_store_idx %arg5[%shift_right_logical3A_135, %and3A_138], %broadcast_in_dim3A_9 {add = true} : memref<80x128xf32, #tpu.memory_space<vmem>>[vector<16xi32>, vector<16xi32>], vector<16xf32>,
      %get3A_139 = arith.index_cast %scan3A_111 : i32 to index
      %get3A_140 = arith.constant 48 : index
      %get3A_141 = tpu.vector_load %arg4[%get3A_139, %get3A_140] {strides = array<i32>} : memref<125x80xi32, #tpu.memory_space<vmem>>, vector<16xi32>,
      %shift_right_logical3A_142 = arith.constant 7 : i32
      %shift_right_logical3A_143 = vector.broadcast %shift_right_logical3A_142 : i32 to vector<16xi32>
      %shift_right_logical3A_144 = arith.shrui %get3A_141, %shift_right_logical3A_143 : vector<16xi32>
      %and3A_145 = arith.constant 127 : i32
      %and3A_146 = vector.broadcast %and3A_145 : i32 to vector<16xi32>
      %and3A_147 = arith.andi %get3A_141, %and3A_146 : vector<16xi32>
      tpu.vector_store_idx %arg5[%shift_right_logical3A_144, %and3A_147], %broadcast_in_dim3A_9 {add = true} : memref<80x128xf32, #tpu.memory_space<vmem>>[vector<16xi32>, vector<16xi32>], vector<16xf32>,
      %get3A_148 = arith.index_cast %scan3A_111 : i32 to index
      %get3A_149 = arith.constant 64 : index
      %get3A_150 = tpu.vector_load %arg4[%get3A_148, %get3A_149] {strides = array<i32>} : memref<125x80xi32, #tpu.memory_space<vmem>>, vector<16xi32>,
      %shift_right_logical3A_151 = arith.constant 7 : i32
      %shift_right_logical3A_152 = vector.broadcast %shift_right_logical3A_151 : i32 to vector<16xi32>
      %shift_right_logical3A_153 = arith.shrui %get3A_150, %shift_right_logical3A_152 : vector<16xi32>
      %and3A_154 = arith.constant 127 : i32
      %and3A_155 = vector.broadcast %and3A_154 : i32 to vector<16xi32>
      %and3A_156 = arith.andi %get3A_150, %and3A_155 : vector<16xi32>
      tpu.vector_store_idx %arg5[%shift_right_logical3A_153, %and3A_156], %broadcast_in_dim3A_9 {add = true} : memref<80x128xf32, #tpu.memory_space<vmem>>[vector<16xi32>, vector<16xi32>], vector<16xf32>,
      %scan3A_157 = arith.constant 0 : i32
      scf.yield %scan3A_157 : i32
    }
    %scan3A_16 = arith.constant 124 : i32
    %scan3A_17 = arith.addi %scan3A_11, %scan3A_16 : i32
    %get3A = arith.index_cast %scan3A_17 : i32 to index
    %get3A_18 = arith.constant 0 : index
    %get3A_19 = tpu.vector_load %arg4[%get3A, %get3A_18] {strides = array<i32>} : memref<125x80xi32, #tpu.memory_space<vmem>>, vector<16xi32>,
    %shift_right_logical3A = arith.constant 7 : i32
    %shift_right_logical3A_20 = vector.broadcast %shift_right_logical3A : i32 to vector<16xi32>
    %shift_right_logical3A_21 = arith.shrui %get3A_19, %shift_right_logical3A_20 : vector<16xi32>
    %and3A = arith.constant 127 : i32
    %and3A_22 = vector.broadcast %and3A : i32 to vector<16xi32>
    %and3A_23 = arith.andi %get3A_19, %and3A_22 : vector<16xi32>
    tpu.vector_store_idx %arg5[%shift_right_logical3A_21, %and3A_23], %broadcast_in_dim3A_9 {add = true} : memref<80x128xf32, #tpu.memory_space<vmem>>[vector<16xi32>, vector<16xi32>], vector<16xf32>,
    %get3A_24 = arith.index_cast %scan3A_17 : i32 to index
    %get3A_25 = arith.constant 16 : index
    %get3A_26 = tpu.vector_load %arg4[%get3A_24, %get3A_25] {strides = array<i32>} : memref<125x80xi32, #tpu.memory_space<vmem>>, vector<16xi32>,
    %shift_right_logical3A_27 = arith.constant 7 : i32
    %shift_right_logical3A_28 = vector.broadcast %shift_right_logical3A_27 : i32 to vector<16xi32>
    %shift_right_logical3A_29 = arith.shrui %get3A_26, %shift_right_logical3A_28 : vector<16xi32>
    %and3A_30 = arith.constant 127 : i32
    %and3A_31 = vector.broadcast %and3A_30 : i32 to vector<16xi32>
    %and3A_32 = arith.andi %get3A_26, %and3A_31 : vector<16xi32>
    tpu.vector_store_idx %arg5[%shift_right_logical3A_29, %and3A_32], %broadcast_in_dim3A_9 {add = true} : memref<80x128xf32, #tpu.memory_space<vmem>>[vector<16xi32>, vector<16xi32>], vector<16xf32>,
    %get3A_33 = arith.index_cast %scan3A_17 : i32 to index
    %get3A_34 = arith.constant 32 : index
    %get3A_35 = tpu.vector_load %arg4[%get3A_33, %get3A_34] {strides = array<i32>} : memref<125x80xi32, #tpu.memory_space<vmem>>, vector<16xi32>,
    %shift_right_logical3A_36 = arith.constant 7 : i32
    %shift_right_logical3A_37 = vector.broadcast %shift_right_logical3A_36 : i32 to vector<16xi32>
    %shift_right_logical3A_38 = arith.shrui %get3A_35, %shift_right_logical3A_37 : vector<16xi32>
    %and3A_39 = arith.constant 127 : i32
    %and3A_40 = vector.broadcast %and3A_39 : i32 to vector<16xi32>
    %and3A_41 = arith.andi %get3A_35, %and3A_40 : vector<16xi32>
    tpu.vector_store_idx %arg5[%shift_right_logical3A_38, %and3A_41], %broadcast_in_dim3A_9 {add = true} : memref<80x128xf32, #tpu.memory_space<vmem>>[vector<16xi32>, vector<16xi32>], vector<16xf32>,
    %get3A_42 = arith.index_cast %scan3A_17 : i32 to index
    %get3A_43 = arith.constant 48 : index
    %get3A_44 = tpu.vector_load %arg4[%get3A_42, %get3A_43] {strides = array<i32>} : memref<125x80xi32, #tpu.memory_space<vmem>>, vector<16xi32>,
    %shift_right_logical3A_45 = arith.constant 7 : i32
    %shift_right_logical3A_46 = vector.broadcast %shift_right_logical3A_45 : i32 to vector<16xi32>
    %shift_right_logical3A_47 = arith.shrui %get3A_44, %shift_right_logical3A_46 : vector<16xi32>
    %and3A_48 = arith.constant 127 : i32
    %and3A_49 = vector.broadcast %and3A_48 : i32 to vector<16xi32>
    %and3A_50 = arith.andi %get3A_44, %and3A_49 : vector<16xi32>
    tpu.vector_store_idx %arg5[%shift_right_logical3A_47, %and3A_50], %broadcast_in_dim3A_9 {add = true} : memref<80x128xf32, #tpu.memory_space<vmem>>[vector<16xi32>, vector<16xi32>], vector<16xf32>,
    %get3A_51 = arith.index_cast %scan3A_17 : i32 to index
    %get3A_52 = arith.constant 64 : index
    %get3A_53 = tpu.vector_load %arg4[%get3A_51, %get3A_52] {strides = array<i32>} : memref<125x80xi32, #tpu.memory_space<vmem>>, vector<16xi32>,
    %shift_right_logical3A_54 = arith.constant 7 : i32
    %shift_right_logical3A_55 = vector.broadcast %shift_right_logical3A_54 : i32 to vector<16xi32>
    %shift_right_logical3A_56 = arith.shrui %get3A_53, %shift_right_logical3A_55 : vector<16xi32>
    %and3A_57 = arith.constant 127 : i32
    %and3A_58 = vector.broadcast %and3A_57 : i32 to vector<16xi32>
    %and3A_59 = arith.andi %get3A_53, %and3A_58 : vector<16xi32>
    tpu.vector_store_idx %arg5[%shift_right_logical3A_56, %and3A_59], %broadcast_in_dim3A_9 {add = true} : memref<80x128xf32, #tpu.memory_space<vmem>>[vector<16xi32>, vector<16xi32>], vector<16xf32>,
    %scan3A_60 = arith.constant 0 : i32
    %scan3A_61 = arith.constant 125 : i32
    "tpu.region"() ({
      %run_scoped3A_62 = tpu.sem_alloc : memref<!tpu.dma_semaphore, #tpu.memory_space<semaphore_mem>>
      %dma_start3A = arith.constant 0 : i32
      %dma_start3A_63 = arith.constant 0 : i32
      %dma_start3A_64 = tpu.memref_slice %arg3[%add3A, %dma_start3A, %dma_start3A_63] : memref<32x80x128xf32, #tpu.memory_space<hbm>> -> memref<1x80x128xf32, #tpu.memory_space<hbm>>
      %dma_start3A_65 = tpu.memref_squeeze %dma_start3A_64 : memref<1x80x128xf32, #tpu.memory_space<hbm>> -> memref<80x128xf32, #tpu.memory_space<hbm>>
      %dma_start3A_66 = arith.constant 0 : i32
      %dma_start3A_67 = arith.constant 0 : i32
      %dma_start3A_68 = tpu.memref_slice %arg3[%add3A, %dma_start3A_66, %dma_start3A_67] : memref<32x80x128xf32, #tpu.memory_space<hbm>> -> memref<1x80x128xf32, #tpu.memory_space<hbm>>
      %dma_start3A_69 = tpu.memref_squeeze %dma_start3A_68 : memref<1x80x128xf32, #tpu.memory_space<hbm>> -> memref<80x128xf32, #tpu.memory_space<hbm>>
      tpu.enqueue_dma source(%arg5 : memref<80x128xf32, #tpu.memory_space<vmem>>) target(%dma_start3A_69 : memref<80x128xf32, #tpu.memory_space<hbm>>) target_semaphore(%run_scoped3A_62 : memref<!tpu.dma_semaphore, #tpu.memory_space<semaphore_mem>>)
      %dma_wait3A = arith.constant 0 : i32
      %dma_wait3A_70 = arith.constant 0 : i32
      %dma_wait3A_71 = tpu.memref_slice %arg3[%add3A, %dma_wait3A, %dma_wait3A_70] : memref<32x80x128xf32, #tpu.memory_space<hbm>> -> memref<1x80x128xf32, #tpu.memory_space<hbm>>
      %dma_wait3A_72 = tpu.memref_squeeze %dma_wait3A_71 : memref<1x80x128xf32, #tpu.memory_space<hbm>> -> memref<80x128xf32, #tpu.memory_space<hbm>>
      %dma_wait3A_73 = arith.constant 0 : i32
      %dma_wait3A_74 = arith.constant 0 : i32
      %dma_wait3A_75 = tpu.memref_slice %arg3[%add3A, %dma_wait3A_73, %dma_wait3A_74] : memref<32x80x128xf32, #tpu.memory_space<hbm>> -> memref<1x80x128xf32, #tpu.memory_space<hbm>>
      %dma_wait3A_76 = tpu.memref_squeeze %dma_wait3A_75 : memref<1x80x128xf32, #tpu.memory_space<hbm>> -> memref<80x128xf32, #tpu.memory_space<hbm>>
      tpu.wait_dma2 semaphore(%run_scoped3A_62 : memref<!tpu.dma_semaphore, #tpu.memory_space<semaphore_mem>>) src(%arg5 : memref<80x128xf32, #tpu.memory_space<vmem>>) dst(%dma_wait3A_76 : memref<80x128xf32, #tpu.memory_space<hbm>>)
      tpu.yield
    }) : () -> ()
    return
  }
}

#map = affine_map<(d0, d1) -> (0, 0)>
#map1 = affine_map<(d0, d1) -> (0, 0, 0, 0)>
#map2 = affine_map<(d0, d1) -> (0, 0, 0)>
module attributes {stable_mosaic.version = 14 : i64} {
  func.func @_sc_spmm_body(%arg0: i32, %arg1: i32, %arg2: memref<10000x64xf32, #tpu.memory_space<hbm>>, %arg3: memref<2x32x125x80xi32, #tpu.memory_space<hbm>>, %arg4: memref<640x64xf32, #tpu.memory_space<hbm>>, %arg5: memref<2x10000x64xf32, #tpu.memory_space<hbm>>, %arg6: memref<125x80xi32, #tpu.memory_space<vmem>>, %arg7: memref<125x80xi32, #tpu.memory_space<vmem>>, %arg8: memref<5x80x64xf32, #tpu.memory_space<vmem>>, %arg9: memref<10000x64xf32, #tpu.memory_space<vmem_shared>>, %arg10: memref<5x!tpu.dma_semaphore, #tpu.memory_space<semaphore_mem>>) attributes {dimension_semantics = [#tpu.dimension_semantics<core_parallel>, #tpu.dimension_semantics<subcore_parallel>], iteration_bounds = array<i64: 2, 16>, scalar_prefetch = 0 : i64, scratch_operands = 5 : i64, tpu.core_type = #tpu.core_type<sc_vector_subcore>, window_params = [{transform_indices = #map}, {transform_indices = #map1}, {transform_indices = #map}, {transform_indices = #map2}]} {
    %mul3A = arith.constant 2 : i32
    %mul3A_0 = arith.muli %arg1, %mul3A : i32
    %add3A = arith.addi %mul3A_0, %arg0 : i32
    %run_scoped3A = arith.constant 0 : i32
    "tpu.region"() ({
      %run_scoped3A_99 = tpu.sem_alloc : memref<!tpu.dma_semaphore, #tpu.memory_space<semaphore_mem>>
      %dma_start3A_100 = arith.constant 0 : i32
      %dma_start3A_101 = arith.constant 0 : i32
      %dma_start3A_102 = arith.constant 0 : i32
      %dma_start3A_103 = tpu.memref_slice %arg3[%run_scoped3A, %dma_start3A_100, %dma_start3A_101, %dma_start3A_102] : memref<2x32x125x80xi32, #tpu.memory_space<hbm>> -> memref<1x32x125x80xi32, #tpu.memory_space<hbm>>
      %dma_start3A_104 = tpu.memref_squeeze %dma_start3A_103 : memref<1x32x125x80xi32, #tpu.memory_space<hbm>> -> memref<32x125x80xi32, #tpu.memory_space<hbm>>
      %dma_start3A_105 = arith.constant 0 : i32
      %dma_start3A_106 = arith.constant 0 : i32
      %dma_start3A_107 = tpu.memref_slice %dma_start3A_104[%add3A, %dma_start3A_105, %dma_start3A_106] : memref<32x125x80xi32, #tpu.memory_space<hbm>> -> memref<1x125x80xi32, #tpu.memory_space<hbm>>
      %dma_start3A_108 = tpu.memref_squeeze %dma_start3A_107 : memref<1x125x80xi32, #tpu.memory_space<hbm>> -> memref<125x80xi32, #tpu.memory_space<hbm>>
      %dma_start3A_109 = arith.constant 0 : i32
      %dma_start3A_110 = arith.constant 0 : i32
      %dma_start3A_111 = arith.constant 0 : i32
      %dma_start3A_112 = tpu.memref_slice %arg3[%run_scoped3A, %dma_start3A_109, %dma_start3A_110, %dma_start3A_111] : memref<2x32x125x80xi32, #tpu.memory_space<hbm>> -> memref<1x32x125x80xi32, #tpu.memory_space<hbm>>
      %dma_start3A_113 = tpu.memref_squeeze %dma_start3A_112 : memref<1x32x125x80xi32, #tpu.memory_space<hbm>> -> memref<32x125x80xi32, #tpu.memory_space<hbm>>
      %dma_start3A_114 = arith.constant 0 : i32
      %dma_start3A_115 = arith.constant 0 : i32
      %dma_start3A_116 = tpu.memref_slice %dma_start3A_113[%add3A, %dma_start3A_114, %dma_start3A_115] : memref<32x125x80xi32, #tpu.memory_space<hbm>> -> memref<1x125x80xi32, #tpu.memory_space<hbm>>
      %dma_start3A_117 = tpu.memref_squeeze %dma_start3A_116 : memref<1x125x80xi32, #tpu.memory_space<hbm>> -> memref<125x80xi32, #tpu.memory_space<hbm>>
      tpu.enqueue_dma source(%dma_start3A_117 : memref<125x80xi32, #tpu.memory_space<hbm>>) target(%arg6 : memref<125x80xi32, #tpu.memory_space<vmem>>) target_semaphore(%run_scoped3A_99 : memref<!tpu.dma_semaphore, #tpu.memory_space<semaphore_mem>>)
      %dma_wait3A = arith.constant 0 : i32
      %dma_wait3A_118 = arith.constant 0 : i32
      %dma_wait3A_119 = arith.constant 0 : i32
      %dma_wait3A_120 = tpu.memref_slice %arg3[%run_scoped3A, %dma_wait3A, %dma_wait3A_118, %dma_wait3A_119] : memref<2x32x125x80xi32, #tpu.memory_space<hbm>> -> memref<1x32x125x80xi32, #tpu.memory_space<hbm>>
      %dma_wait3A_121 = tpu.memref_squeeze %dma_wait3A_120 : memref<1x32x125x80xi32, #tpu.memory_space<hbm>> -> memref<32x125x80xi32, #tpu.memory_space<hbm>>
      %dma_wait3A_122 = arith.constant 0 : i32
      %dma_wait3A_123 = arith.constant 0 : i32
      %dma_wait3A_124 = tpu.memref_slice %dma_wait3A_121[%add3A, %dma_wait3A_122, %dma_wait3A_123] : memref<32x125x80xi32, #tpu.memory_space<hbm>> -> memref<1x125x80xi32, #tpu.memory_space<hbm>>
      %dma_wait3A_125 = tpu.memref_squeeze %dma_wait3A_124 : memref<1x125x80xi32, #tpu.memory_space<hbm>> -> memref<125x80xi32, #tpu.memory_space<hbm>>
      %dma_wait3A_126 = arith.constant 0 : i32
      %dma_wait3A_127 = arith.constant 0 : i32
      %dma_wait3A_128 = arith.constant 0 : i32
      %dma_wait3A_129 = tpu.memref_slice %arg3[%run_scoped3A, %dma_wait3A_126, %dma_wait3A_127, %dma_wait3A_128] : memref<2x32x125x80xi32, #tpu.memory_space<hbm>> -> memref<1x32x125x80xi32, #tpu.memory_space<hbm>>
      %dma_wait3A_130 = tpu.memref_squeeze %dma_wait3A_129 : memref<1x32x125x80xi32, #tpu.memory_space<hbm>> -> memref<32x125x80xi32, #tpu.memory_space<hbm>>
      %dma_wait3A_131 = arith.constant 0 : i32
      %dma_wait3A_132 = arith.constant 0 : i32
      %dma_wait3A_133 = tpu.memref_slice %dma_wait3A_130[%add3A, %dma_wait3A_131, %dma_wait3A_132] : memref<32x125x80xi32, #tpu.memory_space<hbm>> -> memref<1x125x80xi32, #tpu.memory_space<hbm>>
      %dma_wait3A_134 = tpu.memref_squeeze %dma_wait3A_133 : memref<1x125x80xi32, #tpu.memory_space<hbm>> -> memref<125x80xi32, #tpu.memory_space<hbm>>
      tpu.wait_dma2 semaphore(%run_scoped3A_99 : memref<!tpu.dma_semaphore, #tpu.memory_space<semaphore_mem>>) src(%dma_wait3A_134 : memref<125x80xi32, #tpu.memory_space<hbm>>) dst(%arg6 : memref<125x80xi32, #tpu.memory_space<vmem>>)
      tpu.yield
    }) : () -> ()
    %run_scoped3A_1 = arith.constant 1 : i32
    "tpu.region"() ({
      %run_scoped3A_99 = tpu.sem_alloc : memref<!tpu.dma_semaphore, #tpu.memory_space<semaphore_mem>>
      %dma_start3A_100 = arith.constant 0 : i32
      %dma_start3A_101 = arith.constant 0 : i32
      %dma_start3A_102 = arith.constant 0 : i32
      %dma_start3A_103 = tpu.memref_slice %arg3[%run_scoped3A_1, %dma_start3A_100, %dma_start3A_101, %dma_start3A_102] : memref<2x32x125x80xi32, #tpu.memory_space<hbm>> -> memref<1x32x125x80xi32, #tpu.memory_space<hbm>>
      %dma_start3A_104 = tpu.memref_squeeze %dma_start3A_103 : memref<1x32x125x80xi32, #tpu.memory_space<hbm>> -> memref<32x125x80xi32, #tpu.memory_space<hbm>>
      %dma_start3A_105 = arith.constant 0 : i32
      %dma_start3A_106 = arith.constant 0 : i32
      %dma_start3A_107 = tpu.memref_slice %dma_start3A_104[%add3A, %dma_start3A_105, %dma_start3A_106] : memref<32x125x80xi32, #tpu.memory_space<hbm>> -> memref<1x125x80xi32, #tpu.memory_space<hbm>>
      %dma_start3A_108 = tpu.memref_squeeze %dma_start3A_107 : memref<1x125x80xi32, #tpu.memory_space<hbm>> -> memref<125x80xi32, #tpu.memory_space<hbm>>
      %dma_start3A_109 = arith.constant 0 : i32
      %dma_start3A_110 = arith.constant 0 : i32
      %dma_start3A_111 = arith.constant 0 : i32
      %dma_start3A_112 = tpu.memref_slice %arg3[%run_scoped3A_1, %dma_start3A_109, %dma_start3A_110, %dma_start3A_111] : memref<2x32x125x80xi32, #tpu.memory_space<hbm>> -> memref<1x32x125x80xi32, #tpu.memory_space<hbm>>
      %dma_start3A_113 = tpu.memref_squeeze %dma_start3A_112 : memref<1x32x125x80xi32, #tpu.memory_space<hbm>> -> memref<32x125x80xi32, #tpu.memory_space<hbm>>
      %dma_start3A_114 = arith.constant 0 : i32
      %dma_start3A_115 = arith.constant 0 : i32
      %dma_start3A_116 = tpu.memref_slice %dma_start3A_113[%add3A, %dma_start3A_114, %dma_start3A_115] : memref<32x125x80xi32, #tpu.memory_space<hbm>> -> memref<1x125x80xi32, #tpu.memory_space<hbm>>
      %dma_start3A_117 = tpu.memref_squeeze %dma_start3A_116 : memref<1x125x80xi32, #tpu.memory_space<hbm>> -> memref<125x80xi32, #tpu.memory_space<hbm>>
      tpu.enqueue_dma source(%dma_start3A_117 : memref<125x80xi32, #tpu.memory_space<hbm>>) target(%arg7 : memref<125x80xi32, #tpu.memory_space<vmem>>) target_semaphore(%run_scoped3A_99 : memref<!tpu.dma_semaphore, #tpu.memory_space<semaphore_mem>>)
      %dma_wait3A = arith.constant 0 : i32
      %dma_wait3A_118 = arith.constant 0 : i32
      %dma_wait3A_119 = arith.constant 0 : i32
      %dma_wait3A_120 = tpu.memref_slice %arg3[%run_scoped3A_1, %dma_wait3A, %dma_wait3A_118, %dma_wait3A_119] : memref<2x32x125x80xi32, #tpu.memory_space<hbm>> -> memref<1x32x125x80xi32, #tpu.memory_space<hbm>>
      %dma_wait3A_121 = tpu.memref_squeeze %dma_wait3A_120 : memref<1x32x125x80xi32, #tpu.memory_space<hbm>> -> memref<32x125x80xi32, #tpu.memory_space<hbm>>
      %dma_wait3A_122 = arith.constant 0 : i32
      %dma_wait3A_123 = arith.constant 0 : i32
      %dma_wait3A_124 = tpu.memref_slice %dma_wait3A_121[%add3A, %dma_wait3A_122, %dma_wait3A_123] : memref<32x125x80xi32, #tpu.memory_space<hbm>> -> memref<1x125x80xi32, #tpu.memory_space<hbm>>
      %dma_wait3A_125 = tpu.memref_squeeze %dma_wait3A_124 : memref<1x125x80xi32, #tpu.memory_space<hbm>> -> memref<125x80xi32, #tpu.memory_space<hbm>>
      %dma_wait3A_126 = arith.constant 0 : i32
      %dma_wait3A_127 = arith.constant 0 : i32
      %dma_wait3A_128 = arith.constant 0 : i32
      %dma_wait3A_129 = tpu.memref_slice %arg3[%run_scoped3A_1, %dma_wait3A_126, %dma_wait3A_127, %dma_wait3A_128] : memref<2x32x125x80xi32, #tpu.memory_space<hbm>> -> memref<1x32x125x80xi32, #tpu.memory_space<hbm>>
      %dma_wait3A_130 = tpu.memref_squeeze %dma_wait3A_129 : memref<1x32x125x80xi32, #tpu.memory_space<hbm>> -> memref<32x125x80xi32, #tpu.memory_space<hbm>>
      %dma_wait3A_131 = arith.constant 0 : i32
      %dma_wait3A_132 = arith.constant 0 : i32
      %dma_wait3A_133 = tpu.memref_slice %dma_wait3A_130[%add3A, %dma_wait3A_131, %dma_wait3A_132] : memref<32x125x80xi32, #tpu.memory_space<hbm>> -> memref<1x125x80xi32, #tpu.memory_space<hbm>>
      %dma_wait3A_134 = tpu.memref_squeeze %dma_wait3A_133 : memref<1x125x80xi32, #tpu.memory_space<hbm>> -> memref<125x80xi32, #tpu.memory_space<hbm>>
      tpu.wait_dma2 semaphore(%run_scoped3A_99 : memref<!tpu.dma_semaphore, #tpu.memory_space<semaphore_mem>>) src(%dma_wait3A_134 : memref<125x80xi32, #tpu.memory_space<hbm>>) dst(%arg7 : memref<125x80xi32, #tpu.memory_space<vmem>>)
      tpu.yield
    }) : () -> ()
    %dma_start3A = arith.constant 0 : i32
    %dma_start3A_2 = arith.constant 0 : i32
    %dma_start3A_3 = arith.constant 0 : i32
    %dma_start3A_4 = arith.constant 0 : i32
    %dma_start3A_5 = arith.constant 0 : i32
    %dma_start3A_6 = tpu.memref_slice %arg8[%dma_start3A_2, %dma_start3A_4, %dma_start3A_5] : memref<5x80x64xf32, #tpu.memory_space<vmem>> -> memref<1x80x64xf32, #tpu.memory_space<vmem>>
    %dma_start3A_7 = tpu.memref_squeeze %dma_start3A_6 : memref<1x80x64xf32, #tpu.memory_space<vmem>> -> memref<80x64xf32, #tpu.memory_space<vmem>>
    %dma_start3A_8 = arith.constant 0 : i32
    %dma_start3A_9 = tpu.memref_slice %arg6[%dma_start3A, %dma_start3A_8] : memref<125x80xi32, #tpu.memory_space<vmem>> -> memref<1x80xi32, #tpu.memory_space<vmem>>
    %dma_start3A_10 = tpu.memref_squeeze %dma_start3A_9 : memref<1x80xi32, #tpu.memory_space<vmem>> -> memref<80xi32, #tpu.memory_space<vmem>>
    %dma_start3A_11 = arith.constant 0 : i32
    %dma_start3A_12 = arith.constant 0 : i32
    %dma_start3A_13 = tpu.memref_slice %arg2[%dma_start3A_11, %dma_start3A_12] : memref<10000x64xf32, #tpu.memory_space<hbm>> -> memref<10000x64xf32, #tpu.memory_space<hbm>>
    %dma_start3A_14 = tpu.memref_slice %arg10[%dma_start3A_3] : memref<5x!tpu.dma_semaphore, #tpu.memory_space<semaphore_mem>> -> memref<1x!tpu.dma_semaphore, #tpu.memory_space<semaphore_mem>>
    %dma_start3A_15 = tpu.memref_squeeze %dma_start3A_14 : memref<1x!tpu.dma_semaphore, #tpu.memory_space<semaphore_mem>> -> memref<!tpu.dma_semaphore, #tpu.memory_space<semaphore_mem>>
    tpu.enqueue_indirect_dma source(%dma_start3A_13 : memref<10000x64xf32, #tpu.memory_space<hbm>>) target(%dma_start3A_7 : memref<80x64xf32, #tpu.memory_space<vmem>>) offsets(%dma_start3A_10 : memref<80xi32, #tpu.memory_space<vmem>>) semaphore(%dma_start3A_15 : memref<!tpu.dma_semaphore, #tpu.memory_space<semaphore_mem>>)
    %dma_start3A_16 = arith.constant 1 : i32
    %dma_start3A_17 = arith.constant 1 : i32
    %dma_start3A_18 = arith.constant 1 : i32
    %dma_start3A_19 = arith.constant 0 : i32
    %dma_start3A_20 = arith.constant 0 : i32
    %dma_start3A_21 = tpu.memref_slice %arg8[%dma_start3A_17, %dma_start3A_19, %dma_start3A_20] : memref<5x80x64xf32, #tpu.memory_space<vmem>> -> memref<1x80x64xf32, #tpu.memory_space<vmem>>
    %dma_start3A_22 = tpu.memref_squeeze %dma_start3A_21 : memref<1x80x64xf32, #tpu.memory_space<vmem>> -> memref<80x64xf32, #tpu.memory_space<vmem>>
    %dma_start3A_23 = arith.constant 0 : i32
    %dma_start3A_24 = tpu.memref_slice %arg6[%dma_start3A_16, %dma_start3A_23] : memref<125x80xi32, #tpu.memory_space<vmem>> -> memref<1x80xi32, #tpu.memory_space<vmem>>
    %dma_start3A_25 = tpu.memref_squeeze %dma_start3A_24 : memref<1x80xi32, #tpu.memory_space<vmem>> -> memref<80xi32, #tpu.memory_space<vmem>>
    %dma_start3A_26 = arith.constant 0 : i32
    %dma_start3A_27 = arith.constant 0 : i32
    %dma_start3A_28 = tpu.memref_slice %arg2[%dma_start3A_26, %dma_start3A_27] : memref<10000x64xf32, #tpu.memory_space<hbm>> -> memref<10000x64xf32, #tpu.memory_space<hbm>>
    %dma_start3A_29 = tpu.memref_slice %arg10[%dma_start3A_18] : memref<5x!tpu.dma_semaphore, #tpu.memory_space<semaphore_mem>> -> memref<1x!tpu.dma_semaphore, #tpu.memory_space<semaphore_mem>>
    %dma_start3A_30 = tpu.memref_squeeze %dma_start3A_29 : memref<1x!tpu.dma_semaphore, #tpu.memory_space<semaphore_mem>> -> memref<!tpu.dma_semaphore, #tpu.memory_space<semaphore_mem>>
    tpu.enqueue_indirect_dma source(%dma_start3A_28 : memref<10000x64xf32, #tpu.memory_space<hbm>>) target(%dma_start3A_22 : memref<80x64xf32, #tpu.memory_space<vmem>>) offsets(%dma_start3A_25 : memref<80xi32, #tpu.memory_space<vmem>>) semaphore(%dma_start3A_30 : memref<!tpu.dma_semaphore, #tpu.memory_space<semaphore_mem>>)
    %dma_start3A_31 = arith.constant 2 : i32
    %dma_start3A_32 = arith.constant 2 : i32
    %dma_start3A_33 = arith.constant 2 : i32
    %dma_start3A_34 = arith.constant 0 : i32
    %dma_start3A_35 = arith.constant 0 : i32
    %dma_start3A_36 = tpu.memref_slice %arg8[%dma_start3A_32, %dma_start3A_34, %dma_start3A_35] : memref<5x80x64xf32, #tpu.memory_space<vmem>> -> memref<1x80x64xf32, #tpu.memory_space<vmem>>
    %dma_start3A_37 = tpu.memref_squeeze %dma_start3A_36 : memref<1x80x64xf32, #tpu.memory_space<vmem>> -> memref<80x64xf32, #tpu.memory_space<vmem>>
    %dma_start3A_38 = arith.constant 0 : i32
    %dma_start3A_39 = tpu.memref_slice %arg6[%dma_start3A_31, %dma_start3A_38] : memref<125x80xi32, #tpu.memory_space<vmem>> -> memref<1x80xi32, #tpu.memory_space<vmem>>
    %dma_start3A_40 = tpu.memref_squeeze %dma_start3A_39 : memref<1x80xi32, #tpu.memory_space<vmem>> -> memref<80xi32, #tpu.memory_space<vmem>>
    %dma_start3A_41 = arith.constant 0 : i32
    %dma_start3A_42 = arith.constant 0 : i32
    %dma_start3A_43 = tpu.memref_slice %arg2[%dma_start3A_41, %dma_start3A_42] : memref<10000x64xf32, #tpu.memory_space<hbm>> -> memref<10000x64xf32, #tpu.memory_space<hbm>>
    %dma_start3A_44 = tpu.memref_slice %arg10[%dma_start3A_33] : memref<5x!tpu.dma_semaphore, #tpu.memory_space<semaphore_mem>> -> memref<1x!tpu.dma_semaphore, #tpu.memory_space<semaphore_mem>>
    %dma_start3A_45 = tpu.memref_squeeze %dma_start3A_44 : memref<1x!tpu.dma_semaphore, #tpu.memory_space<semaphore_mem>> -> memref<!tpu.dma_semaphore, #tpu.memory_space<semaphore_mem>>
    tpu.enqueue_indirect_dma source(%dma_start3A_43 : memref<10000x64xf32, #tpu.memory_space<hbm>>) target(%dma_start3A_37 : memref<80x64xf32, #tpu.memory_space<vmem>>) offsets(%dma_start3A_40 : memref<80xi32, #tpu.memory_space<vmem>>) semaphore(%dma_start3A_45 : memref<!tpu.dma_semaphore, #tpu.memory_space<semaphore_mem>>)
    %dma_start3A_46 = arith.constant 3 : i32
    %dma_start3A_47 = arith.constant 3 : i32
    %dma_start3A_48 = arith.constant 3 : i32
    %dma_start3A_49 = arith.constant 0 : i32
    %dma_start3A_50 = arith.constant 0 : i32
    %dma_start3A_51 = tpu.memref_slice %arg8[%dma_start3A_47, %dma_start3A_49, %dma_start3A_50] : memref<5x80x64xf32, #tpu.memory_space<vmem>> -> memref<1x80x64xf32, #tpu.memory_space<vmem>>
    %dma_start3A_52 = tpu.memref_squeeze %dma_start3A_51 : memref<1x80x64xf32, #tpu.memory_space<vmem>> -> memref<80x64xf32, #tpu.memory_space<vmem>>
    %dma_start3A_53 = arith.constant 0 : i32
    %dma_start3A_54 = tpu.memref_slice %arg6[%dma_start3A_46, %dma_start3A_53] : memref<125x80xi32, #tpu.memory_space<vmem>> -> memref<1x80xi32, #tpu.memory_space<vmem>>
    %dma_start3A_55 = tpu.memref_squeeze %dma_start3A_54 : memref<1x80xi32, #tpu.memory_space<vmem>> -> memref<80xi32, #tpu.memory_space<vmem>>
    %dma_start3A_56 = arith.constant 0 : i32
    %dma_start3A_57 = arith.constant 0 : i32
    %dma_start3A_58 = tpu.memref_slice %arg2[%dma_start3A_56, %dma_start3A_57] : memref<10000x64xf32, #tpu.memory_space<hbm>> -> memref<10000x64xf32, #tpu.memory_space<hbm>>
    %dma_start3A_59 = tpu.memref_slice %arg10[%dma_start3A_48] : memref<5x!tpu.dma_semaphore, #tpu.memory_space<semaphore_mem>> -> memref<1x!tpu.dma_semaphore, #tpu.memory_space<semaphore_mem>>
    %dma_start3A_60 = tpu.memref_squeeze %dma_start3A_59 : memref<1x!tpu.dma_semaphore, #tpu.memory_space<semaphore_mem>> -> memref<!tpu.dma_semaphore, #tpu.memory_space<semaphore_mem>>
    tpu.enqueue_indirect_dma source(%dma_start3A_58 : memref<10000x64xf32, #tpu.memory_space<hbm>>) target(%dma_start3A_52 : memref<80x64xf32, #tpu.memory_space<vmem>>) offsets(%dma_start3A_55 : memref<80xi32, #tpu.memory_space<vmem>>) semaphore(%dma_start3A_60 : memref<!tpu.dma_semaphore, #tpu.memory_space<semaphore_mem>>)
    %dma_start3A_61 = arith.constant 4 : i32
    %dma_start3A_62 = arith.constant 4 : i32
    %dma_start3A_63 = arith.constant 4 : i32
    %dma_start3A_64 = arith.constant 0 : i32
    %dma_start3A_65 = arith.constant 0 : i32
    %dma_start3A_66 = tpu.memref_slice %arg8[%dma_start3A_62, %dma_start3A_64, %dma_start3A_65] : memref<5x80x64xf32, #tpu.memory_space<vmem>> -> memref<1x80x64xf32, #tpu.memory_space<vmem>>
    %dma_start3A_67 = tpu.memref_squeeze %dma_start3A_66 : memref<1x80x64xf32, #tpu.memory_space<vmem>> -> memref<80x64xf32, #tpu.memory_space<vmem>>
    %dma_start3A_68 = arith.constant 0 : i32
    %dma_start3A_69 = tpu.memref_slice %arg6[%dma_start3A_61, %dma_start3A_68] : memref<125x80xi32, #tpu.memory_space<vmem>> -> memref<1x80xi32, #tpu.memory_space<vmem>>
    %dma_start3A_70 = tpu.memref_squeeze %dma_start3A_69 : memref<1x80xi32, #tpu.memory_space<vmem>> -> memref<80xi32, #tpu.memory_space<vmem>>
    %dma_start3A_71 = arith.constant 0 : i32
    %dma_start3A_72 = arith.constant 0 : i32
    %dma_start3A_73 = tpu.memref_slice %arg2[%dma_start3A_71, %dma_start3A_72] : memref<10000x64xf32, #tpu.memory_space<hbm>> -> memref<10000x64xf32, #tpu.memory_space<hbm>>
    %dma_start3A_74 = tpu.memref_slice %arg10[%dma_start3A_63] : memref<5x!tpu.dma_semaphore, #tpu.memory_space<semaphore_mem>> -> memref<1x!tpu.dma_semaphore, #tpu.memory_space<semaphore_mem>>
    %dma_start3A_75 = tpu.memref_squeeze %dma_start3A_74 : memref<1x!tpu.dma_semaphore, #tpu.memory_space<semaphore_mem>> -> memref<!tpu.dma_semaphore, #tpu.memory_space<semaphore_mem>>
    tpu.enqueue_indirect_dma source(%dma_start3A_73 : memref<10000x64xf32, #tpu.memory_space<hbm>>) target(%dma_start3A_67 : memref<80x64xf32, #tpu.memory_space<vmem>>) offsets(%dma_start3A_70 : memref<80xi32, #tpu.memory_space<vmem>>) semaphore(%dma_start3A_75 : memref<!tpu.dma_semaphore, #tpu.memory_space<semaphore_mem>>)
    %lt3A = arith.constant 15 : i32
    %lt3A_76 = arith.cmpi slt, %arg1, %lt3A : i32
    %convert_element_type3A = arith.extui %lt3A_76 : i1 to i32
    %cond3A = arith.constant 0 : i32
    %cond3A_77 = arith.cmpi ne, %convert_element_type3A, %cond3A : i32
    scf.if %cond3A_77 {
      %mul3A_99 = arith.constant 624 : i32
      %mul3A_100 = arith.muli %arg1, %mul3A_99 : i32
      "tpu.region"() ({
        %run_scoped3A_101 = tpu.sem_alloc : memref<!tpu.dma_semaphore, #tpu.memory_space<semaphore_mem>>
        %dma_start3A_102 = arith.constant 0 : i32
        %dma_start3A_103 = tpu.memref_slice %arg9[%mul3A_100, %dma_start3A_102] : memref<10000x64xf32, #tpu.memory_space<vmem_shared>> -> memref<624x64xf32, #tpu.memory_space<vmem_shared>>
        %dma_start3A_104 = arith.constant 0 : i32
        %dma_start3A_105 = arith.constant 0 : i32
        %dma_start3A_106 = tpu.memref_slice %arg4[%dma_start3A_104, %dma_start3A_105] : memref<640x64xf32, #tpu.memory_space<hbm>> -> memref<624x64xf32, #tpu.memory_space<hbm>>
        tpu.enqueue_dma source(%dma_start3A_106 : memref<624x64xf32, #tpu.memory_space<hbm>>) target(%dma_start3A_103 : memref<624x64xf32, #tpu.memory_space<vmem_shared>>) target_semaphore(%run_scoped3A_101 : memref<!tpu.dma_semaphore, #tpu.memory_space<semaphore_mem>>)
        %dma_wait3A = arith.constant 0 : i32
        %dma_wait3A_107 = tpu.memref_slice %arg9[%mul3A_100, %dma_wait3A] : memref<10000x64xf32, #tpu.memory_space<vmem_shared>> -> memref<624x64xf32, #tpu.memory_space<vmem_shared>>
        %dma_wait3A_108 = arith.constant 0 : i32
        %dma_wait3A_109 = arith.constant 0 : i32
        %dma_wait3A_110 = tpu.memref_slice %arg4[%dma_wait3A_108, %dma_wait3A_109] : memref<640x64xf32, #tpu.memory_space<hbm>> -> memref<624x64xf32, #tpu.memory_space<hbm>>
        tpu.wait_dma2 semaphore(%run_scoped3A_101 : memref<!tpu.dma_semaphore, #tpu.memory_space<semaphore_mem>>) src(%dma_wait3A_110 : memref<624x64xf32, #tpu.memory_space<hbm>>) dst(%dma_wait3A_107 : memref<624x64xf32, #tpu.memory_space<vmem_shared>>)
        tpu.yield
      }) : () -> ()
    } else {
    }
    %eq3A = arith.constant 15 : i32
    %eq3A_78 = arith.cmpi eq, %arg1, %eq3A : i32
    %convert_element_type3A_79 = arith.extui %eq3A_78 : i1 to i32
    %cond3A_80 = arith.constant 0 : i32
    %cond3A_81 = arith.cmpi ne, %convert_element_type3A_79, %cond3A_80 : i32
    scf.if %cond3A_81 {
      "tpu.region"() ({
        %run_scoped3A_99 = tpu.sem_alloc : memref<!tpu.dma_semaphore, #tpu.memory_space<semaphore_mem>>
        %dma_start3A_100 = arith.constant 9360 : i32
        %dma_start3A_101 = arith.constant 0 : i32
        %dma_start3A_102 = tpu.memref_slice %arg9[%dma_start3A_100, %dma_start3A_101] : memref<10000x64xf32, #tpu.memory_space<vmem_shared>> -> memref<640x64xf32, #tpu.memory_space<vmem_shared>>
        tpu.enqueue_dma source(%arg4 : memref<640x64xf32, #tpu.memory_space<hbm>>) target(%dma_start3A_102 : memref<640x64xf32, #tpu.memory_space<vmem_shared>>) target_semaphore(%run_scoped3A_99 : memref<!tpu.dma_semaphore, #tpu.memory_space<semaphore_mem>>)
        %dma_wait3A = arith.constant 9360 : i32
        %dma_wait3A_103 = arith.constant 0 : i32
        %dma_wait3A_104 = tpu.memref_slice %arg9[%dma_wait3A, %dma_wait3A_103] : memref<10000x64xf32, #tpu.memory_space<vmem_shared>> -> memref<640x64xf32, #tpu.memory_space<vmem_shared>>
        tpu.wait_dma2 semaphore(%run_scoped3A_99 : memref<!tpu.dma_semaphore, #tpu.memory_space<semaphore_mem>>) src(%arg4 : memref<640x64xf32, #tpu.memory_space<hbm>>) dst(%dma_wait3A_104 : memref<640x64xf32, #tpu.memory_space<vmem_shared>>)
        tpu.yield
      }) : () -> ()
    } else {
    }
    %barrier3A = arith.constant 0 : index
    tpu.barrier barrier_id(%barrier3A)
    %scan3A = arith.constant 0 : i32
    %scan3A_82 = arith.constant 0 : i32
    %scan3A_83 = arith.constant 25 : i32
    %scan3A_84 = arith.addi %scan3A_82, %scan3A_83 : i32
    %scan3A_85 = arith.constant 1 : i32
    %scan3A_86 = scf.for %scan3A_99 = %scan3A_82 to %scan3A_84 step %scan3A_85 iter_args(%scan3A_100 = %scan3A) -> (i32)  : i32 {
      %mul3A_101 = arith.constant 5 : i32
      %mul3A_102 = arith.muli %scan3A_99, %mul3A_101 : i32
      %add3A_103 = arith.constant 0 : i32
      %add3A_104 = arith.addi %mul3A_102, %add3A_103 : i32
      %dma_wait3A = arith.constant 0 : i32
      %dma_wait3A_105 = arith.constant 0 : i32
      %dma_wait3A_106 = arith.constant 0 : i32
      %dma_wait3A_107 = arith.constant 0 : i32
      %dma_wait3A_108 = tpu.memref_slice %arg8[%dma_wait3A, %dma_wait3A_106, %dma_wait3A_107] : memref<5x80x64xf32, #tpu.memory_space<vmem>> -> memref<1x80x64xf32, #tpu.memory_space<vmem>>
      %dma_wait3A_109 = tpu.memref_squeeze %dma_wait3A_108 : memref<1x80x64xf32, #tpu.memory_space<vmem>> -> memref<80x64xf32, #tpu.memory_space<vmem>>
      %dma_wait3A_110 = arith.constant 0 : i32
      %dma_wait3A_111 = tpu.memref_slice %arg6[%add3A_104, %dma_wait3A_110] : memref<125x80xi32, #tpu.memory_space<vmem>> -> memref<1x80xi32, #tpu.memory_space<vmem>>
      %dma_wait3A_112 = tpu.memref_squeeze %dma_wait3A_111 : memref<1x80xi32, #tpu.memory_space<vmem>> -> memref<80xi32, #tpu.memory_space<vmem>>
      %dma_wait3A_113 = arith.constant 0 : i32
      %dma_wait3A_114 = arith.constant 0 : i32
      %dma_wait3A_115 = tpu.memref_slice %arg2[%dma_wait3A_113, %dma_wait3A_114] : memref<10000x64xf32, #tpu.memory_space<hbm>> -> memref<10000x64xf32, #tpu.memory_space<hbm>>
      %dma_wait3A_116 = tpu.memref_slice %arg10[%dma_wait3A_105] : memref<5x!tpu.dma_semaphore, #tpu.memory_space<semaphore_mem>> -> memref<1x!tpu.dma_semaphore, #tpu.memory_space<semaphore_mem>>
      %dma_wait3A_117 = tpu.memref_squeeze %dma_wait3A_116 : memref<1x!tpu.dma_semaphore, #tpu.memory_space<semaphore_mem>> -> memref<!tpu.dma_semaphore, #tpu.memory_space<semaphore_mem>>
      tpu.wait_indirect_dma semaphore(%dma_wait3A_117 : memref<!tpu.dma_semaphore, #tpu.memory_space<semaphore_mem>>) src(%dma_wait3A_115 : memref<10000x64xf32, #tpu.memory_space<hbm>>) dst(%dma_wait3A_109 : memref<80x64xf32, #tpu.memory_space<vmem>>)
      %run_scoped3A_118 = arith.constant 0 : i32
      "tpu.region"() ({
        %run_scoped3A_231 = tpu.sem_alloc : memref<!tpu.dma_semaphore, #tpu.memory_space<semaphore_mem>>
        %dma_start3A_232 = arith.constant 0 : i32
        %dma_start3A_233 = arith.constant 0 : i32
        %dma_start3A_234 = tpu.memref_slice %arg8[%run_scoped3A_118, %dma_start3A_232, %dma_start3A_233] : memref<5x80x64xf32, #tpu.memory_space<vmem>> -> memref<1x80x64xf32, #tpu.memory_space<vmem>>
        %dma_start3A_235 = tpu.memref_squeeze %dma_start3A_234 : memref<1x80x64xf32, #tpu.memory_space<vmem>> -> memref<80x64xf32, #tpu.memory_space<vmem>>
        %dma_start3A_236 = arith.constant 0 : i32
        %dma_start3A_237 = tpu.memref_slice %arg7[%add3A_104, %dma_start3A_236] : memref<125x80xi32, #tpu.memory_space<vmem>> -> memref<1x80xi32, #tpu.memory_space<vmem>>
        %dma_start3A_238 = tpu.memref_squeeze %dma_start3A_237 : memref<1x80xi32, #tpu.memory_space<vmem>> -> memref<80xi32, #tpu.memory_space<vmem>>
        %dma_start3A_239 = arith.constant 0 : i32
        %dma_start3A_240 = arith.constant 0 : i32
        %dma_start3A_241 = tpu.memref_slice %arg9[%dma_start3A_239, %dma_start3A_240] : memref<10000x64xf32, #tpu.memory_space<vmem_shared>> -> memref<10000x64xf32, #tpu.memory_space<vmem_shared>>
        tpu.enqueue_indirect_dma source(%dma_start3A_235 : memref<80x64xf32, #tpu.memory_space<vmem>>) target(%dma_start3A_241 : memref<10000x64xf32, #tpu.memory_space<vmem_shared>>) offsets(%dma_start3A_238 : memref<80xi32, #tpu.memory_space<vmem>>) semaphore(%run_scoped3A_231 : memref<!tpu.dma_semaphore, #tpu.memory_space<semaphore_mem>>) {add = true}
        %dma_wait3A_242 = arith.constant 0 : i32
        %dma_wait3A_243 = arith.constant 0 : i32
        %dma_wait3A_244 = tpu.memref_slice %arg8[%run_scoped3A_118, %dma_wait3A_242, %dma_wait3A_243] : memref<5x80x64xf32, #tpu.memory_space<vmem>> -> memref<1x80x64xf32, #tpu.memory_space<vmem>>
        %dma_wait3A_245 = tpu.memref_squeeze %dma_wait3A_244 : memref<1x80x64xf32, #tpu.memory_space<vmem>> -> memref<80x64xf32, #tpu.memory_space<vmem>>
        %dma_wait3A_246 = arith.constant 0 : i32
        %dma_wait3A_247 = tpu.memref_slice %arg7[%add3A_104, %dma_wait3A_246] : memref<125x80xi32, #tpu.memory_space<vmem>> -> memref<1x80xi32, #tpu.memory_space<vmem>>
        %dma_wait3A_248 = tpu.memref_squeeze %dma_wait3A_247 : memref<1x80xi32, #tpu.memory_space<vmem>> -> memref<80xi32, #tpu.memory_space<vmem>>
        %dma_wait3A_249 = arith.constant 0 : i32
        %dma_wait3A_250 = arith.constant 0 : i32
        %dma_wait3A_251 = tpu.memref_slice %arg9[%dma_wait3A_249, %dma_wait3A_250] : memref<10000x64xf32, #tpu.memory_space<vmem_shared>> -> memref<10000x64xf32, #tpu.memory_space<vmem_shared>>
        tpu.wait_indirect_dma semaphore(%run_scoped3A_231 : memref<!tpu.dma_semaphore, #tpu.memory_space<semaphore_mem>>) src(%dma_wait3A_245 : memref<80x64xf32, #tpu.memory_space<vmem>>) dst(%dma_wait3A_251 : memref<10000x64xf32, #tpu.memory_space<vmem_shared>>)
        tpu.yield
      }) : () -> ()
      %add3A_119 = arith.constant 5 : i32
      %add3A_120 = arith.addi %add3A_104, %add3A_119 : i32
      %lt3A_121 = arith.constant 125 : i32
      %lt3A_122 = arith.cmpi slt, %add3A_120, %lt3A_121 : i32
      %convert_element_type3A_123 = arith.extui %lt3A_122 : i1 to i32
      %cond3A_124 = arith.constant 0 : i32
      %cond3A_125 = arith.cmpi ne, %convert_element_type3A_123, %cond3A_124 : i32
      scf.if %cond3A_125 {
        %add3A_231 = arith.constant 5 : i32
        %add3A_232 = arith.addi %add3A_104, %add3A_231 : i32
        %dma_start3A_233 = arith.constant 0 : i32
        %dma_start3A_234 = arith.constant 0 : i32
        %dma_start3A_235 = arith.constant 0 : i32
        %dma_start3A_236 = arith.constant 0 : i32
        %dma_start3A_237 = tpu.memref_slice %arg8[%dma_start3A_233, %dma_start3A_235, %dma_start3A_236] : memref<5x80x64xf32, #tpu.memory_space<vmem>> -> memref<1x80x64xf32, #tpu.memory_space<vmem>>
        %dma_start3A_238 = tpu.memref_squeeze %dma_start3A_237 : memref<1x80x64xf32, #tpu.memory_space<vmem>> -> memref<80x64xf32, #tpu.memory_space<vmem>>
        %dma_start3A_239 = arith.constant 0 : i32
        %dma_start3A_240 = tpu.memref_slice %arg6[%add3A_232, %dma_start3A_239] : memref<125x80xi32, #tpu.memory_space<vmem>> -> memref<1x80xi32, #tpu.memory_space<vmem>>
        %dma_start3A_241 = tpu.memref_squeeze %dma_start3A_240 : memref<1x80xi32, #tpu.memory_space<vmem>> -> memref<80xi32, #tpu.memory_space<vmem>>
        %dma_start3A_242 = arith.constant 0 : i32
        %dma_start3A_243 = arith.constant 0 : i32
        %dma_start3A_244 = tpu.memref_slice %arg2[%dma_start3A_242, %dma_start3A_243] : memref<10000x64xf32, #tpu.memory_space<hbm>> -> memref<10000x64xf32, #tpu.memory_space<hbm>>
        %dma_start3A_245 = tpu.memref_slice %arg10[%dma_start3A_234] : memref<5x!tpu.dma_semaphore, #tpu.memory_space<semaphore_mem>> -> memref<1x!tpu.dma_semaphore, #tpu.memory_space<semaphore_mem>>
        %dma_start3A_246 = tpu.memref_squeeze %dma_start3A_245 : memref<1x!tpu.dma_semaphore, #tpu.memory_space<semaphore_mem>> -> memref<!tpu.dma_semaphore, #tpu.memory_space<semaphore_mem>>
        tpu.enqueue_indirect_dma source(%dma_start3A_244 : memref<10000x64xf32, #tpu.memory_space<hbm>>) target(%dma_start3A_238 : memref<80x64xf32, #tpu.memory_space<vmem>>) offsets(%dma_start3A_241 : memref<80xi32, #tpu.memory_space<vmem>>) semaphore(%dma_start3A_246 : memref<!tpu.dma_semaphore, #tpu.memory_space<semaphore_mem>>)
      } else {
      }
      %mul3A_126 = arith.constant 5 : i32
      %mul3A_127 = arith.muli %scan3A_99, %mul3A_126 : i32
      %add3A_128 = arith.constant 1 : i32
      %add3A_129 = arith.addi %mul3A_127, %add3A_128 : i32
      %dma_wait3A_130 = arith.constant 1 : i32
      %dma_wait3A_131 = arith.constant 1 : i32
      %dma_wait3A_132 = arith.constant 0 : i32
      %dma_wait3A_133 = arith.constant 0 : i32
      %dma_wait3A_134 = tpu.memref_slice %arg8[%dma_wait3A_130, %dma_wait3A_132, %dma_wait3A_133] : memref<5x80x64xf32, #tpu.memory_space<vmem>> -> memref<1x80x64xf32, #tpu.memory_space<vmem>>
      %dma_wait3A_135 = tpu.memref_squeeze %dma_wait3A_134 : memref<1x80x64xf32, #tpu.memory_space<vmem>> -> memref<80x64xf32, #tpu.memory_space<vmem>>
      %dma_wait3A_136 = arith.constant 0 : i32
      %dma_wait3A_137 = tpu.memref_slice %arg6[%add3A_129, %dma_wait3A_136] : memref<125x80xi32, #tpu.memory_space<vmem>> -> memref<1x80xi32, #tpu.memory_space<vmem>>
      %dma_wait3A_138 = tpu.memref_squeeze %dma_wait3A_137 : memref<1x80xi32, #tpu.memory_space<vmem>> -> memref<80xi32, #tpu.memory_space<vmem>>
      %dma_wait3A_139 = arith.constant 0 : i32
      %dma_wait3A_140 = arith.constant 0 : i32
      %dma_wait3A_141 = tpu.memref_slice %arg2[%dma_wait3A_139, %dma_wait3A_140] : memref<10000x64xf32, #tpu.memory_space<hbm>> -> memref<10000x64xf32, #tpu.memory_space<hbm>>
      %dma_wait3A_142 = tpu.memref_slice %arg10[%dma_wait3A_131] : memref<5x!tpu.dma_semaphore, #tpu.memory_space<semaphore_mem>> -> memref<1x!tpu.dma_semaphore, #tpu.memory_space<semaphore_mem>>
      %dma_wait3A_143 = tpu.memref_squeeze %dma_wait3A_142 : memref<1x!tpu.dma_semaphore, #tpu.memory_space<semaphore_mem>> -> memref<!tpu.dma_semaphore, #tpu.memory_space<semaphore_mem>>
      tpu.wait_indirect_dma semaphore(%dma_wait3A_143 : memref<!tpu.dma_semaphore, #tpu.memory_space<semaphore_mem>>) src(%dma_wait3A_141 : memref<10000x64xf32, #tpu.memory_space<hbm>>) dst(%dma_wait3A_135 : memref<80x64xf32, #tpu.memory_space<vmem>>)
      %run_scoped3A_144 = arith.constant 1 : i32
      "tpu.region"() ({
        %run_scoped3A_231 = tpu.sem_alloc : memref<!tpu.dma_semaphore, #tpu.memory_space<semaphore_mem>>
        %dma_start3A_232 = arith.constant 0 : i32
        %dma_start3A_233 = arith.constant 0 : i32
        %dma_start3A_234 = tpu.memref_slice %arg8[%run_scoped3A_144, %dma_start3A_232, %dma_start3A_233] : memref<5x80x64xf32, #tpu.memory_space<vmem>> -> memref<1x80x64xf32, #tpu.memory_space<vmem>>
        %dma_start3A_235 = tpu.memref_squeeze %dma_start3A_234 : memref<1x80x64xf32, #tpu.memory_space<vmem>> -> memref<80x64xf32, #tpu.memory_space<vmem>>
        %dma_start3A_236 = arith.constant 0 : i32
        %dma_start3A_237 = tpu.memref_slice %arg7[%add3A_129, %dma_start3A_236] : memref<125x80xi32, #tpu.memory_space<vmem>> -> memref<1x80xi32, #tpu.memory_space<vmem>>
        %dma_start3A_238 = tpu.memref_squeeze %dma_start3A_237 : memref<1x80xi32, #tpu.memory_space<vmem>> -> memref<80xi32, #tpu.memory_space<vmem>>
        %dma_start3A_239 = arith.constant 0 : i32
        %dma_start3A_240 = arith.constant 0 : i32
        %dma_start3A_241 = tpu.memref_slice %arg9[%dma_start3A_239, %dma_start3A_240] : memref<10000x64xf32, #tpu.memory_space<vmem_shared>> -> memref<10000x64xf32, #tpu.memory_space<vmem_shared>>
        tpu.enqueue_indirect_dma source(%dma_start3A_235 : memref<80x64xf32, #tpu.memory_space<vmem>>) target(%dma_start3A_241 : memref<10000x64xf32, #tpu.memory_space<vmem_shared>>) offsets(%dma_start3A_238 : memref<80xi32, #tpu.memory_space<vmem>>) semaphore(%run_scoped3A_231 : memref<!tpu.dma_semaphore, #tpu.memory_space<semaphore_mem>>) {add = true}
        %dma_wait3A_242 = arith.constant 0 : i32
        %dma_wait3A_243 = arith.constant 0 : i32
        %dma_wait3A_244 = tpu.memref_slice %arg8[%run_scoped3A_144, %dma_wait3A_242, %dma_wait3A_243] : memref<5x80x64xf32, #tpu.memory_space<vmem>> -> memref<1x80x64xf32, #tpu.memory_space<vmem>>
        %dma_wait3A_245 = tpu.memref_squeeze %dma_wait3A_244 : memref<1x80x64xf32, #tpu.memory_space<vmem>> -> memref<80x64xf32, #tpu.memory_space<vmem>>
        %dma_wait3A_246 = arith.constant 0 : i32
        %dma_wait3A_247 = tpu.memref_slice %arg7[%add3A_129, %dma_wait3A_246] : memref<125x80xi32, #tpu.memory_space<vmem>> -> memref<1x80xi32, #tpu.memory_space<vmem>>
        %dma_wait3A_248 = tpu.memref_squeeze %dma_wait3A_247 : memref<1x80xi32, #tpu.memory_space<vmem>> -> memref<80xi32, #tpu.memory_space<vmem>>
        %dma_wait3A_249 = arith.constant 0 : i32
        %dma_wait3A_250 = arith.constant 0 : i32
        %dma_wait3A_251 = tpu.memref_slice %arg9[%dma_wait3A_249, %dma_wait3A_250] : memref<10000x64xf32, #tpu.memory_space<vmem_shared>> -> memref<10000x64xf32, #tpu.memory_space<vmem_shared>>
        tpu.wait_indirect_dma semaphore(%run_scoped3A_231 : memref<!tpu.dma_semaphore, #tpu.memory_space<semaphore_mem>>) src(%dma_wait3A_245 : memref<80x64xf32, #tpu.memory_space<vmem>>) dst(%dma_wait3A_251 : memref<10000x64xf32, #tpu.memory_space<vmem_shared>>)
        tpu.yield
      }) : () -> ()
      %add3A_145 = arith.constant 5 : i32
      %add3A_146 = arith.addi %add3A_129, %add3A_145 : i32
      %lt3A_147 = arith.constant 125 : i32
      %lt3A_148 = arith.cmpi slt, %add3A_146, %lt3A_147 : i32
      %convert_element_type3A_149 = arith.extui %lt3A_148 : i1 to i32
      %cond3A_150 = arith.constant 0 : i32
      %cond3A_151 = arith.cmpi ne, %convert_element_type3A_149, %cond3A_150 : i32
      scf.if %cond3A_151 {
        %add3A_231 = arith.constant 5 : i32
        %add3A_232 = arith.addi %add3A_129, %add3A_231 : i32
        %dma_start3A_233 = arith.constant 1 : i32
        %dma_start3A_234 = arith.constant 1 : i32
        %dma_start3A_235 = arith.constant 0 : i32
        %dma_start3A_236 = arith.constant 0 : i32
        %dma_start3A_237 = tpu.memref_slice %arg8[%dma_start3A_233, %dma_start3A_235, %dma_start3A_236] : memref<5x80x64xf32, #tpu.memory_space<vmem>> -> memref<1x80x64xf32, #tpu.memory_space<vmem>>
        %dma_start3A_238 = tpu.memref_squeeze %dma_start3A_237 : memref<1x80x64xf32, #tpu.memory_space<vmem>> -> memref<80x64xf32, #tpu.memory_space<vmem>>
        %dma_start3A_239 = arith.constant 0 : i32
        %dma_start3A_240 = tpu.memref_slice %arg6[%add3A_232, %dma_start3A_239] : memref<125x80xi32, #tpu.memory_space<vmem>> -> memref<1x80xi32, #tpu.memory_space<vmem>>
        %dma_start3A_241 = tpu.memref_squeeze %dma_start3A_240 : memref<1x80xi32, #tpu.memory_space<vmem>> -> memref<80xi32, #tpu.memory_space<vmem>>
        %dma_start3A_242 = arith.constant 0 : i32
        %dma_start3A_243 = arith.constant 0 : i32
        %dma_start3A_244 = tpu.memref_slice %arg2[%dma_start3A_242, %dma_start3A_243] : memref<10000x64xf32, #tpu.memory_space<hbm>> -> memref<10000x64xf32, #tpu.memory_space<hbm>>
        %dma_start3A_245 = tpu.memref_slice %arg10[%dma_start3A_234] : memref<5x!tpu.dma_semaphore, #tpu.memory_space<semaphore_mem>> -> memref<1x!tpu.dma_semaphore, #tpu.memory_space<semaphore_mem>>
        %dma_start3A_246 = tpu.memref_squeeze %dma_start3A_245 : memref<1x!tpu.dma_semaphore, #tpu.memory_space<semaphore_mem>> -> memref<!tpu.dma_semaphore, #tpu.memory_space<semaphore_mem>>
        tpu.enqueue_indirect_dma source(%dma_start3A_244 : memref<10000x64xf32, #tpu.memory_space<hbm>>) target(%dma_start3A_238 : memref<80x64xf32, #tpu.memory_space<vmem>>) offsets(%dma_start3A_241 : memref<80xi32, #tpu.memory_space<vmem>>) semaphore(%dma_start3A_246 : memref<!tpu.dma_semaphore, #tpu.memory_space<semaphore_mem>>)
      } else {
      }
      %mul3A_152 = arith.constant 5 : i32
      %mul3A_153 = arith.muli %scan3A_99, %mul3A_152 : i32
      %add3A_154 = arith.constant 2 : i32
      %add3A_155 = arith.addi %mul3A_153, %add3A_154 : i32
      %dma_wait3A_156 = arith.constant 2 : i32
      %dma_wait3A_157 = arith.constant 2 : i32
      %dma_wait3A_158 = arith.constant 0 : i32
      %dma_wait3A_159 = arith.constant 0 : i32
      %dma_wait3A_160 = tpu.memref_slice %arg8[%dma_wait3A_156, %dma_wait3A_158, %dma_wait3A_159] : memref<5x80x64xf32, #tpu.memory_space<vmem>> -> memref<1x80x64xf32, #tpu.memory_space<vmem>>
      %dma_wait3A_161 = tpu.memref_squeeze %dma_wait3A_160 : memref<1x80x64xf32, #tpu.memory_space<vmem>> -> memref<80x64xf32, #tpu.memory_space<vmem>>
      %dma_wait3A_162 = arith.constant 0 : i32
      %dma_wait3A_163 = tpu.memref_slice %arg6[%add3A_155, %dma_wait3A_162] : memref<125x80xi32, #tpu.memory_space<vmem>> -> memref<1x80xi32, #tpu.memory_space<vmem>>
      %dma_wait3A_164 = tpu.memref_squeeze %dma_wait3A_163 : memref<1x80xi32, #tpu.memory_space<vmem>> -> memref<80xi32, #tpu.memory_space<vmem>>
      %dma_wait3A_165 = arith.constant 0 : i32
      %dma_wait3A_166 = arith.constant 0 : i32
      %dma_wait3A_167 = tpu.memref_slice %arg2[%dma_wait3A_165, %dma_wait3A_166] : memref<10000x64xf32, #tpu.memory_space<hbm>> -> memref<10000x64xf32, #tpu.memory_space<hbm>>
      %dma_wait3A_168 = tpu.memref_slice %arg10[%dma_wait3A_157] : memref<5x!tpu.dma_semaphore, #tpu.memory_space<semaphore_mem>> -> memref<1x!tpu.dma_semaphore, #tpu.memory_space<semaphore_mem>>
      %dma_wait3A_169 = tpu.memref_squeeze %dma_wait3A_168 : memref<1x!tpu.dma_semaphore, #tpu.memory_space<semaphore_mem>> -> memref<!tpu.dma_semaphore, #tpu.memory_space<semaphore_mem>>
      tpu.wait_indirect_dma semaphore(%dma_wait3A_169 : memref<!tpu.dma_semaphore, #tpu.memory_space<semaphore_mem>>) src(%dma_wait3A_167 : memref<10000x64xf32, #tpu.memory_space<hbm>>) dst(%dma_wait3A_161 : memref<80x64xf32, #tpu.memory_space<vmem>>)
      %run_scoped3A_170 = arith.constant 2 : i32
      "tpu.region"() ({
        %run_scoped3A_231 = tpu.sem_alloc : memref<!tpu.dma_semaphore, #tpu.memory_space<semaphore_mem>>
        %dma_start3A_232 = arith.constant 0 : i32
        %dma_start3A_233 = arith.constant 0 : i32
        %dma_start3A_234 = tpu.memref_slice %arg8[%run_scoped3A_170, %dma_start3A_232, %dma_start3A_233] : memref<5x80x64xf32, #tpu.memory_space<vmem>> -> memref<1x80x64xf32, #tpu.memory_space<vmem>>
        %dma_start3A_235 = tpu.memref_squeeze %dma_start3A_234 : memref<1x80x64xf32, #tpu.memory_space<vmem>> -> memref<80x64xf32, #tpu.memory_space<vmem>>
        %dma_start3A_236 = arith.constant 0 : i32
        %dma_start3A_237 = tpu.memref_slice %arg7[%add3A_155, %dma_start3A_236] : memref<125x80xi32, #tpu.memory_space<vmem>> -> memref<1x80xi32, #tpu.memory_space<vmem>>
        %dma_start3A_238 = tpu.memref_squeeze %dma_start3A_237 : memref<1x80xi32, #tpu.memory_space<vmem>> -> memref<80xi32, #tpu.memory_space<vmem>>
        %dma_start3A_239 = arith.constant 0 : i32
        %dma_start3A_240 = arith.constant 0 : i32
        %dma_start3A_241 = tpu.memref_slice %arg9[%dma_start3A_239, %dma_start3A_240] : memref<10000x64xf32, #tpu.memory_space<vmem_shared>> -> memref<10000x64xf32, #tpu.memory_space<vmem_shared>>
        tpu.enqueue_indirect_dma source(%dma_start3A_235 : memref<80x64xf32, #tpu.memory_space<vmem>>) target(%dma_start3A_241 : memref<10000x64xf32, #tpu.memory_space<vmem_shared>>) offsets(%dma_start3A_238 : memref<80xi32, #tpu.memory_space<vmem>>) semaphore(%run_scoped3A_231 : memref<!tpu.dma_semaphore, #tpu.memory_space<semaphore_mem>>) {add = true}
        %dma_wait3A_242 = arith.constant 0 : i32
        %dma_wait3A_243 = arith.constant 0 : i32
        %dma_wait3A_244 = tpu.memref_slice %arg8[%run_scoped3A_170, %dma_wait3A_242, %dma_wait3A_243] : memref<5x80x64xf32, #tpu.memory_space<vmem>> -> memref<1x80x64xf32, #tpu.memory_space<vmem>>
        %dma_wait3A_245 = tpu.memref_squeeze %dma_wait3A_244 : memref<1x80x64xf32, #tpu.memory_space<vmem>> -> memref<80x64xf32, #tpu.memory_space<vmem>>
        %dma_wait3A_246 = arith.constant 0 : i32
        %dma_wait3A_247 = tpu.memref_slice %arg7[%add3A_155, %dma_wait3A_246] : memref<125x80xi32, #tpu.memory_space<vmem>> -> memref<1x80xi32, #tpu.memory_space<vmem>>
        %dma_wait3A_248 = tpu.memref_squeeze %dma_wait3A_247 : memref<1x80xi32, #tpu.memory_space<vmem>> -> memref<80xi32, #tpu.memory_space<vmem>>
        %dma_wait3A_249 = arith.constant 0 : i32
        %dma_wait3A_250 = arith.constant 0 : i32
        %dma_wait3A_251 = tpu.memref_slice %arg9[%dma_wait3A_249, %dma_wait3A_250] : memref<10000x64xf32, #tpu.memory_space<vmem_shared>> -> memref<10000x64xf32, #tpu.memory_space<vmem_shared>>
        tpu.wait_indirect_dma semaphore(%run_scoped3A_231 : memref<!tpu.dma_semaphore, #tpu.memory_space<semaphore_mem>>) src(%dma_wait3A_245 : memref<80x64xf32, #tpu.memory_space<vmem>>) dst(%dma_wait3A_251 : memref<10000x64xf32, #tpu.memory_space<vmem_shared>>)
        tpu.yield
      }) : () -> ()
      %add3A_171 = arith.constant 5 : i32
      %add3A_172 = arith.addi %add3A_155, %add3A_171 : i32
      %lt3A_173 = arith.constant 125 : i32
      %lt3A_174 = arith.cmpi slt, %add3A_172, %lt3A_173 : i32
      %convert_element_type3A_175 = arith.extui %lt3A_174 : i1 to i32
      %cond3A_176 = arith.constant 0 : i32
      %cond3A_177 = arith.cmpi ne, %convert_element_type3A_175, %cond3A_176 : i32
      scf.if %cond3A_177 {
        %add3A_231 = arith.constant 5 : i32
        %add3A_232 = arith.addi %add3A_155, %add3A_231 : i32
        %dma_start3A_233 = arith.constant 2 : i32
        %dma_start3A_234 = arith.constant 2 : i32
        %dma_start3A_235 = arith.constant 0 : i32
        %dma_start3A_236 = arith.constant 0 : i32
        %dma_start3A_237 = tpu.memref_slice %arg8[%dma_start3A_233, %dma_start3A_235, %dma_start3A_236] : memref<5x80x64xf32, #tpu.memory_space<vmem>> -> memref<1x80x64xf32, #tpu.memory_space<vmem>>
        %dma_start3A_238 = tpu.memref_squeeze %dma_start3A_237 : memref<1x80x64xf32, #tpu.memory_space<vmem>> -> memref<80x64xf32, #tpu.memory_space<vmem>>
        %dma_start3A_239 = arith.constant 0 : i32
        %dma_start3A_240 = tpu.memref_slice %arg6[%add3A_232, %dma_start3A_239] : memref<125x80xi32, #tpu.memory_space<vmem>> -> memref<1x80xi32, #tpu.memory_space<vmem>>
        %dma_start3A_241 = tpu.memref_squeeze %dma_start3A_240 : memref<1x80xi32, #tpu.memory_space<vmem>> -> memref<80xi32, #tpu.memory_space<vmem>>
        %dma_start3A_242 = arith.constant 0 : i32
        %dma_start3A_243 = arith.constant 0 : i32
        %dma_start3A_244 = tpu.memref_slice %arg2[%dma_start3A_242, %dma_start3A_243] : memref<10000x64xf32, #tpu.memory_space<hbm>> -> memref<10000x64xf32, #tpu.memory_space<hbm>>
        %dma_start3A_245 = tpu.memref_slice %arg10[%dma_start3A_234] : memref<5x!tpu.dma_semaphore, #tpu.memory_space<semaphore_mem>> -> memref<1x!tpu.dma_semaphore, #tpu.memory_space<semaphore_mem>>
        %dma_start3A_246 = tpu.memref_squeeze %dma_start3A_245 : memref<1x!tpu.dma_semaphore, #tpu.memory_space<semaphore_mem>> -> memref<!tpu.dma_semaphore, #tpu.memory_space<semaphore_mem>>
        tpu.enqueue_indirect_dma source(%dma_start3A_244 : memref<10000x64xf32, #tpu.memory_space<hbm>>) target(%dma_start3A_238 : memref<80x64xf32, #tpu.memory_space<vmem>>) offsets(%dma_start3A_241 : memref<80xi32, #tpu.memory_space<vmem>>) semaphore(%dma_start3A_246 : memref<!tpu.dma_semaphore, #tpu.memory_space<semaphore_mem>>)
      } else {
      }
      %mul3A_178 = arith.constant 5 : i32
      %mul3A_179 = arith.muli %scan3A_99, %mul3A_178 : i32
      %add3A_180 = arith.constant 3 : i32
      %add3A_181 = arith.addi %mul3A_179, %add3A_180 : i32
      %dma_wait3A_182 = arith.constant 3 : i32
      %dma_wait3A_183 = arith.constant 3 : i32
      %dma_wait3A_184 = arith.constant 0 : i32
      %dma_wait3A_185 = arith.constant 0 : i32
      %dma_wait3A_186 = tpu.memref_slice %arg8[%dma_wait3A_182, %dma_wait3A_184, %dma_wait3A_185] : memref<5x80x64xf32, #tpu.memory_space<vmem>> -> memref<1x80x64xf32, #tpu.memory_space<vmem>>
      %dma_wait3A_187 = tpu.memref_squeeze %dma_wait3A_186 : memref<1x80x64xf32, #tpu.memory_space<vmem>> -> memref<80x64xf32, #tpu.memory_space<vmem>>
      %dma_wait3A_188 = arith.constant 0 : i32
      %dma_wait3A_189 = tpu.memref_slice %arg6[%add3A_181, %dma_wait3A_188] : memref<125x80xi32, #tpu.memory_space<vmem>> -> memref<1x80xi32, #tpu.memory_space<vmem>>
      %dma_wait3A_190 = tpu.memref_squeeze %dma_wait3A_189 : memref<1x80xi32, #tpu.memory_space<vmem>> -> memref<80xi32, #tpu.memory_space<vmem>>
      %dma_wait3A_191 = arith.constant 0 : i32
      %dma_wait3A_192 = arith.constant 0 : i32
      %dma_wait3A_193 = tpu.memref_slice %arg2[%dma_wait3A_191, %dma_wait3A_192] : memref<10000x64xf32, #tpu.memory_space<hbm>> -> memref<10000x64xf32, #tpu.memory_space<hbm>>
      %dma_wait3A_194 = tpu.memref_slice %arg10[%dma_wait3A_183] : memref<5x!tpu.dma_semaphore, #tpu.memory_space<semaphore_mem>> -> memref<1x!tpu.dma_semaphore, #tpu.memory_space<semaphore_mem>>
      %dma_wait3A_195 = tpu.memref_squeeze %dma_wait3A_194 : memref<1x!tpu.dma_semaphore, #tpu.memory_space<semaphore_mem>> -> memref<!tpu.dma_semaphore, #tpu.memory_space<semaphore_mem>>
      tpu.wait_indirect_dma semaphore(%dma_wait3A_195 : memref<!tpu.dma_semaphore, #tpu.memory_space<semaphore_mem>>) src(%dma_wait3A_193 : memref<10000x64xf32, #tpu.memory_space<hbm>>) dst(%dma_wait3A_187 : memref<80x64xf32, #tpu.memory_space<vmem>>)
      %run_scoped3A_196 = arith.constant 3 : i32
      "tpu.region"() ({
        %run_scoped3A_231 = tpu.sem_alloc : memref<!tpu.dma_semaphore, #tpu.memory_space<semaphore_mem>>
        %dma_start3A_232 = arith.constant 0 : i32
        %dma_start3A_233 = arith.constant 0 : i32
        %dma_start3A_234 = tpu.memref_slice %arg8[%run_scoped3A_196, %dma_start3A_232, %dma_start3A_233] : memref<5x80x64xf32, #tpu.memory_space<vmem>> -> memref<1x80x64xf32, #tpu.memory_space<vmem>>
        %dma_start3A_235 = tpu.memref_squeeze %dma_start3A_234 : memref<1x80x64xf32, #tpu.memory_space<vmem>> -> memref<80x64xf32, #tpu.memory_space<vmem>>
        %dma_start3A_236 = arith.constant 0 : i32
        %dma_start3A_237 = tpu.memref_slice %arg7[%add3A_181, %dma_start3A_236] : memref<125x80xi32, #tpu.memory_space<vmem>> -> memref<1x80xi32, #tpu.memory_space<vmem>>
        %dma_start3A_238 = tpu.memref_squeeze %dma_start3A_237 : memref<1x80xi32, #tpu.memory_space<vmem>> -> memref<80xi32, #tpu.memory_space<vmem>>
        %dma_start3A_239 = arith.constant 0 : i32
        %dma_start3A_240 = arith.constant 0 : i32
        %dma_start3A_241 = tpu.memref_slice %arg9[%dma_start3A_239, %dma_start3A_240] : memref<10000x64xf32, #tpu.memory_space<vmem_shared>> -> memref<10000x64xf32, #tpu.memory_space<vmem_shared>>
        tpu.enqueue_indirect_dma source(%dma_start3A_235 : memref<80x64xf32, #tpu.memory_space<vmem>>) target(%dma_start3A_241 : memref<10000x64xf32, #tpu.memory_space<vmem_shared>>) offsets(%dma_start3A_238 : memref<80xi32, #tpu.memory_space<vmem>>) semaphore(%run_scoped3A_231 : memref<!tpu.dma_semaphore, #tpu.memory_space<semaphore_mem>>) {add = true}
        %dma_wait3A_242 = arith.constant 0 : i32
        %dma_wait3A_243 = arith.constant 0 : i32
        %dma_wait3A_244 = tpu.memref_slice %arg8[%run_scoped3A_196, %dma_wait3A_242, %dma_wait3A_243] : memref<5x80x64xf32, #tpu.memory_space<vmem>> -> memref<1x80x64xf32, #tpu.memory_space<vmem>>
        %dma_wait3A_245 = tpu.memref_squeeze %dma_wait3A_244 : memref<1x80x64xf32, #tpu.memory_space<vmem>> -> memref<80x64xf32, #tpu.memory_space<vmem>>
        %dma_wait3A_246 = arith.constant 0 : i32
        %dma_wait3A_247 = tpu.memref_slice %arg7[%add3A_181, %dma_wait3A_246] : memref<125x80xi32, #tpu.memory_space<vmem>> -> memref<1x80xi32, #tpu.memory_space<vmem>>
        %dma_wait3A_248 = tpu.memref_squeeze %dma_wait3A_247 : memref<1x80xi32, #tpu.memory_space<vmem>> -> memref<80xi32, #tpu.memory_space<vmem>>
        %dma_wait3A_249 = arith.constant 0 : i32
        %dma_wait3A_250 = arith.constant 0 : i32
        %dma_wait3A_251 = tpu.memref_slice %arg9[%dma_wait3A_249, %dma_wait3A_250] : memref<10000x64xf32, #tpu.memory_space<vmem_shared>> -> memref<10000x64xf32, #tpu.memory_space<vmem_shared>>
        tpu.wait_indirect_dma semaphore(%run_scoped3A_231 : memref<!tpu.dma_semaphore, #tpu.memory_space<semaphore_mem>>) src(%dma_wait3A_245 : memref<80x64xf32, #tpu.memory_space<vmem>>) dst(%dma_wait3A_251 : memref<10000x64xf32, #tpu.memory_space<vmem_shared>>)
        tpu.yield
      }) : () -> ()
      %add3A_197 = arith.constant 5 : i32
      %add3A_198 = arith.addi %add3A_181, %add3A_197 : i32
      %lt3A_199 = arith.constant 125 : i32
      %lt3A_200 = arith.cmpi slt, %add3A_198, %lt3A_199 : i32
      %convert_element_type3A_201 = arith.extui %lt3A_200 : i1 to i32
      %cond3A_202 = arith.constant 0 : i32
      %cond3A_203 = arith.cmpi ne, %convert_element_type3A_201, %cond3A_202 : i32
      scf.if %cond3A_203 {
        %add3A_231 = arith.constant 5 : i32
        %add3A_232 = arith.addi %add3A_181, %add3A_231 : i32
        %dma_start3A_233 = arith.constant 3 : i32
        %dma_start3A_234 = arith.constant 3 : i32
        %dma_start3A_235 = arith.constant 0 : i32
        %dma_start3A_236 = arith.constant 0 : i32
        %dma_start3A_237 = tpu.memref_slice %arg8[%dma_start3A_233, %dma_start3A_235, %dma_start3A_236] : memref<5x80x64xf32, #tpu.memory_space<vmem>> -> memref<1x80x64xf32, #tpu.memory_space<vmem>>
        %dma_start3A_238 = tpu.memref_squeeze %dma_start3A_237 : memref<1x80x64xf32, #tpu.memory_space<vmem>> -> memref<80x64xf32, #tpu.memory_space<vmem>>
        %dma_start3A_239 = arith.constant 0 : i32
        %dma_start3A_240 = tpu.memref_slice %arg6[%add3A_232, %dma_start3A_239] : memref<125x80xi32, #tpu.memory_space<vmem>> -> memref<1x80xi32, #tpu.memory_space<vmem>>
        %dma_start3A_241 = tpu.memref_squeeze %dma_start3A_240 : memref<1x80xi32, #tpu.memory_space<vmem>> -> memref<80xi32, #tpu.memory_space<vmem>>
        %dma_start3A_242 = arith.constant 0 : i32
        %dma_start3A_243 = arith.constant 0 : i32
        %dma_start3A_244 = tpu.memref_slice %arg2[%dma_start3A_242, %dma_start3A_243] : memref<10000x64xf32, #tpu.memory_space<hbm>> -> memref<10000x64xf32, #tpu.memory_space<hbm>>
        %dma_start3A_245 = tpu.memref_slice %arg10[%dma_start3A_234] : memref<5x!tpu.dma_semaphore, #tpu.memory_space<semaphore_mem>> -> memref<1x!tpu.dma_semaphore, #tpu.memory_space<semaphore_mem>>
        %dma_start3A_246 = tpu.memref_squeeze %dma_start3A_245 : memref<1x!tpu.dma_semaphore, #tpu.memory_space<semaphore_mem>> -> memref<!tpu.dma_semaphore, #tpu.memory_space<semaphore_mem>>
        tpu.enqueue_indirect_dma source(%dma_start3A_244 : memref<10000x64xf32, #tpu.memory_space<hbm>>) target(%dma_start3A_238 : memref<80x64xf32, #tpu.memory_space<vmem>>) offsets(%dma_start3A_241 : memref<80xi32, #tpu.memory_space<vmem>>) semaphore(%dma_start3A_246 : memref<!tpu.dma_semaphore, #tpu.memory_space<semaphore_mem>>)
      } else {
      }
      %mul3A_204 = arith.constant 5 : i32
      %mul3A_205 = arith.muli %scan3A_99, %mul3A_204 : i32
      %add3A_206 = arith.constant 4 : i32
      %add3A_207 = arith.addi %mul3A_205, %add3A_206 : i32
      %dma_wait3A_208 = arith.constant 4 : i32
      %dma_wait3A_209 = arith.constant 4 : i32
      %dma_wait3A_210 = arith.constant 0 : i32
      %dma_wait3A_211 = arith.constant 0 : i32
      %dma_wait3A_212 = tpu.memref_slice %arg8[%dma_wait3A_208, %dma_wait3A_210, %dma_wait3A_211] : memref<5x80x64xf32, #tpu.memory_space<vmem>> -> memref<1x80x64xf32, #tpu.memory_space<vmem>>
      %dma_wait3A_213 = tpu.memref_squeeze %dma_wait3A_212 : memref<1x80x64xf32, #tpu.memory_space<vmem>> -> memref<80x64xf32, #tpu.memory_space<vmem>>
      %dma_wait3A_214 = arith.constant 0 : i32
      %dma_wait3A_215 = tpu.memref_slice %arg6[%add3A_207, %dma_wait3A_214] : memref<125x80xi32, #tpu.memory_space<vmem>> -> memref<1x80xi32, #tpu.memory_space<vmem>>
      %dma_wait3A_216 = tpu.memref_squeeze %dma_wait3A_215 : memref<1x80xi32, #tpu.memory_space<vmem>> -> memref<80xi32, #tpu.memory_space<vmem>>
      %dma_wait3A_217 = arith.constant 0 : i32
      %dma_wait3A_218 = arith.constant 0 : i32
      %dma_wait3A_219 = tpu.memref_slice %arg2[%dma_wait3A_217, %dma_wait3A_218] : memref<10000x64xf32, #tpu.memory_space<hbm>> -> memref<10000x64xf32, #tpu.memory_space<hbm>>
      %dma_wait3A_220 = tpu.memref_slice %arg10[%dma_wait3A_209] : memref<5x!tpu.dma_semaphore, #tpu.memory_space<semaphore_mem>> -> memref<1x!tpu.dma_semaphore, #tpu.memory_space<semaphore_mem>>
      %dma_wait3A_221 = tpu.memref_squeeze %dma_wait3A_220 : memref<1x!tpu.dma_semaphore, #tpu.memory_space<semaphore_mem>> -> memref<!tpu.dma_semaphore, #tpu.memory_space<semaphore_mem>>
      tpu.wait_indirect_dma semaphore(%dma_wait3A_221 : memref<!tpu.dma_semaphore, #tpu.memory_space<semaphore_mem>>) src(%dma_wait3A_219 : memref<10000x64xf32, #tpu.memory_space<hbm>>) dst(%dma_wait3A_213 : memref<80x64xf32, #tpu.memory_space<vmem>>)
      %run_scoped3A_222 = arith.constant 4 : i32
      "tpu.region"() ({
        %run_scoped3A_231 = tpu.sem_alloc : memref<!tpu.dma_semaphore, #tpu.memory_space<semaphore_mem>>
        %dma_start3A_232 = arith.constant 0 : i32
        %dma_start3A_233 = arith.constant 0 : i32
        %dma_start3A_234 = tpu.memref_slice %arg8[%run_scoped3A_222, %dma_start3A_232, %dma_start3A_233] : memref<5x80x64xf32, #tpu.memory_space<vmem>> -> memref<1x80x64xf32, #tpu.memory_space<vmem>>
        %dma_start3A_235 = tpu.memref_squeeze %dma_start3A_234 : memref<1x80x64xf32, #tpu.memory_space<vmem>> -> memref<80x64xf32, #tpu.memory_space<vmem>>
        %dma_start3A_236 = arith.constant 0 : i32
        %dma_start3A_237 = tpu.memref_slice %arg7[%add3A_207, %dma_start3A_236] : memref<125x80xi32, #tpu.memory_space<vmem>> -> memref<1x80xi32, #tpu.memory_space<vmem>>
        %dma_start3A_238 = tpu.memref_squeeze %dma_start3A_237 : memref<1x80xi32, #tpu.memory_space<vmem>> -> memref<80xi32, #tpu.memory_space<vmem>>
        %dma_start3A_239 = arith.constant 0 : i32
        %dma_start3A_240 = arith.constant 0 : i32
        %dma_start3A_241 = tpu.memref_slice %arg9[%dma_start3A_239, %dma_start3A_240] : memref<10000x64xf32, #tpu.memory_space<vmem_shared>> -> memref<10000x64xf32, #tpu.memory_space<vmem_shared>>
        tpu.enqueue_indirect_dma source(%dma_start3A_235 : memref<80x64xf32, #tpu.memory_space<vmem>>) target(%dma_start3A_241 : memref<10000x64xf32, #tpu.memory_space<vmem_shared>>) offsets(%dma_start3A_238 : memref<80xi32, #tpu.memory_space<vmem>>) semaphore(%run_scoped3A_231 : memref<!tpu.dma_semaphore, #tpu.memory_space<semaphore_mem>>) {add = true}
        %dma_wait3A_242 = arith.constant 0 : i32
        %dma_wait3A_243 = arith.constant 0 : i32
        %dma_wait3A_244 = tpu.memref_slice %arg8[%run_scoped3A_222, %dma_wait3A_242, %dma_wait3A_243] : memref<5x80x64xf32, #tpu.memory_space<vmem>> -> memref<1x80x64xf32, #tpu.memory_space<vmem>>
        %dma_wait3A_245 = tpu.memref_squeeze %dma_wait3A_244 : memref<1x80x64xf32, #tpu.memory_space<vmem>> -> memref<80x64xf32, #tpu.memory_space<vmem>>
        %dma_wait3A_246 = arith.constant 0 : i32
        %dma_wait3A_247 = tpu.memref_slice %arg7[%add3A_207, %dma_wait3A_246] : memref<125x80xi32, #tpu.memory_space<vmem>> -> memref<1x80xi32, #tpu.memory_space<vmem>>
        %dma_wait3A_248 = tpu.memref_squeeze %dma_wait3A_247 : memref<1x80xi32, #tpu.memory_space<vmem>> -> memref<80xi32, #tpu.memory_space<vmem>>
        %dma_wait3A_249 = arith.constant 0 : i32
        %dma_wait3A_250 = arith.constant 0 : i32
        %dma_wait3A_251 = tpu.memref_slice %arg9[%dma_wait3A_249, %dma_wait3A_250] : memref<10000x64xf32, #tpu.memory_space<vmem_shared>> -> memref<10000x64xf32, #tpu.memory_space<vmem_shared>>
        tpu.wait_indirect_dma semaphore(%run_scoped3A_231 : memref<!tpu.dma_semaphore, #tpu.memory_space<semaphore_mem>>) src(%dma_wait3A_245 : memref<80x64xf32, #tpu.memory_space<vmem>>) dst(%dma_wait3A_251 : memref<10000x64xf32, #tpu.memory_space<vmem_shared>>)
        tpu.yield
      }) : () -> ()
      %add3A_223 = arith.constant 5 : i32
      %add3A_224 = arith.addi %add3A_207, %add3A_223 : i32
      %lt3A_225 = arith.constant 125 : i32
      %lt3A_226 = arith.cmpi slt, %add3A_224, %lt3A_225 : i32
      %convert_element_type3A_227 = arith.extui %lt3A_226 : i1 to i32
      %cond3A_228 = arith.constant 0 : i32
      %cond3A_229 = arith.cmpi ne, %convert_element_type3A_227, %cond3A_228 : i32
      scf.if %cond3A_229 {
        %add3A_231 = arith.constant 5 : i32
        %add3A_232 = arith.addi %add3A_207, %add3A_231 : i32
        %dma_start3A_233 = arith.constant 4 : i32
        %dma_start3A_234 = arith.constant 4 : i32
        %dma_start3A_235 = arith.constant 0 : i32
        %dma_start3A_236 = arith.constant 0 : i32
        %dma_start3A_237 = tpu.memref_slice %arg8[%dma_start3A_233, %dma_start3A_235, %dma_start3A_236] : memref<5x80x64xf32, #tpu.memory_space<vmem>> -> memref<1x80x64xf32, #tpu.memory_space<vmem>>
        %dma_start3A_238 = tpu.memref_squeeze %dma_start3A_237 : memref<1x80x64xf32, #tpu.memory_space<vmem>> -> memref<80x64xf32, #tpu.memory_space<vmem>>
        %dma_start3A_239 = arith.constant 0 : i32
        %dma_start3A_240 = tpu.memref_slice %arg6[%add3A_232, %dma_start3A_239] : memref<125x80xi32, #tpu.memory_space<vmem>> -> memref<1x80xi32, #tpu.memory_space<vmem>>
        %dma_start3A_241 = tpu.memref_squeeze %dma_start3A_240 : memref<1x80xi32, #tpu.memory_space<vmem>> -> memref<80xi32, #tpu.memory_space<vmem>>
        %dma_start3A_242 = arith.constant 0 : i32
        %dma_start3A_243 = arith.constant 0 : i32
        %dma_start3A_244 = tpu.memref_slice %arg2[%dma_start3A_242, %dma_start3A_243] : memref<10000x64xf32, #tpu.memory_space<hbm>> -> memref<10000x64xf32, #tpu.memory_space<hbm>>
        %dma_start3A_245 = tpu.memref_slice %arg10[%dma_start3A_234] : memref<5x!tpu.dma_semaphore, #tpu.memory_space<semaphore_mem>> -> memref<1x!tpu.dma_semaphore, #tpu.memory_space<semaphore_mem>>
        %dma_start3A_246 = tpu.memref_squeeze %dma_start3A_245 : memref<1x!tpu.dma_semaphore, #tpu.memory_space<semaphore_mem>> -> memref<!tpu.dma_semaphore, #tpu.memory_space<semaphore_mem>>
        tpu.enqueue_indirect_dma source(%dma_start3A_244 : memref<10000x64xf32, #tpu.memory_space<hbm>>) target(%dma_start3A_238 : memref<80x64xf32, #tpu.memory_space<vmem>>) offsets(%dma_start3A_241 : memref<80xi32, #tpu.memory_space<vmem>>) semaphore(%dma_start3A_246 : memref<!tpu.dma_semaphore, #tpu.memory_space<semaphore_mem>>)
      } else {
      }
      %scan3A_230 = arith.constant 0 : i32
      scf.yield %scan3A_230 : i32
    }
    %scan3A_87 = arith.constant 25 : i32
    %barrier3A_88 = arith.constant 0 : index
    tpu.barrier barrier_id(%barrier3A_88)
    %lt3A_89 = arith.constant 15 : i32
    %lt3A_90 = arith.cmpi slt, %arg1, %lt3A_89 : i32
    %convert_element_type3A_91 = arith.extui %lt3A_90 : i1 to i32
    %cond3A_92 = arith.constant 0 : i32
    %cond3A_93 = arith.cmpi ne, %convert_element_type3A_91, %cond3A_92 : i32
    scf.if %cond3A_93 {
      %mul3A_99 = arith.constant 624 : i32
      %mul3A_100 = arith.muli %arg1, %mul3A_99 : i32
      %mul3A_101 = arith.constant 624 : i32
      %mul3A_102 = arith.muli %arg1, %mul3A_101 : i32
      "tpu.region"() ({
        %run_scoped3A_103 = tpu.sem_alloc : memref<!tpu.dma_semaphore, #tpu.memory_space<semaphore_mem>>
        %dma_start3A_104 = arith.constant 0 : i32
        %dma_start3A_105 = tpu.memref_slice %arg5[%arg0, %mul3A_102, %dma_start3A_104] : memref<2x10000x64xf32, #tpu.memory_space<hbm>> -> memref<1x624x64xf32, #tpu.memory_space<hbm>>
        %dma_start3A_106 = tpu.memref_squeeze %dma_start3A_105 : memref<1x624x64xf32, #tpu.memory_space<hbm>> -> memref<624x64xf32, #tpu.memory_space<hbm>>
        %dma_start3A_107 = arith.constant 0 : i32
        %dma_start3A_108 = tpu.memref_slice %arg9[%mul3A_100, %dma_start3A_107] : memref<10000x64xf32, #tpu.memory_space<vmem_shared>> -> memref<624x64xf32, #tpu.memory_space<vmem_shared>>
        tpu.enqueue_dma source(%dma_start3A_108 : memref<624x64xf32, #tpu.memory_space<vmem_shared>>) target(%dma_start3A_106 : memref<624x64xf32, #tpu.memory_space<hbm>>) target_semaphore(%run_scoped3A_103 : memref<!tpu.dma_semaphore, #tpu.memory_space<semaphore_mem>>)
        %dma_wait3A = arith.constant 0 : i32
        %dma_wait3A_109 = tpu.memref_slice %arg5[%arg0, %mul3A_102, %dma_wait3A] : memref<2x10000x64xf32, #tpu.memory_space<hbm>> -> memref<1x624x64xf32, #tpu.memory_space<hbm>>
        %dma_wait3A_110 = tpu.memref_squeeze %dma_wait3A_109 : memref<1x624x64xf32, #tpu.memory_space<hbm>> -> memref<624x64xf32, #tpu.memory_space<hbm>>
        %dma_wait3A_111 = arith.constant 0 : i32
        %dma_wait3A_112 = tpu.memref_slice %arg9[%mul3A_100, %dma_wait3A_111] : memref<10000x64xf32, #tpu.memory_space<vmem_shared>> -> memref<624x64xf32, #tpu.memory_space<vmem_shared>>
        tpu.wait_dma2 semaphore(%run_scoped3A_103 : memref<!tpu.dma_semaphore, #tpu.memory_space<semaphore_mem>>) src(%dma_wait3A_112 : memref<624x64xf32, #tpu.memory_space<vmem_shared>>) dst(%dma_wait3A_110 : memref<624x64xf32, #tpu.memory_space<hbm>>)
        tpu.yield
      }) : () -> ()
    } else {
    }
    %eq3A_94 = arith.constant 15 : i32
    %eq3A_95 = arith.cmpi eq, %arg1, %eq3A_94 : i32
    %convert_element_type3A_96 = arith.extui %eq3A_95 : i1 to i32
    %cond3A_97 = arith.constant 0 : i32
    %cond3A_98 = arith.cmpi ne, %convert_element_type3A_96, %cond3A_97 : i32
    scf.if %cond3A_98 {
      "tpu.region"() ({
        %run_scoped3A_99 = tpu.sem_alloc : memref<!tpu.dma_semaphore, #tpu.memory_space<semaphore_mem>>
        %dma_start3A_100 = arith.constant 9360 : i32
        %dma_start3A_101 = arith.constant 0 : i32
        %dma_start3A_102 = tpu.memref_slice %arg5[%arg0, %dma_start3A_100, %dma_start3A_101] : memref<2x10000x64xf32, #tpu.memory_space<hbm>> -> memref<1x640x64xf32, #tpu.memory_space<hbm>>
        %dma_start3A_103 = tpu.memref_squeeze %dma_start3A_102 : memref<1x640x64xf32, #tpu.memory_space<hbm>> -> memref<640x64xf32, #tpu.memory_space<hbm>>
        %dma_start3A_104 = arith.constant 9360 : i32
        %dma_start3A_105 = arith.constant 0 : i32
        %dma_start3A_106 = tpu.memref_slice %arg9[%dma_start3A_104, %dma_start3A_105] : memref<10000x64xf32, #tpu.memory_space<vmem_shared>> -> memref<640x64xf32, #tpu.memory_space<vmem_shared>>
        tpu.enqueue_dma source(%dma_start3A_106 : memref<640x64xf32, #tpu.memory_space<vmem_shared>>) target(%dma_start3A_103 : memref<640x64xf32, #tpu.memory_space<hbm>>) target_semaphore(%run_scoped3A_99 : memref<!tpu.dma_semaphore, #tpu.memory_space<semaphore_mem>>)
        %dma_wait3A = arith.constant 9360 : i32
        %dma_wait3A_107 = arith.constant 0 : i32
        %dma_wait3A_108 = tpu.memref_slice %arg5[%arg0, %dma_wait3A, %dma_wait3A_107] : memref<2x10000x64xf32, #tpu.memory_space<hbm>> -> memref<1x640x64xf32, #tpu.memory_space<hbm>>
        %dma_wait3A_109 = tpu.memref_squeeze %dma_wait3A_108 : memref<1x640x64xf32, #tpu.memory_space<hbm>> -> memref<640x64xf32, #tpu.memory_space<hbm>>
        %dma_wait3A_110 = arith.constant 9360 : i32
        %dma_wait3A_111 = arith.constant 0 : i32
        %dma_wait3A_112 = tpu.memref_slice %arg9[%dma_wait3A_110, %dma_wait3A_111] : memref<10000x64xf32, #tpu.memory_space<vmem_shared>> -> memref<640x64xf32, #tpu.memory_space<vmem_shared>>
        tpu.wait_dma2 semaphore(%run_scoped3A_99 : memref<!tpu.dma_semaphore, #tpu.memory_space<semaphore_mem>>) src(%dma_wait3A_112 : memref<640x64xf32, #tpu.memory_space<vmem_shared>>) dst(%dma_wait3A_109 : memref<640x64xf32, #tpu.memory_space<hbm>>)
        tpu.yield
      }) : () -> ()
    } else {
    }
    return
  }
}

module attributes {stable_mosaic.version = 14 : i64} {
  func.func @_tc1a_body(%arg0: memref<10000x128xf32, #tpu.memory_space<vmem>>, %arg1: memref<128x64xf32, #tpu.memory_space<vmem>>, %arg2: memref<10000x64xf32, #tpu.memory_space<vmem>>) attributes {dimension_semantics = [], scalar_prefetch = 0 : i64, scratch_operands = 0 : i64, tpu.core_type = #tpu.core_type<tc>} {
    %get3A = arith.constant 0 : index
    %get3A_0 = arith.constant 0 : index
    %get3A_1 = vector.load %arg0[%get3A, %get3A_0] : memref<10000x128xf32, #tpu.memory_space<vmem>>, vector<10000x128xf32>
    %get3A_2 = arith.constant 0 : index
    %get3A_3 = arith.constant 0 : index
    %get3A_4 = vector.load %arg1[%get3A_2, %get3A_3] : memref<128x64xf32, #tpu.memory_space<vmem>>, vector<128x64xf32>
    %dot_general3A = arith.constant dense<0.000000e+00> : vector<10000x64xf32>
    %dot_general3A_5 = tpu.matmul %get3A_1, %get3A_4, %dot_general3A {dimension_numbers = #tpu.dot_dimension_numbers<[1], [0], [0], [1], [0, 0, 1, 1], [], []>, transpose_lhs_hint = false} : vector<10000x128xf32>, vector<128x64xf32>, vector<10000x64xf32> -> vector<10000x64xf32>
    %swap3A = arith.constant 0 : index
    %swap3A_6 = arith.constant 0 : index
    %swap3A_7 = vector.load %arg2[%swap3A, %swap3A_6] : memref<10000x64xf32, #tpu.memory_space<vmem>>, vector<10000x64xf32>
    tpu.vector_store %arg2[%swap3A, %swap3A_6], %dot_general3A_5 {strides = array<i32>} : memref<10000x64xf32, #tpu.memory_space<vmem>>, vector<10000x64xf32>,
    return
  }
}

module attributes {stable_mosaic.version = 14 : i64} {
  func.func @_tc1b_body(%arg0: memref<32x80x128xf32, #tpu.memory_space<vmem>>, %arg1: memref<10000x64xf32, #tpu.memory_space<vmem>>, %arg2: memref<5000x128xf32, #tpu.memory_space<vmem>>) attributes {dimension_semantics = [], scalar_prefetch = 0 : i64, scratch_operands = 0 : i64, tpu.core_type = #tpu.core_type<tc>} {
    %get3A = arith.constant 0 : index
    %get3A_0 = arith.constant 0 : index
    %get3A_1 = vector.load %arg1[%get3A, %get3A_0] : memref<10000x64xf32, #tpu.memory_space<vmem>>, vector<10000x64xf32>
    %get3A_2 = arith.constant 0 : index
    %get3A_3 = arith.constant 0 : index
    %get3A_4 = arith.constant 0 : index
    %get3A_5 = vector.load %arg0[%get3A_2, %get3A_3, %get3A_4] : memref<32x80x128xf32, #tpu.memory_space<vmem>>, vector<32x80x128xf32>
    %reduce_sum3A = arith.constant dense<0.000000e+00> : vector<80x128xf32>
    %reduce_sum3A_6 = vector.multi_reduction <add>, %get3A_5, %reduce_sum3A [0] : vector<32x80x128xf32> to vector<80x128xf32>
    %reshape3A = vector.shape_cast %reduce_sum3A_6 : vector<80x128xf32> to vector<10240xf32>
    %slice3A = vector.extract_strided_slice %reshape3A {offsets = [0], sizes = [10000], strides = [1]} : vector<10240xf32> to vector<10000xf32>
    %add3A = arith.constant 1.000000e+00 : f32
    %add3A_7 = vector.broadcast %add3A : f32 to vector<10000xf32>
    %add3A_8 = arith.addf %slice3A, %add3A_7 : vector<10000xf32>
    %rsqrt3A = math.rsqrt %add3A_8 : vector<10000xf32>
    %broadcast_in_dim3A = vector.shape_cast %rsqrt3A : vector<10000xf32> to vector<10000x1xf32>
    %mul3A = vector.broadcast %broadcast_in_dim3A : vector<10000x1xf32> to vector<10000x64xf32>
    %mul3A_9 = arith.mulf %get3A_1, %mul3A : vector<10000x64xf32>
    %reshape3A_10 = vector.shape_cast %mul3A_9 : vector<10000x64xf32> to vector<5000x2x64xf32>
    %slice3A_11 = vector.extract_strided_slice %reshape3A_10 {offsets = [0, 0, 0], sizes = [5000, 1, 64], strides = [1, 1, 1]} : vector<5000x2x64xf32> to vector<5000x1x64xf32>
    %squeeze3A = vector.shape_cast %slice3A_11 : vector<5000x1x64xf32> to vector<5000x64xf32>
    %slice3A_12 = vector.extract_strided_slice %reshape3A_10 {offsets = [0, 1, 0], sizes = [5000, 1, 64], strides = [1, 1, 1]} : vector<5000x2x64xf32> to vector<5000x1x64xf32>
    %squeeze3A_13 = vector.shape_cast %slice3A_12 : vector<5000x1x64xf32> to vector<5000x64xf32>
    %concatenate3A = tpu.concatenate %squeeze3A, %squeeze3A_13 in 1 : vector<5000x64xf32>, vector<5000x64xf32> -> vector<5000x128xf32>
    %swap3A = arith.constant 0 : index
    %swap3A_14 = arith.constant 0 : index
    %swap3A_15 = vector.load %arg2[%swap3A, %swap3A_14] : memref<5000x128xf32, #tpu.memory_space<vmem>>, vector<5000x128xf32>
    tpu.vector_store %arg2[%swap3A, %swap3A_14], %concatenate3A {strides = array<i32>} : memref<5000x128xf32, #tpu.memory_space<vmem>>, vector<5000x128xf32>,
    return
  }
}

module attributes {stable_mosaic.version = 14 : i64} {
  func.func @_tc1c_body(%arg0: memref<32x80x128xf32, #tpu.memory_space<vmem>>, %arg1: memref<5000x128xf32, #tpu.memory_space<vmem>>, %arg2: memref<5000x80xf32, #tpu.memory_space<vmem>>) attributes {dimension_semantics = [], scalar_prefetch = 0 : i64, scratch_operands = 0 : i64, tpu.core_type = #tpu.core_type<tc>} {
    %get3A = arith.constant 0 : index
    %get3A_0 = arith.constant 0 : index
    %get3A_1 = arith.constant 0 : index
    %get3A_2 = vector.load %arg0[%get3A, %get3A_0, %get3A_1] : memref<32x80x128xf32, #tpu.memory_space<vmem>>, vector<32x80x128xf32>
    %reduce_sum3A = arith.constant dense<0.000000e+00> : vector<80x128xf32>
    %reduce_sum3A_3 = vector.multi_reduction <add>, %get3A_2, %reduce_sum3A [0] : vector<32x80x128xf32> to vector<80x128xf32>
    %reshape3A = vector.shape_cast %reduce_sum3A_3 : vector<80x128xf32> to vector<10240xf32>
    %slice3A = vector.extract_strided_slice %reshape3A {offsets = [0], sizes = [10000], strides = [1]} : vector<10240xf32> to vector<10000xf32>
    %add3A = arith.constant 1.000000e+00 : f32
    %add3A_4 = vector.broadcast %add3A : f32 to vector<10000xf32>
    %add3A_5 = arith.addf %slice3A, %add3A_4 : vector<10000xf32>
    %rsqrt3A = math.rsqrt %add3A_5 : vector<10000xf32>
    %broadcast_in_dim3A = vector.shape_cast %rsqrt3A : vector<10000xf32> to vector<10000x1xf32>
    %broadcast_in_dim3A_6 = vector.shape_cast %broadcast_in_dim3A : vector<10000x1xf32> to vector<10000x1xf32>
    %broadcast_in_dim3A_7 = vector.broadcast %broadcast_in_dim3A_6 : vector<10000x1xf32> to vector<10000x64xf32>
    %reshape3A_8 = vector.shape_cast %broadcast_in_dim3A_7 : vector<10000x64xf32> to vector<5000x2x64xf32>
    %slice3A_9 = vector.extract_strided_slice %reshape3A_8 {offsets = [0, 0, 0], sizes = [5000, 1, 64], strides = [1, 1, 1]} : vector<5000x2x64xf32> to vector<5000x1x64xf32>
    %squeeze3A = vector.shape_cast %slice3A_9 : vector<5000x1x64xf32> to vector<5000x64xf32>
    %slice3A_10 = vector.extract_strided_slice %reshape3A_8 {offsets = [0, 1, 0], sizes = [5000, 1, 64], strides = [1, 1, 1]} : vector<5000x2x64xf32> to vector<5000x1x64xf32>
    %squeeze3A_11 = vector.shape_cast %slice3A_10 : vector<5000x1x64xf32> to vector<5000x64xf32>
    %concatenate3A = tpu.concatenate %squeeze3A, %squeeze3A_11 in 1 : vector<5000x64xf32>, vector<5000x64xf32> -> vector<5000x128xf32>
    %swap3A = arith.constant 0 : index
    %swap3A_12 = arith.constant 0 : index
    %swap3A_13 = vector.load %arg1[%swap3A, %swap3A_12] : memref<5000x128xf32, #tpu.memory_space<vmem>>, vector<5000x128xf32>
    tpu.vector_store %arg1[%swap3A, %swap3A_12], %concatenate3A {strides = array<i32>} : memref<5000x128xf32, #tpu.memory_space<vmem>>, vector<5000x128xf32>,
    %broadcast_in_dim3A_14 = vector.shape_cast %broadcast_in_dim3A : vector<10000x1xf32> to vector<10000x1xf32>
    %broadcast_in_dim3A_15 = vector.broadcast %broadcast_in_dim3A_14 : vector<10000x1xf32> to vector<10000x40xf32>
    %reshape3A_16 = vector.shape_cast %broadcast_in_dim3A_15 : vector<10000x40xf32> to vector<5000x2x40xf32>
    %slice3A_17 = vector.extract_strided_slice %reshape3A_16 {offsets = [0, 0, 0], sizes = [5000, 1, 40], strides = [1, 1, 1]} : vector<5000x2x40xf32> to vector<5000x1x40xf32>
    %squeeze3A_18 = vector.shape_cast %slice3A_17 : vector<5000x1x40xf32> to vector<5000x40xf32>
    %slice3A_19 = vector.extract_strided_slice %reshape3A_16 {offsets = [0, 1, 0], sizes = [5000, 1, 40], strides = [1, 1, 1]} : vector<5000x2x40xf32> to vector<5000x1x40xf32>
    %squeeze3A_20 = vector.shape_cast %slice3A_19 : vector<5000x1x40xf32> to vector<5000x40xf32>
    %concatenate3A_21 = tpu.concatenate %squeeze3A_18, %squeeze3A_20 in 1 : vector<5000x40xf32>, vector<5000x40xf32> -> vector<5000x80xf32>
    %swap3A_22 = arith.constant 0 : index
    %swap3A_23 = arith.constant 0 : index
    %swap3A_24 = vector.load %arg2[%swap3A_22, %swap3A_23] : memref<5000x80xf32, #tpu.memory_space<vmem>>, vector<5000x80xf32>
    tpu.vector_store %arg2[%swap3A_22, %swap3A_23], %concatenate3A_21 {strides = array<i32>} : memref<5000x80xf32, #tpu.memory_space<vmem>>, vector<5000x80xf32>,
    return
  }
}

module attributes {stable_mosaic.version = 14 : i64} {
  func.func @_tc2_body(%arg0: memref<2x5000x128xf32, #tpu.memory_space<vmem>>, %arg1: memref<5000x128xf32, #tpu.memory_space<vmem>>, %arg2: memref<5000x128xf32, #tpu.memory_space<vmem>>, %arg3: memref<128x80xf32, #tpu.memory_space<vmem>>, %arg4: memref<1x128xf32, #tpu.memory_space<vmem>>, %arg5: memref<5000x80xf32, #tpu.memory_space<vmem>>) attributes {dimension_semantics = [], scalar_prefetch = 0 : i64, scratch_operands = 0 : i64, tpu.core_type = #tpu.core_type<tc>} {
    %get3A = arith.constant 0 : index
    %get3A_0 = arith.constant 0 : index
    %get3A_1 = arith.constant 0 : index
    %get3A_2 = vector.load %arg0[%get3A, %get3A_0, %get3A_1] : memref<2x5000x128xf32, #tpu.memory_space<vmem>>, vector<1x5000x128xf32>
    %get3A_3 = vector.shape_cast %get3A_2 : vector<1x5000x128xf32> to vector<5000x128xf32>
    %get3A_4 = arith.constant 1 : index
    %get3A_5 = arith.constant 0 : index
    %get3A_6 = arith.constant 0 : index
    %get3A_7 = vector.load %arg0[%get3A_4, %get3A_5, %get3A_6] : memref<2x5000x128xf32, #tpu.memory_space<vmem>>, vector<1x5000x128xf32>
    %get3A_8 = vector.shape_cast %get3A_7 : vector<1x5000x128xf32> to vector<5000x128xf32>
    %add3A = arith.addf %get3A_3, %get3A_8 : vector<5000x128xf32>
    %get3A_9 = arith.constant 0 : index
    %get3A_10 = arith.constant 0 : index
    %get3A_11 = vector.load %arg1[%get3A_9, %get3A_10] : memref<5000x128xf32, #tpu.memory_space<vmem>>, vector<5000x128xf32>
    %add3A_12 = arith.addf %add3A, %get3A_11 : vector<5000x128xf32>
    %get3A_13 = arith.constant 0 : index
    %get3A_14 = arith.constant 0 : index
    %get3A_15 = vector.load %arg2[%get3A_13, %get3A_14] : memref<5000x128xf32, #tpu.memory_space<vmem>>, vector<5000x128xf32>
    %mul3A = arith.mulf %add3A_12, %get3A_15 : vector<5000x128xf32>
    %get3A_16 = arith.constant 0 : index
    %get3A_17 = arith.constant 0 : index
    %get3A_18 = vector.load %arg4[%get3A_16, %get3A_17] : memref<1x128xf32, #tpu.memory_space<vmem>>, vector<1x128xf32>
    %add3A_19 = vector.broadcast %get3A_18 : vector<1x128xf32> to vector<5000x128xf32>
    %add3A_20 = arith.addf %mul3A, %add3A_19 : vector<5000x128xf32>
    %max3A = arith.constant 0.000000e+00 : f32
    %max3A_21 = vector.broadcast %max3A : f32 to vector<5000x128xf32>
    %max3A_22 = arith.maximumf %add3A_20, %max3A_21 : vector<5000x128xf32>
    %get3A_23 = arith.constant 0 : index
    %get3A_24 = arith.constant 0 : index
    %get3A_25 = vector.load %arg3[%get3A_23, %get3A_24] : memref<128x80xf32, #tpu.memory_space<vmem>>, vector<128x80xf32>
    %dot_general3A = arith.constant dense<0.000000e+00> : vector<5000x80xf32>
    %dot_general3A_26 = tpu.matmul %max3A_22, %get3A_25, %dot_general3A {dimension_numbers = #tpu.dot_dimension_numbers<[1], [0], [0], [1], [0, 0, 1, 1], [], []>, transpose_lhs_hint = false} : vector<5000x128xf32>, vector<128x80xf32>, vector<5000x80xf32> -> vector<5000x80xf32>
    %get3A_27 = arith.constant 0 : index
    %get3A_28 = arith.constant 0 : index
    %get3A_29 = vector.load %arg2[%get3A_27, %get3A_28] : memref<5000x128xf32, #tpu.memory_space<vmem>>, vector<5000x128xf32>
    %slice3A = vector.extract_strided_slice %get3A_29 {offsets = [0, 0], sizes = [5000, 40], strides = [1, 1]} : vector<5000x128xf32> to vector<5000x40xf32>
    %slice3A_30 = vector.extract_strided_slice %get3A_29 {offsets = [0, 64], sizes = [5000, 40], strides = [1, 1]} : vector<5000x128xf32> to vector<5000x40xf32>
    %concatenate3A = tpu.concatenate %slice3A, %slice3A_30 in 1 : vector<5000x40xf32>, vector<5000x40xf32> -> vector<5000x80xf32>
    %mul3A_31 = arith.mulf %dot_general3A_26, %concatenate3A : vector<5000x80xf32>
    %swap3A = arith.constant 0 : index
    %swap3A_32 = arith.constant 0 : index
    %swap3A_33 = vector.load %arg5[%swap3A, %swap3A_32] : memref<5000x80xf32, #tpu.memory_space<vmem>>, vector<5000x80xf32>
    tpu.vector_store %arg5[%swap3A, %swap3A_32], %mul3A_31 {strides = array<i32>} : memref<5000x80xf32, #tpu.memory_space<vmem>>, vector<5000x80xf32>,
    return
  }
}

module attributes {stable_mosaic.version = 14 : i64} {
  func.func @_tc3_body(%arg0: i32, %arg1: memref<2x1000x80xf32, #tpu.memory_space<vmem>>, %arg2: memref<1000x80xf32, #tpu.memory_space<vmem>>, %arg3: memref<1000x80xf32, #tpu.memory_space<vmem>>, %arg4: memref<1x80xf32, #tpu.memory_space<vmem>>, %arg5: memref<2000x40xf32, #tpu.memory_space<vmem>>) attributes {dimension_semantics = [#tpu.dimension_semantics<arbitrary>], iteration_bounds = array<i64: 5>, scalar_prefetch = 0 : i64, scratch_operands = 0 : i64, tpu.core_type = #tpu.core_type<tc>, window_params = [{transform_indices = @transform_0, window_bounds = array<i64: 2, 1000, 80>}, {transform_indices = @transform_1, window_bounds = array<i64: 1000, 80>}, {transform_indices = @transform_2, window_bounds = array<i64: 1000, 80>}, {pipeline_mode = #tpu.pipeline_mode<synchronous>, transform_indices = @transform_3, window_bounds = array<i64: 1, 80>}, {transform_indices = @transform_4, window_bounds = array<i64: 2000, 40>}]} {
    %get3A = arith.constant 0 : index
    %get3A_0 = arith.constant 0 : index
    %get3A_1 = arith.constant 0 : index
    %get3A_2 = vector.load %arg1[%get3A, %get3A_0, %get3A_1] : memref<2x1000x80xf32, #tpu.memory_space<vmem>>, vector<1x1000x80xf32>
    %get3A_3 = vector.shape_cast %get3A_2 : vector<1x1000x80xf32> to vector<1000x80xf32>
    %get3A_4 = arith.constant 1 : index
    %get3A_5 = arith.constant 0 : index
    %get3A_6 = arith.constant 0 : index
    %get3A_7 = vector.load %arg1[%get3A_4, %get3A_5, %get3A_6] : memref<2x1000x80xf32, #tpu.memory_space<vmem>>, vector<1x1000x80xf32>
    %get3A_8 = vector.shape_cast %get3A_7 : vector<1x1000x80xf32> to vector<1000x80xf32>
    %add3A = arith.addf %get3A_3, %get3A_8 : vector<1000x80xf32>
    %get3A_9 = arith.constant 0 : index
    %get3A_10 = arith.constant 0 : index
    %get3A_11 = vector.load %arg2[%get3A_9, %get3A_10] : memref<1000x80xf32, #tpu.memory_space<vmem>>, vector<1000x80xf32>
    %add3A_12 = arith.addf %add3A, %get3A_11 : vector<1000x80xf32>
    %get3A_13 = arith.constant 0 : index
    %get3A_14 = arith.constant 0 : index
    %get3A_15 = vector.load %arg3[%get3A_13, %get3A_14] : memref<1000x80xf32, #tpu.memory_space<vmem>>, vector<1000x80xf32>
    %mul3A = arith.mulf %add3A_12, %get3A_15 : vector<1000x80xf32>
    %get3A_16 = arith.constant 0 : index
    %get3A_17 = arith.constant 0 : index
    %get3A_18 = vector.load %arg4[%get3A_16, %get3A_17] : memref<1x80xf32, #tpu.memory_space<vmem>>, vector<1x80xf32>
    %add3A_19 = vector.broadcast %get3A_18 : vector<1x80xf32> to vector<1000x80xf32>
    %add3A_20 = arith.addf %mul3A, %add3A_19 : vector<1000x80xf32>
    %slice3A = vector.extract_strided_slice %add3A_20 {offsets = [0, 0], sizes = [1000, 40], strides = [1, 1]} : vector<1000x80xf32> to vector<1000x40xf32>
    %reduce_max3A = arith.constant dense<0xFF800000> : vector<1000xf32>
    %reduce_max3A_21 = vector.multi_reduction <maximumf>, %slice3A, %reduce_max3A [1] : vector<1000x40xf32> to vector<1000xf32>
    %broadcast_in_dim3A = vector.shape_cast %reduce_max3A_21 : vector<1000xf32> to vector<1000x1xf32>
    %sub3A = vector.broadcast %broadcast_in_dim3A : vector<1000x1xf32> to vector<1000x40xf32>
    %sub3A_22 = arith.subf %slice3A, %sub3A : vector<1000x40xf32>
    %exp3A = math.exp %sub3A_22 : vector<1000x40xf32>
    %reduce_sum3A = arith.constant dense<0.000000e+00> : vector<1000xf32>
    %reduce_sum3A_23 = vector.multi_reduction <add>, %exp3A, %reduce_sum3A [1] : vector<1000x40xf32> to vector<1000xf32>
    %broadcast_in_dim3A_24 = vector.shape_cast %reduce_sum3A_23 : vector<1000xf32> to vector<1000x1xf32>
    %sub3A_25 = vector.broadcast %broadcast_in_dim3A : vector<1000x1xf32> to vector<1000x40xf32>
    %sub3A_26 = arith.subf %slice3A, %sub3A_25 : vector<1000x40xf32>
    %log3A = math.log %broadcast_in_dim3A_24 : vector<1000x1xf32>
    %sub3A_27 = vector.broadcast %log3A : vector<1000x1xf32> to vector<1000x40xf32>
    %sub3A_28 = arith.subf %sub3A_26, %sub3A_27 : vector<1000x40xf32>
    %slice3A_29 = vector.extract_strided_slice %add3A_20 {offsets = [0, 40], sizes = [1000, 40], strides = [1, 1]} : vector<1000x80xf32> to vector<1000x40xf32>
    %reduce_max3A_30 = arith.constant dense<0xFF800000> : vector<1000xf32>
    %reduce_max3A_31 = vector.multi_reduction <maximumf>, %slice3A_29, %reduce_max3A_30 [1] : vector<1000x40xf32> to vector<1000xf32>
    %broadcast_in_dim3A_32 = vector.shape_cast %reduce_max3A_31 : vector<1000xf32> to vector<1000x1xf32>
    %sub3A_33 = vector.broadcast %broadcast_in_dim3A_32 : vector<1000x1xf32> to vector<1000x40xf32>
    %sub3A_34 = arith.subf %slice3A_29, %sub3A_33 : vector<1000x40xf32>
    %exp3A_35 = math.exp %sub3A_34 : vector<1000x40xf32>
    %reduce_sum3A_36 = arith.constant dense<0.000000e+00> : vector<1000xf32>
    %reduce_sum3A_37 = vector.multi_reduction <add>, %exp3A_35, %reduce_sum3A_36 [1] : vector<1000x40xf32> to vector<1000xf32>
    %broadcast_in_dim3A_38 = vector.shape_cast %reduce_sum3A_37 : vector<1000xf32> to vector<1000x1xf32>
    %sub3A_39 = vector.broadcast %broadcast_in_dim3A_32 : vector<1000x1xf32> to vector<1000x40xf32>
    %sub3A_40 = arith.subf %slice3A_29, %sub3A_39 : vector<1000x40xf32>
    %log3A_41 = math.log %broadcast_in_dim3A_38 : vector<1000x1xf32>
    %sub3A_42 = vector.broadcast %log3A_41 : vector<1000x1xf32> to vector<1000x40xf32>
    %sub3A_43 = arith.subf %sub3A_40, %sub3A_42 : vector<1000x40xf32>
    %concatenate3A = tpu.concatenate %sub3A_28, %sub3A_43 in 1 : vector<1000x40xf32>, vector<1000x40xf32> -> vector<1000x80xf32>
    %slice3A_44 = vector.extract_strided_slice %concatenate3A {offsets = [0, 0], sizes = [1000, 40], strides = [1, 1]} : vector<1000x80xf32> to vector<1000x40xf32>
    %slice3A_45 = vector.extract_strided_slice %concatenate3A {offsets = [0, 40], sizes = [1000, 40], strides = [1, 1]} : vector<1000x80xf32> to vector<1000x40xf32>
    %stack3A = vector.shape_cast %slice3A_44 : vector<1000x40xf32> to vector<1000x1x40xf32>
    %stack3A_46 = vector.shape_cast %slice3A_45 : vector<1000x40xf32> to vector<1000x1x40xf32>
    %stack3A_47 = tpu.concatenate %stack3A, %stack3A_46 in 1 : vector<1000x1x40xf32>, vector<1000x1x40xf32> -> vector<1000x2x40xf32>
    %reshape3A = vector.shape_cast %stack3A_47 : vector<1000x2x40xf32> to vector<2000x40xf32>
    %swap3A = arith.constant 0 : index
    %swap3A_48 = arith.constant 0 : index
    %swap3A_49 = vector.load %arg5[%swap3A, %swap3A_48] : memref<2000x40xf32, #tpu.memory_space<vmem>>, vector<2000x40xf32>
    tpu.vector_store %arg5[%swap3A, %swap3A_48], %reshape3A {strides = array<i32>} : memref<2000x40xf32, #tpu.memory_space<vmem>>, vector<2000x40xf32>,
    return
  }
  func.func @transform_0(%arg0: i32) -> (i32, i32, i32) {
    %c0_i32 = arith.constant 0 : i32
    %c0_i32_0 = arith.constant 0 : i32
    %c0_i32_1 = arith.constant 0 : i32
    return %c0_i32, %arg0, %c0_i32_0 : i32, i32, i32
  }
  func.func @transform_1(%arg0: i32) -> (i32, i32) {
    %c0_i32 = arith.constant 0 : i32
    %c0_i32_0 = arith.constant 0 : i32
    return %arg0, %c0_i32 : i32, i32
  }
  func.func @transform_2(%arg0: i32) -> (i32, i32) {
    %c0_i32 = arith.constant 0 : i32
    %c0_i32_0 = arith.constant 0 : i32
    return %arg0, %c0_i32 : i32, i32
  }
  func.func @transform_3(%arg0: i32) -> (i32, i32) {
    %c0_i32 = arith.constant 0 : i32
    %c0_i32_0 = arith.constant 0 : i32
    %c0_i32_1 = arith.constant 0 : i32
    return %c0_i32, %c0_i32_0 : i32, i32
  }
  func.func @transform_4(%arg0: i32) -> (i32, i32) {
    %c0_i32 = arith.constant 0 : i32
    %c0_i32_0 = arith.constant 0 : i32
    return %arg0, %c0_i32 : i32, i32
  }
}

</mosaic_0001>

<sc_bundles>
// kernel: kernel.10.cloned.1.call-start
scs
__scs_entry_jumppad:
0x0: {  	(pc) =	sbr.rel $0x88, $3  }
0x1: {  	(tag) =	ssettag $0x0;
	lr =	simm.s32 $0x1  }
0x2: {  	[smem:$0x3F9B] =	sst lr;
	_ =	strace $0xD0000000  }
0x3: {  	_ = 	snop  }
0x4: {  	_ = 	snop  }
0x5: {  	_ = 	snop  }
0x6: {  	_ = 	snop  }
0x7: {  	_ = 	snop  }
__scs_overlays_trampoline_lowered:
0x8: {  	[smem:$0x3FAA] =	sst s0  }
0x9: {  	[smem:$0x3FAB] =	sst s1  }
0xa: {  	[smem:$0x3FAC] =	sst s2  }
0xb: {  	[smem:$0x3FAD] =	sst s3  }
0xc: {  	[smem:$0x3FAE] =	sst s4  }
0xd: {  	[smem:$0x3FAF] =	sst s5  }
0xe: {  	[smem:$0x3FB0] =	sst s6  }
0xf: {  	[smem:$0x3FB1] =	sst s7  }
0x10: {  	[smem:$0x3FB2] =	sst s8  }
0x11: {  	[smem:$0x3FB3] =	sst s9;
	s0 =	simm.s32 @!p0 $0x0  }
0x12: {  	s1 =	sld [smem:$0x3F99];
	s0 =	simm.s32 @p0 $0x1  }
0x13: {  	[smem:$0x3FB4] =	sst s0;
	s0 =	simm.s32 @!p1 $0x0  }
0x14: {  	s2 =	sld [smem:$0x3F98];
	s0 =	simm.s32 @p1 $0x1  }
0x15: {  	[smem:$0x3FB5] =	sst s0;
	s0 =	simm.s32 @!p2 $0x0  }
0x16: {  	s3 =	sld [smem:$0x3FDB];
	s0 =	simm.s32 @p2 $0x1  }
0x17: {  	s4 =	simm.s32 $0x1BF5;
	[smem:$0x3FB7] =	sst s0  }
0x18: {  	s0 =	sld [smem:$0x3F9A];
	_ =	swait.ge [sflag:s4], $0x0  }
0x19: {  	s7 =	sld [smem:$0x3F9B]  }
0x1a: {  	s8 =	sadd.s32 $0xFFFFE003, lr  }
0x1b: {  	s9 =	sadd.s32 $0xFFFFFEF7, lr;
	s5 =	simm.s32 $0xFFFFFFFF;
	p2 =	slt.u32 s8, $0xFFFFF086  }
0x1c: {  	p1 =	slt.u32 s9, $0xF7A;
	s5 =	simm.s32 @!p2 $0x0  }
0x1d: {  	s5 =	simm.s32 @p1 $0x1;
	p0 =	seq.s32 s7, s2  }
0x1e: {  	s7 =	smul.u32 @!p0 $0xF7A, s2;
	p2 =	seq.s32 @!p0 s5, $0x0  }
0x1f: {  	s9 =	smul.u32 $0xF7A, s1;
	s8 =	simm.s32 @!p0 $0x1BF5;
	p2 =	por !p2, p0  }
0x20: {  	[sflag:s8] =	ssyncset.s32 @!p0 $0xFFFFF086;
	s6 =	sadd.s32 @!p0 s3, s7;
	s7 =	simm.s32 @!p0 $0x108  }
0x21: {  	s3 =	sadd.s32 s3, s9;
	s6 =	sadd.s32 @!p0 $0x88, s6;
	s7 =	simm.s32 @p2 $0x1082  }
0x22: {  	[simem:s7], [sflag:s8] =	dma.local @!p0 [hbm:s6], $0xF7A  }
0x23: {  	s9 =	sor.u32 $0xD0000000, s2;
	s6 =	simm.s32 $0x108;
	_ =	swait.ge @!p0 [sflag:s8], $0x0  }
0x24: {  	s3 =	sadd.s32 $0x88, s3;
	s6 =	simm.s32 @!p1 $0x1082;
	[sflag:s4] =	ssyncset.s32 $0xFFFFF086  }
0x25: {  	[simem:s6], [sflag:s4] =	dma.local [hbm:s3], $0xF7A  }
0x26: {  	[smem:$0x3F9B] =	sst s1;
	(tag) =	ssettag s2;
	_ =	strace s9  }
0x27: {  	s1 =	sld [smem:$0x3FAB]  }
0x28: {  	s2 =	sld [smem:$0x3FAC]  }
0x29: {  	s4 =	sld [smem:$0x3FAE]  }
0x2a: {  	p0 =	seq.s32 s5, $0x0;
	s5 =	sld [smem:$0x3FAF]  }
0x2b: {  	s6 =	sld [smem:$0x3FB0]  }
0x2c: {  	s7 =	sld [smem:$0x3FB1]  }
0x2d: {  	s3 =	simm.s32 $0x108;
	s8 =	sld [smem:$0x3FB2]  }
0x2e: {  	s3 =	simm.s32 @!p0 $0x1082;
	s9 =	sld [smem:$0x3FB3]  }
0x2f: {  	lr =	sadd.s32 s0, s3;
	s0 =	sld [smem:$0x3FAA]  }
0x30: {  	s3 =	sld [smem:$0x3FAD]  }
0x31: {  	[smem:$0x3FB6] =	sst s10  }
0x32: {  	s10 =	sld [smem:$0x3FB4];
	_ =	sdelay $0x3  }
0x33: {  	p0 =	seq.s32 s10, $0x1;
	s10 =	sld [smem:$0x3FB6];
	_ =	sdelay $0x3  }
0x34: {  	[smem:$0x3FB6] =	sst s10  }
0x35: {  	s10 =	sld [smem:$0x3FB5];
	_ =	sdelay $0x3  }
0x36: {  	p1 =	seq.s32 s10, $0x1;
	s10 =	sld [smem:$0x3FB6];
	_ =	sdelay $0x3  }
0x37: {  	[smem:$0x3FB6] =	sst s10  }
0x38: {  	s10 =	sld [smem:$0x3FB7]  }
0x39: {  	_ = 	snop;
	(pc) =	sbr.ind lr, $3  }
0x3a: {  	_ = 	snop  }
0x3b: {  	_ = 	snop  }
0x3c: {  	p2 =	seq.s32 s10, $0x1;
	s10 =	sld [smem:$0x3FB6]  }
0x3d: {  	_ =	shalt  }
0x3e: {  	_ =	shalt  }
0x3f: {  	_ =	shalt  }
0x40: {  	_ =	shalt  }
0x41: {  	_ =	shalt  }
0x42: {  	_ =	shalt  }
0x43: {  	_ =	shalt  }
0x44: {  	_ =	shalt  }
0x45: {  	_ =	shalt  }
0x46: {  	_ =	shalt  }
0x47: {  	_ =	shalt  }
0x48: {  	_ =	shalt  }
0x49: {  	_ =	shalt  }
0x4a: {  	_ =	shalt  }
0x4b: {  	_ =	shalt  }
0x4c: {  	_ =	shalt  }
0x4d: {  	_ =	shalt  }
0x4e: {  	_ =	shalt  }
0x4f: {  	_ =	shalt  }
0x50: {  	_ =	shalt  }
0x51: {  	_ =	shalt  }
0x52: {  	_ =	shalt  }
0x53: {  	_ =	shalt  }
0x54: {  	_ =	shalt  }
0x55: {  	_ =	shalt  }
0x56: {  	_ =	shalt  }
0x57: {  	_ =	shalt  }
0x58: {  	_ =	shalt  }
0x59: {  	_ =	shalt  }
0x5a: {  	_ =	shalt  }
0x5b: {  	_ =	shalt  }
0x5c: {  	_ =	shalt  }
0x5d: {  	_ =	shalt  }
0x5e: {  	_ =	shalt  }
0x5f: {  	_ =	shalt  }
0x60: {  	_ =	shalt  }
0x61: {  	_ =	shalt  }
0x62: {  	_ =	shalt  }
0x63: {  	_ =	shalt  }
0x64: {  	_ =	shalt  }
0x65: {  	_ =	shalt  }
0x66: {  	_ =	shalt  }
0x67: {  	_ =	shalt  }
0x68: {  	_ =	shalt  }
0x69: {  	_ =	shalt  }
0x6a: {  	_ =	shalt  }
0x6b: {  	_ =	shalt  }
0x6c: {  	_ =	shalt  }
0x6d: {  	_ =	shalt  }
0x6e: {  	_ =	shalt  }
0x6f: {  	_ =	shalt  }
0x70: {  	_ =	shalt  }
0x71: {  	_ =	shalt  }
0x72: {  	_ =	shalt  }
0x73: {  	_ =	shalt  }
0x74: {  	_ =	shalt  }
0x75: {  	_ =	shalt  }
0x76: {  	_ =	shalt  }
0x77: {  	_ =	shalt  }
0x78: {  	_ =	shalt  }
0x79: {  	_ =	shalt  }
0x7a: {  	_ =	shalt  }
0x7b: {  	_ =	shalt  }
0x7c: {  	_ =	shalt  }
0x7d: {  	_ =	shalt  }
0x7e: {  	_ =	shalt  }
0x7f: {  	_ =	shalt  }
0x80: {  	_ =	shalt  }
0x81: {  	_ =	shalt  }
0x82: {  	_ =	shalt  }
0x83: {  	_ =	shalt  }
0x84: {  	_ =	shalt  }
0x85: {  	_ =	shalt  }
0x86: {  	_ =	shalt  }
0x87: {  	_ =	shalt  }
.Lfunc_end0:
.L_simem_size_0:
called_computation_lowered:
.L_overlay_start_0:
0x88: {  	s2 =	sld [smem:$0x3FD9]  }
0x89: {  	s3 =	sld [smem:$0x3FFE];
	_ =	sdelay $0x1  }
0x8a: {  	s1 =	srdreg.scid  }
0x8b: {  	s0 =	sand.u32 $0x1, s1  }
0x8c: {  	s17 =	sshll.u32 s0, $0xA;
	s2 =	sadd.s32 s3, s2  }
0x8d: {  	s2 =	sadd.s32 s2, s17  }
0x8e: {  	[smem:$0x3FC2] =	sst s2  }
0x8f: {  	_ = 	snop  }
0x90: {  	s2 =	sld [smem:$0x3FD0];
	(tm) =	ssettm $0x1  }
0x91: {  	s18 =	sld [smem:$0x3FFB];
	_ =	sdelay $0x3  }
0x92: {  	_ =	strace s18  }
0x93: {  	s3 =	sld [smem:$0x3FFC];
	_ =	sdelay $0x3  }
0x94: {  	_ =	strace s3  }
0x95: {  	s3 =	sld [smem:$0x3FFD];
	_ =	sdelay $0x3  }
0x96: {  	_ =	strace s3  }
0x97: {  	_ =	strace $0x8FFFFFFF  }
0x98: {  	s19 =	sld [smem:$0x3FDB];
	_ =	sdelay $0x1  }
0x99: {  	s4 =	simm.s32 $_scs_section_size  }
0x9a: {  	s5 =	simm.s32 $_size__tile_overlayer_lowered;
	s6 =	simm.s32 $_tile_overlayer_lowered  }
0x9b: {  	s22 =	simm.s32 $0x1BFF;
	s21 =	sshll.u32 s6, $0x1;
	s3 =	sadd.s32 s4, s19  }
0x9c: {  	s7 =	simm.s32 $0x0;
	s20 =	sshll.u32 s5, $0x1;
	s5 =	sadd.s32 s21, s3  }
0x9d: {  	[timem:s7], [sflag:s22] =	dma.local [hbm:s5], s20  }
0x9e: {  	_ =	swait.ge [sflag:s22], s20  }
0x9f: {  	s4 =	ssub.s32 $0x0, s20;
	[sflag:s22] =	ssyncset.done $0x0  }
0xa0: {  	[sflag:s22] =	ssyncadd.s32 s4;
	_ =	sdelay $0x1  }
0xa1: {  	s23 =	simm.s32 $0x1B8B  }
0xa2: {  	_ =	swait.ge [sflag:s23], $0x1  }
0xa3: {  	[sflag:s23] =	ssyncset.done $0x0  }
0xa4: {  	s25 =	simm.s32 $0x1B8E;
	s24 =	sld [smem:$0x3FFE];
	[sflag:s23] =	ssyncadd.s32 $0xFFFFFFFF  }
0xa5: {  	s26 =	simm.s32 $execute0_lowered;
	[smem:$0x3FD2] =	sst s25  }
0xa6: {  	s5 =	sshll.u32 s26, $0x1;
	_ =	strace $0x80000046;
	[dreg:$0x1] =	wrdreg $0xFFFFFFFF  }
0xa7: {  	s28 =	simm.s32 $_size_execute0_lowered;
	s3 =	sadd.s32 s3, s5;
	[dreg:$0x0] =	wrdreg $0x0  }
0xa8: {  	s5 =	sshll.u32 s28, $0x1;
	[dreg:$0x2] =	wrdreg s3  }
0xa9: {  	[dreg:$0x3] =	wrdreg s5  }
0xaa: {  	[dreg:$0x4] =	wrdreg $0xC0  }
0xab: {  	_ =	task [dreg:s7], $0x5FFFF  }
0xac: {  	[dreg:$0x1] =	wrdreg $0xFFFFFFFF  }
0xad: {  	[dreg:$0x0] =	wrdreg $0x60  }
0xae: {  	[dreg:$0x2] =	wrdreg s24  }
0xaf: {  	[dreg:$0x3] =	wrdreg s2  }
0xb0: {  	[dreg:$0x4] =	wrdreg $0x9  }
0xb1: {  	_ =	task.clear_ibuf [dreg:s7], $0x5FFFF;
	_ =	strace $0x90000046  }
0xb2: {  	s29 =	simm.s32 $0x9;
	_ =	strace $0x80000048  }
0xb3: {  	_ =	swait.ge [sflag:s29], $0x1  }
0xb4: {  	[sflag:s29] =	ssyncadd.s32 $0xFFFFFFFF  }
0xb5: {  	_ =	strace $0x90000048  }
0xb6: {  	_ =	sfence  }
0xb7: {  	s30 =	sld [smem:$0x0];
	_ =	sdelay $0x2  }
0xb8: {  	s31 =	sshll.u32 s1, $0xD;
	s1 =	sshrl.u32 s1, $0x2  }
0xb9: {  	s3 =	sand.u32 $0x4000, s31;
	s1 =	sadd.s32 s1, s30  }
0xba: {  	s0 =	sor.u32 s3, s0;
	s1 =	sshll.u32 s1, $0x11  }
0xbb: {  	s0 =	sor.u32 s1, s0  }
0xbc: {  	s0 =	sadd.s32 $0x8F2B, s0  }
0xbd: {  	[sflag:s0] =	ssyncadd.remote.s32 $0x1  }
0xbe: {  	_ =	sfence.sel $0xFFFF  }
0xbf: {  	[dreg:$0x0] =	wrdreg $0xFFFFFFFF;
	(pc) =	sbr.abs _section_cstart, $3  }
0xc0: {  	[dreg:$0x1] =	wrdreg $0xFFFFFFFF  }
0xc1: {  	_ =	task.clear_ibuf [dreg:s7], $0x2FFFF;
	_ =	strace $0x9FFFFFFF  }
0xc2: {  	(tm) =	ssettm $0x7FFFFFFF  }
0xc3: {  	_ =	shalt  }
tec
execute0_lowered:
.L_overlay_start_1:
0x0: {  	(tag) =	ssettag $0x1  }
0x1: {  	s3 =	rddreg [dreg:$0x0]  }
0x2: {  	s1 =	srdreg.scid;
	s0 =	stileid.u32  }
0x3: {  	s4 =	rddreg [dreg:$0x1];
	s5 =	sand.u32 $0x1, s1;
	s2 =	sshll.u32 s0, $0x1  }
0x4: {  	s1 =	rddreg [dreg:$0x2];
	s6 =	sor.u32 s5, s2  }
0x5: {  	s2 =	simm.s32 $0x0;
	s5 =	ssub.s32 $0x2, s5;
	s7 =	smul.u32 $0x4E2, s6  }
0x6: {  	[smem:$0x7FF] =	sst s2;
	s8 =	sshrl.u32 s5, $0x1;
	s6 =	smul.u32 $0x500, s6  }
0x7: {  	_ =	strace $0x80000047;
	s5 =	ssub.s32 s5, s8;
	s8 =	simm.s32 $0x0  }
0x8: {  	s3 =	sadd.s32 s7, s3;
	s4 =	sadd.s32 s4, s6;
	s5 =	smax.u32 s5, $0x1  }
0x9: {  	v0 =	vimm.f32 $0.0e+00;
	v1 =	vimm.f32 $1.000000000e+00;
	s6 =	simm.s32 $0x1;
	s7 =	simm.s32 $0x2710;
	s3 =	sadd.s32 $0xC240, s3  }
.LBB2_1:
0xa: {  	[tilespmem:s2], [sflag:$0x1] =	stream.linear.gather [hbm4b:s3+s2], $0x2710, $0x38;
	[tilespmem:$0x4F10] =	vst v63  }
0xb: {  	_ =	swait.ge [sflag:s6], $0x2710  }
0xc: {  	[sflag:s6] =	ssyncset.done $0x0  }
0xd: {  	s9 =	simm.s32 $0x2810;
	[sflag:s6] =	ssyncadd.s32 $0xFFFFD8F0  }
0xe: {  	[tilespmem:s9+$0xFFFFFF00] =	vst v0  }
0xf: {  	[tilespmem:s9+$0xF0] =	vst v0  }
0x10: {  	[tilespmem:s9+$0xE0] =	vst v0  }
0x11: {  	[tilespmem:s9+$0xD0] =	vst v0  }
0x12: {  	[tilespmem:s9+$0xC0] =	vst v0  }
0x13: {  	[tilespmem:s9+$0xB0] =	vst v0  }
0x14: {  	[tilespmem:s9+$0xA0] =	vst v0  }
0x15: {  	[tilespmem:s9+$0x90] =	vst v0  }
0x16: {  	[tilespmem:s9+$0x80] =	vst v0  }
0x17: {  	[tilespmem:s9+$0x70] =	vst v0  }
0x18: {  	[tilespmem:s9+$0x60] =	vst v0  }
0x19: {  	[tilespmem:s9+$0x50] =	vst v0  }
0x1a: {  	[tilespmem:s9+$0x40] =	vst v0  }
0x1b: {  	[tilespmem:s9+$0x30] =	vst v0  }
0x1c: {  	[tilespmem:s9+$0x20] =	vst v0  }
0x1d: {  	[tilespmem:s9+$0x10] =	vst v0  }
0x1e: {  	[tilespmem:s9+$0x0] =	vst v0  }
0x1f: {  	[tilespmem:s9+$0xFFFFFFF0] =	vst v0  }
0x20: {  	[tilespmem:s9+$0xFFFFFFE0] =	vst v0  }
0x21: {  	[tilespmem:s9+$0xFFFFFFD0] =	vst v0  }
0x22: {  	[tilespmem:s9+$0xFFFFFFC0] =	vst v0  }
0x23: {  	[tilespmem:s9+$0xFFFFFFB0] =	vst v0  }
0x24: {  	[tilespmem:s9+$0xFFFFFFA0] =	vst v0  }
0x25: {  	[tilespmem:s9+$0xFFFFFF90] =	vst v0  }
0x26: {  	[tilespmem:s9+$0xFFFFFF80] =	vst v0  }
0x27: {  	[tilespmem:s9+$0xFFFFFF70] =	vst v0  }
0x28: {  	[tilespmem:s9+$0xFFFFFF60] =	vst v0  }
0x29: {  	[tilespmem:s9+$0xFFFFFF50] =	vst v0  }
0x2a: {  	[tilespmem:s9+$0xFFFFFF40] =	vst v0  }
0x2b: {  	[tilespmem:s9+$0xFFFFFF30] =	vst v0  }
0x2c: {  	s12 =	simm.s32 $0x0;
	s10 =	simm.s32 $0x50;
	[tilespmem:s9+$0xFFFFFF20] =	vst v0  }
.LBB2_2:
0x2d: {  	s12 =	sadd.s32 $0x4, s12;
	[tilespmem:s9+$0xFFFFFF10] =	vst v0;
	s9 =	sadd.s32 $0x200, s9;
	s11 =	simm.s32 $0xFFFFFFFE  }
0x2e: {  	[tilespmem:s9+$0xFFFFFF00] =	vst v0;
	p0 =	slt.u32 s12, $0x4C  }
0x2f: {  	[tilespmem:s9+$0xF0] =	vst v0  }
0x30: {  	[tilespmem:s9+$0xE0] =	vst v0  }
0x31: {  	[tilespmem:s9+$0xD0] =	vst v0  }
0x32: {  	[tilespmem:s9+$0xC0] =	vst v0  }
0x33: {  	[tilespmem:s9+$0xB0] =	vst v0  }
0x34: {  	[tilespmem:s9+$0xA0] =	vst v0  }
0x35: {  	[tilespmem:s9+$0x90] =	vst v0  }
0x36: {  	[tilespmem:s9+$0x80] =	vst v0  }
0x37: {  	[tilespmem:s9+$0x70] =	vst v0  }
0x38: {  	[tilespmem:s9+$0x60] =	vst v0  }
0x39: {  	[tilespmem:s9+$0x50] =	vst v0  }
0x3a: {  	[tilespmem:s9+$0x40] =	vst v0  }
0x3b: {  	[tilespmem:s9+$0x30] =	vst v0  }
0x3c: {  	[tilespmem:s9+$0x20] =	vst v0  }
0x3d: {  	[tilespmem:s9+$0x10] =	vst v0  }
0x3e: {  	[tilespmem:s9+$0x0] =	vst v0  }
0x3f: {  	[tilespmem:s9+$0xFFFFFFF0] =	vst v0  }
0x40: {  	[tilespmem:s9+$0xFFFFFFE0] =	vst v0  }
0x41: {  	[tilespmem:s9+$0xFFFFFFD0] =	vst v0  }
0x42: {  	[tilespmem:s9+$0xFFFFFFC0] =	vst v0  }
0x43: {  	[tilespmem:s9+$0xFFFFFFB0] =	vst v0  }
0x44: {  	[tilespmem:s9+$0xFFFFFFA0] =	vst v0  }
0x45: {  	[tilespmem:s9+$0xFFFFFF90] =	vst v0  }
0x46: {  	[tilespmem:s9+$0xFFFFFF80] =	vst v0  }
0x47: {  	[tilespmem:s9+$0xFFFFFF70] =	vst v0  }
.Ltmp0:
0x48: {  	[tilespmem:s9+$0xFFFFFF60] =	vst v0;
	(pc) =	sbr.rel @p0 .LBB2_2-.Ltmp0, $4  }
0x49: {  	[tilespmem:s9+$0xFFFFFF50] =	vst v0  }
0x4a: {  	[tilespmem:s9+$0xFFFFFF40] =	vst v0  }
0x4b: {  	[tilespmem:s9+$0xFFFFFF30] =	vst v0  }
0x4c: {  	[tilespmem:s9+$0xFFFFFF20] =	vst v0  }
0x4d: {  	[tilespmem:s9+$0xFFFFFF10] =	vst v0  }
.LBB2_4:
0x4e: {  	v2 =	vld [tilespmem:s10+$0xFFFFFFB0];
	_ =	sdelay $0x7  }
0x4f: {  	[tilespmem:v2+s7+$0x0] =	vst.idx.add.f32.msk $0xffff, v1  }
0x50: {  	v2 =	vld [tilespmem:s10+$0xFFFFFFC0];
	_ =	sdelay $0x7  }
0x51: {  	[tilespmem:v2+s7+$0x0] =	vst.idx.add.f32.msk $0xffff, v1  }
0x52: {  	v2 =	vld [tilespmem:s10+$0xFFFFFFD0];
	_ =	sdelay $0x7  }
0x53: {  	[tilespmem:v2+s7+$0x0] =	vst.idx.add.f32.msk $0xffff, v1  }
0x54: {  	v2 =	vld [tilespmem:s10+$0xFFFFFFE0];
	_ =	sdelay $0x7  }
0x55: {  	[tilespmem:v2+s7+$0x0] =	vst.idx.add.f32.msk $0xffff, v1  }
0x56: {  	v2 =	vld [tilespmem:s10+$0xFFFFFFF0];
	_ =	sdelay $0x7  }
0x57: {  	[tilespmem:v2+s7+$0x0] =	vst.idx.add.f32.msk $0xffff, v1  }
0x58: {  	v2 =	vld [tilespmem:s10+$0x0];
	_ =	sdelay $0x7  }
0x59: {  	[tilespmem:v2+s7+$0x0] =	vst.idx.add.f32.msk $0xffff, v1  }
0x5a: {  	v2 =	vld [tilespmem:s10+$0x10];
	_ =	sdelay $0x7  }
0x5b: {  	[tilespmem:v2+s7+$0x0] =	vst.idx.add.f32.msk $0xffff, v1  }
0x5c: {  	v2 =	vld [tilespmem:s10+$0x20];
	_ =	sdelay $0x7  }
0x5d: {  	[tilespmem:v2+s7+$0x0] =	vst.idx.add.f32.msk $0xffff, v1  }
0x5e: {  	v2 =	vld [tilespmem:s10+$0x30];
	_ =	sdelay $0x7  }
0x5f: {  	[tilespmem:v2+s7+$0x0] =	vst.idx.add.f32.msk $0xffff, v1  }
0x60: {  	v2 =	vld [tilespmem:s10+$0x40];
	_ =	sdelay $0x1  }
0x61: {  	s11 =	sadd.s32 $0x2, s11  }
0x62: {  	p0 =	slt.u32 s11, $0x7A  }
.Ltmp1:
0x63: {  	_ = 	snop;
	(pc) =	sbr.rel @p0 .LBB2_4-.Ltmp1, $2  }
0x64: {  	_ =	sdelay $0x2  }
0x65: {  	s10 =	sadd.s32 $0xA0, s10;
	[tilespmem:v2+s7+$0x0] =	vst.idx.add.f32.msk $0xffff, v1  }
0x66: {  	v2 =	vld [tilespmem:$0x26C0];
	_ =	sdelay $0x7  }
0x67: {  	[tilespmem:v2+s7+$0x0] =	vst.idx.add.f32.msk $0xffff, v1  }
0x68: {  	v2 =	vld [tilespmem:$0x26D0];
	_ =	sdelay $0x7  }
0x69: {  	[tilespmem:v2+s7+$0x0] =	vst.idx.add.f32.msk $0xffff, v1  }
0x6a: {  	v2 =	vld [tilespmem:$0x26E0];
	_ =	sdelay $0x7  }
0x6b: {  	[tilespmem:v2+s7+$0x0] =	vst.idx.add.f32.msk $0xffff, v1  }
0x6c: {  	v2 =	vld [tilespmem:$0x26F0];
	_ =	sdelay $0x7  }
0x6d: {  	[tilespmem:v2+s7+$0x0] =	vst.idx.add.f32.msk $0xffff, v1  }
0x6e: {  	v2 =	vld [tilespmem:$0x2700];
	_ =	sdelay $0x5  }
0x6f: {  	s8 =	sadd.s32 $0x1, s8  }
0x70: {  	p0 =	sne.s32 s8, s5  }
.Ltmp2:
0x71: {  	[tilespmem:v2+s7+$0x0] =	vst.idx.add.f32.msk $0xffff, v1;
	(pc) =	sbr.rel @p0 .LBB2_1-.Ltmp2, $4  }
0x72: {  	[hbm4b:s4+s2] =	stream.linear.scatter [tilespmem:s7], [sflag:$0x1], $0x2800, $0x38;
	[tilespmem:$0x4F10] =	vst v63  }
0x73: {  	_ =	swait.ge [sflag:s6], $0x2800  }
0x74: {  	[sflag:s6] =	ssyncset.done $0x0  }
0x75: {  	[sflag:s6] =	ssyncadd.s32 $0xFFFFD800  }
0x76: {  	_ =	sfence.sel $0x180000  }
0x77: {  	[bflag:$0x0] =	sbarrier.arrive $0xFFFF  }
0x78: {  	p0 =	sne.s32 s0, $0x0;
	_ =	strace $0x90000047  }
0x79: {  	s0 =	sadd.s32 @!p0 $0x100000, s1;
	[bflag:$0x2] =	sbarrier.arrive $0xFFFF  }
0x7a: {  	[sflag:s0] =	ssyncadd.tile.s32 @!p0 $0x1;
	_ =	shalt  }
.Lfunc_end2:
_tile_overlayer_lowered:
.L_overlay_start_2:
0x7b: {  	(tag) =	ssettag $0x2  }
0x7c: {  	s0 =	rddreg [dreg:$0x0];
	s2 =	stileid.u32  }
0x7d: {  	s1 =	rddreg [dreg:$0x1];
	p0 =	sne.s32 s2, $0x0  }
0x7e: {  	s3 =	rddreg [dreg:$0x2];
	[bflag:$0x3] =	sbarrier.arrive $0xFFFF;
	s2 =	simm.s32 @!p0 $0x1C01  }
0x7f: {  	[timem:s3], [sflag:s2] =	dma.local @!p0 [hbm:s0], s1  }
0x80: {  	s0 =	simm.s32 @!p0 $0x1  }
0x81: {  	_ =	swait.ge @!p0 [sflag:s0], s1  }
0x82: {  	s1 =	ssub.s32 @!p0 $0x0, s1;
	[sflag:s0] =	ssyncset.done @!p0 $0x0  }
0x83: {  	[sflag:s0] =	ssyncadd.s32 @!p0 s1  }
0x84: {  	[bflag:$0x3] =	sbarrier.arrive $0xFFFF  }
0x85: {  	_ =	shalt  }

// kernel: kernel.13.cloned.1.call-start
scs
__scs_entry_jumppad:
0x0: {  	(pc) =	sbr.rel $0x88, $3  }
0x1: {  	(tag) =	ssettag $0x0;
	lr =	simm.s32 $0x1  }
0x2: {  	[smem:$0x3F9B] =	sst lr;
	_ =	strace $0xD0000000  }
0x3: {  	_ = 	snop  }
0x4: {  	_ = 	snop  }
0x5: {  	_ = 	snop  }
0x6: {  	_ = 	snop  }
0x7: {  	_ = 	snop  }
__scs_overlays_trampoline_lowered:
0x8: {  	[smem:$0x3FAA] =	sst s0  }
0x9: {  	[smem:$0x3FAB] =	sst s1  }
0xa: {  	[smem:$0x3FAC] =	sst s2  }
0xb: {  	[smem:$0x3FAD] =	sst s3  }
0xc: {  	[smem:$0x3FAE] =	sst s4  }
0xd: {  	[smem:$0x3FAF] =	sst s5  }
0xe: {  	[smem:$0x3FB0] =	sst s6  }
0xf: {  	[smem:$0x3FB1] =	sst s7  }
0x10: {  	[smem:$0x3FB2] =	sst s8  }
0x11: {  	[smem:$0x3FB3] =	sst s9;
	s0 =	simm.s32 @!p0 $0x0  }
0x12: {  	s1 =	sld [smem:$0x3F99];
	s0 =	simm.s32 @p0 $0x1  }
0x13: {  	[smem:$0x3FB4] =	sst s0;
	s0 =	simm.s32 @!p1 $0x0  }
0x14: {  	s2 =	sld [smem:$0x3F98];
	s0 =	simm.s32 @p1 $0x1  }
0x15: {  	[smem:$0x3FB5] =	sst s0;
	s0 =	simm.s32 @!p2 $0x0  }
0x16: {  	s3 =	sld [smem:$0x3FDB];
	s0 =	simm.s32 @p2 $0x1  }
0x17: {  	s4 =	simm.s32 $0x1BF5;
	[smem:$0x3FB7] =	sst s0  }
0x18: {  	s0 =	sld [smem:$0x3F9A];
	_ =	swait.ge [sflag:s4], $0x0  }
0x19: {  	s7 =	sld [smem:$0x3F9B]  }
0x1a: {  	s8 =	sadd.s32 $0xFFFFE003, lr  }
0x1b: {  	s9 =	sadd.s32 $0xFFFFFEF7, lr;
	s5 =	simm.s32 $0xFFFFFFFF;
	p2 =	slt.u32 s8, $0xFFFFF086  }
0x1c: {  	p1 =	slt.u32 s9, $0xF7A;
	s5 =	simm.s32 @!p2 $0x0  }
0x1d: {  	s5 =	simm.s32 @p1 $0x1;
	p0 =	seq.s32 s7, s2  }
0x1e: {  	s7 =	smul.u32 @!p0 $0xF7A, s2;
	p2 =	seq.s32 @!p0 s5, $0x0  }
0x1f: {  	s9 =	smul.u32 $0xF7A, s1;
	s8 =	simm.s32 @!p0 $0x1BF5;
	p2 =	por !p2, p0  }
0x20: {  	[sflag:s8] =	ssyncset.s32 @!p0 $0xFFFFF086;
	s6 =	sadd.s32 @!p0 s3, s7;
	s7 =	simm.s32 @!p0 $0x108  }
0x21: {  	s3 =	sadd.s32 s3, s9;
	s6 =	sadd.s32 @!p0 $0x88, s6;
	s7 =	simm.s32 @p2 $0x1082  }
0x22: {  	[simem:s7], [sflag:s8] =	dma.local @!p0 [hbm:s6], $0xF7A  }
0x23: {  	s9 =	sor.u32 $0xD0000000, s2;
	s6 =	simm.s32 $0x108;
	_ =	swait.ge @!p0 [sflag:s8], $0x0  }
0x24: {  	s3 =	sadd.s32 $0x88, s3;
	s6 =	simm.s32 @!p1 $0x1082;
	[sflag:s4] =	ssyncset.s32 $0xFFFFF086  }
0x25: {  	[simem:s6], [sflag:s4] =	dma.local [hbm:s3], $0xF7A  }
0x26: {  	[smem:$0x3F9B] =	sst s1;
	(tag) =	ssettag s2;
	_ =	strace s9  }
0x27: {  	s1 =	sld [smem:$0x3FAB]  }
0x28: {  	s2 =	sld [smem:$0x3FAC]  }
0x29: {  	s4 =	sld [smem:$0x3FAE]  }
0x2a: {  	p0 =	seq.s32 s5, $0x0;
	s5 =	sld [smem:$0x3FAF]  }
0x2b: {  	s6 =	sld [smem:$0x3FB0]  }
0x2c: {  	s7 =	sld [smem:$0x3FB1]  }
0x2d: {  	s3 =	simm.s32 $0x108;
	s8 =	sld [smem:$0x3FB2]  }
0x2e: {  	s3 =	simm.s32 @!p0 $0x1082;
	s9 =	sld [smem:$0x3FB3]  }
0x2f: {  	lr =	sadd.s32 s0, s3;
	s0 =	sld [smem:$0x3FAA]  }
0x30: {  	s3 =	sld [smem:$0x3FAD]  }
0x31: {  	[smem:$0x3FB6] =	sst s10  }
0x32: {  	s10 =	sld [smem:$0x3FB4];
	_ =	sdelay $0x3  }
0x33: {  	p0 =	seq.s32 s10, $0x1;
	s10 =	sld [smem:$0x3FB6];
	_ =	sdelay $0x3  }
0x34: {  	[smem:$0x3FB6] =	sst s10  }
0x35: {  	s10 =	sld [smem:$0x3FB5];
	_ =	sdelay $0x3  }
0x36: {  	p1 =	seq.s32 s10, $0x1;
	s10 =	sld [smem:$0x3FB6];
	_ =	sdelay $0x3  }
0x37: {  	[smem:$0x3FB6] =	sst s10  }
0x38: {  	s10 =	sld [smem:$0x3FB7]  }
0x39: {  	_ = 	snop;
	(pc) =	sbr.ind lr, $3  }
0x3a: {  	_ = 	snop  }
0x3b: {  	_ = 	snop  }
0x3c: {  	p2 =	seq.s32 s10, $0x1;
	s10 =	sld [smem:$0x3FB6]  }
0x3d: {  	_ =	shalt  }
0x3e: {  	_ =	shalt  }
0x3f: {  	_ =	shalt  }
0x40: {  	_ =	shalt  }
0x41: {  	_ =	shalt  }
0x42: {  	_ =	shalt  }
0x43: {  	_ =	shalt  }
0x44: {  	_ =	shalt  }
0x45: {  	_ =	shalt  }
0x46: {  	_ =	shalt  }
0x47: {  	_ =	shalt  }
0x48: {  	_ =	shalt  }
0x49: {  	_ =	shalt  }
0x4a: {  	_ =	shalt  }
0x4b: {  	_ =	shalt  }
0x4c: {  	_ =	shalt  }
0x4d: {  	_ =	shalt  }
0x4e: {  	_ =	shalt  }
0x4f: {  	_ =	shalt  }
0x50: {  	_ =	shalt  }
0x51: {  	_ =	shalt  }
0x52: {  	_ =	shalt  }
0x53: {  	_ =	shalt  }
0x54: {  	_ =	shalt  }
0x55: {  	_ =	shalt  }
0x56: {  	_ =	shalt  }
0x57: {  	_ =	shalt  }
0x58: {  	_ =	shalt  }
0x59: {  	_ =	shalt  }
0x5a: {  	_ =	shalt  }
0x5b: {  	_ =	shalt  }
0x5c: {  	_ =	shalt  }
0x5d: {  	_ =	shalt  }
0x5e: {  	_ =	shalt  }
0x5f: {  	_ =	shalt  }
0x60: {  	_ =	shalt  }
0x61: {  	_ =	shalt  }
0x62: {  	_ =	shalt  }
0x63: {  	_ =	shalt  }
0x64: {  	_ =	shalt  }
0x65: {  	_ =	shalt  }
0x66: {  	_ =	shalt  }
0x67: {  	_ =	shalt  }
0x68: {  	_ =	shalt  }
0x69: {  	_ =	shalt  }
0x6a: {  	_ =	shalt  }
0x6b: {  	_ =	shalt  }
0x6c: {  	_ =	shalt  }
0x6d: {  	_ =	shalt  }
0x6e: {  	_ =	shalt  }
0x6f: {  	_ =	shalt  }
0x70: {  	_ =	shalt  }
0x71: {  	_ =	shalt  }
0x72: {  	_ =	shalt  }
0x73: {  	_ =	shalt  }
0x74: {  	_ =	shalt  }
0x75: {  	_ =	shalt  }
0x76: {  	_ =	shalt  }
0x77: {  	_ =	shalt  }
0x78: {  	_ =	shalt  }
0x79: {  	_ =	shalt  }
0x7a: {  	_ =	shalt  }
0x7b: {  	_ =	shalt  }
0x7c: {  	_ =	shalt  }
0x7d: {  	_ =	shalt  }
0x7e: {  	_ =	shalt  }
0x7f: {  	_ =	shalt  }
0x80: {  	_ =	shalt  }
0x81: {  	_ =	shalt  }
0x82: {  	_ =	shalt  }
0x83: {  	_ =	shalt  }
0x84: {  	_ =	shalt  }
0x85: {  	_ =	shalt  }
0x86: {  	_ =	shalt  }
0x87: {  	_ =	shalt  }
.Lfunc_end0:
.L_simem_size_0:
called_computation.1_lowered:
.L_overlay_start_0:
0x88: {  	s2 =	sld [smem:$0x3FD9]  }
0x89: {  	s3 =	sld [smem:$0x3FFE];
	_ =	sdelay $0x1  }
0x8a: {  	s1 =	srdreg.scid  }
0x8b: {  	s0 =	sand.u32 $0x1, s1  }
0x8c: {  	s17 =	sshll.u32 s0, $0xA;
	s2 =	sadd.s32 s3, s2  }
0x8d: {  	s2 =	sadd.s32 s2, s17  }
0x8e: {  	[smem:$0x3FC2] =	sst s2  }
0x8f: {  	_ = 	snop  }
0x90: {  	s2 =	sld [smem:$0x3FD0];
	(tm) =	ssettm $0x1  }
0x91: {  	s18 =	sld [smem:$0x3FFB];
	_ =	sdelay $0x3  }
0x92: {  	_ =	strace s18  }
0x93: {  	s3 =	sld [smem:$0x3FFC];
	_ =	sdelay $0x3  }
0x94: {  	_ =	strace s3  }
0x95: {  	s3 =	sld [smem:$0x3FFD];
	_ =	sdelay $0x3  }
0x96: {  	_ =	strace s3  }
0x97: {  	_ =	strace $0x8FFFFFFF  }
0x98: {  	s19 =	sld [smem:$0x3FDB];
	_ =	sdelay $0x1  }
0x99: {  	s4 =	simm.s32 $_scs_section_size  }
0x9a: {  	s5 =	simm.s32 $_size__tile_overlayer_lowered;
	s6 =	simm.s32 $_tile_overlayer_lowered  }
0x9b: {  	s22 =	simm.s32 $0x1BFF;
	s21 =	sshll.u32 s6, $0x1;
	s3 =	sadd.s32 s4, s19  }
0x9c: {  	s7 =	simm.s32 $0x0;
	s20 =	sshll.u32 s5, $0x1;
	s5 =	sadd.s32 s21, s3  }
0x9d: {  	[timem:s7], [sflag:s22] =	dma.local [hbm:s5], s20  }
0x9e: {  	_ =	swait.ge [sflag:s22], s20  }
0x9f: {  	s4 =	ssub.s32 $0x0, s20;
	[sflag:s22] =	ssyncset.done $0x0  }
0xa0: {  	[sflag:s22] =	ssyncadd.s32 s4;
	_ =	sdelay $0x1  }
0xa1: {  	s23 =	simm.s32 $0x1B8B  }
0xa2: {  	_ =	swait.ge [sflag:s23], $0x1  }
0xa3: {  	[sflag:s23] =	ssyncset.done $0x0  }
0xa4: {  	s25 =	simm.s32 $0x1B8E;
	s24 =	sld [smem:$0x3FFE];
	[sflag:s23] =	ssyncadd.s32 $0xFFFFFFFF  }
0xa5: {  	s26 =	simm.s32 $execute0_lowered;
	[smem:$0x3FD2] =	sst s25  }
0xa6: {  	s5 =	sshll.u32 s26, $0x1;
	_ =	strace $0x80000049;
	[dreg:$0x1] =	wrdreg $0xFFFFFFFF  }
0xa7: {  	s28 =	simm.s32 $_size_execute0_lowered;
	s3 =	sadd.s32 s3, s5;
	[dreg:$0x0] =	wrdreg $0x0  }
0xa8: {  	s5 =	sshll.u32 s28, $0x1;
	[dreg:$0x2] =	wrdreg s3  }
0xa9: {  	[dreg:$0x3] =	wrdreg s5  }
0xaa: {  	[dreg:$0x4] =	wrdreg $0xC0  }
0xab: {  	_ =	task [dreg:s7], $0x5FFFF  }
0xac: {  	[dreg:$0x1] =	wrdreg $0xFFFFFFFF  }
0xad: {  	[dreg:$0x0] =	wrdreg $0x60  }
0xae: {  	[dreg:$0x2] =	wrdreg s24  }
0xaf: {  	[dreg:$0x3] =	wrdreg s2  }
0xb0: {  	[dreg:$0x4] =	wrdreg $0xB2200  }
0xb1: {  	[dreg:$0x5] =	wrdreg $0x9  }
0xb2: {  	_ =	task.clear_ibuf [dreg:s7], $0x6FFFF;
	_ =	strace $0x90000049  }
0xb3: {  	s29 =	simm.s32 $0x9;
	_ =	strace $0x8000004B  }
0xb4: {  	_ =	swait.ge [sflag:s29], $0x1  }
0xb5: {  	[sflag:s29] =	ssyncadd.s32 $0xFFFFFFFF  }
0xb6: {  	_ =	strace $0x9000004B  }
0xb7: {  	_ =	sfence  }
0xb8: {  	s30 =	sld [smem:$0x0];
	_ =	sdelay $0x2  }
0xb9: {  	s31 =	sshll.u32 s1, $0xD;
	s1 =	sshrl.u32 s1, $0x2  }
0xba: {  	s3 =	sand.u32 $0x4000, s31;
	s1 =	sadd.s32 s1, s30  }
0xbb: {  	s0 =	sor.u32 s3, s0;
	s1 =	sshll.u32 s1, $0x11  }
0xbc: {  	s0 =	sor.u32 s1, s0  }
0xbd: {  	s0 =	sadd.s32 $0x8F2B, s0  }
0xbe: {  	[sflag:s0] =	ssyncadd.remote.s32 $0x1  }
0xbf: {  	_ =	sfence.sel $0xFFFF  }
0xc0: {  	[dreg:$0x0] =	wrdreg $0xFFFFFFFF;
	(pc) =	sbr.abs _section_cstart, $3  }
0xc1: {  	[dreg:$0x1] =	wrdreg $0xFFFFFFFF  }
0xc2: {  	_ =	task.clear_ibuf [dreg:s7], $0x2FFFF;
	_ =	strace $0x9FFFFFFF  }
0xc3: {  	(tm) =	ssettm $0x7FFFFFFF  }
tec
execute0_lowered:
.L_overlay_start_1:
0x0: {  	(tag) =	ssettag $0x1  }
0x1: {  	s0 =	rddreg [dreg:$0x0]  }
0x2: {  	s2 =	rddreg [dreg:$0x1]  }
0x3: {  	s3 =	rddreg [dreg:$0x2];
	s1 =	srdreg.scid  }
0x4: {  	s14 =	stileid.u32;
	s4 =	simm.s32 $0x0;
	s15 =	simm.s32 $0x4E20  }
0x5: {  	s16 =	simm.s32 $0x6220;
	s18 =	simm.s32 $0x7620;
	s20 =	simm.s32 $0x8A20  }
0x6: {  	s22 =	simm.s32 $0x9E20;
	s24 =	simm.s32 $0x1;
	s28 =	simm.s32 $0x3  }
0x7: {  	s29 =	simm.s32 $0x4;
	s30 =	simm.s32 $0x5;
	s19 =	simm.s32 $0x0  }
0x8: {  	s1 =	sand.u32 $0x1, s1;
	s5 =	sshll.u32 s14, $0x1;
	s7 =	smul.u32 $0x27000, s14  }
0x9: {  	[smem:$0x7FF] =	sst s4;
	s10 =	sadd.s32 $0x29A00, s0;
	s26 =	smul.u32 $0x9C00, s14  }
0xa: {  	p0 =	seq.s32 s14, $0xF;
	s14 =	simm.s32 $0x50;
	s5 =	sor.u32 s1, s5  }
0xb: {  	_ =	strace $0x8000004A;
	s6 =	ssub.s32 $0x2, s1;
	s1 =	smul.u32 $0x9C400, s1  }
0xc: {  	s12 =	smul.u32 $0x4E2, s5;
	s5 =	sadd.s32 $0x16000, s0;
	s9 =	sshrl.u32 s6, $0x1  }
0xd: {  	s7 =	sshrl.u32 s7, $0x2;
	s17 =	sadd.s32 s26, s3;
	s11 =	ssub.s32 s6, s9  }
0xe: {  	s13 =	sadd.s32 s7, s3;
	s31 =	sadd.s32 s26, s1;
	s1 =	sshrl.u32 s1, $0x3  }
0xf: {  	s7 =	sadd.s32 $0x92400, s3;
	s25 =	sshrl.u32 @!p0 s17, $0x3;
	s26 =	simm.s32 $0x2  }
0x10: {  	s8 =	sadd.s32 s12, s0;
	s0 =	sadd.s32 $0xC240, s0;
	s1 =	sadd.s32 s10, s1  }
0x11: {  	s23 =	sshrl.u32 @!p0 s13, $0x3;
	s6 =	sadd.s32 $0x2600, s8;
	s8 =	sshrl.u32 s31, $0x3  }
0x12: {  	s9 =	sadd.s32 $0x12480, s1;
	s12 =	sadd.s32 s12, s0;
	s1 =	simm.s32 $0x4DD0  }
0x13: {  	s8 =	sadd.s32 s10, s8;
	s10 =	smax.u32 s11, $0x1;
	s11 =	simm.s32 $0x6  }
.LBB2_1:
0x14: {  	[tilespmem:s4], [sflag:$0x6] =	stream.linear.gather [hbm4b:s6+s4], $0x2710, $0x38;
	[tilespmem:$0x14E60] =	vst v63  }
0x15: {  	_ =	swait.ge [sflag:s11], $0x2710  }
0x16: {  	[sflag:s11] =	ssyncset.done $0x0  }
0x17: {  	s0 =	simm.s32 $0x2710;
	[sflag:s11] =	ssyncadd.s32 $0xFFFFD8F0  }
0x18: {  	[tilespmem:s0], [sflag:$0x6] =	stream.linear.gather [hbm4b:s12+s4], $0x2710, $0x38;
	[tilespmem:$0x14E60] =	vst v63  }
0x19: {  	_ =	swait.ge [sflag:s11], $0x2710  }
0x1a: {  	[sflag:s11] =	ssyncset.done $0x0  }
0x1b: {  	[sflag:s11] =	ssyncadd.s32 $0xFFFFD8F0  }
0x1c: {  	[tilespmem:s15], [sflag:$0x1] =	stream.indirect.gather [hbm4b:s5+s14], $0x40, s4, s14, $0xb8;
	[tilespmem:$0x14E60] =	vst v63  }
0x1d: {  	_ = 	snop  }
0x1e: {  	[tilespmem:s16], [sflag:$0x2] =	stream.indirect.gather [hbm4b:s5+s14], $0x40, s14, s14, $0xb8;
	[tilespmem:$0x14E60] =	vst v63  }
0x1f: {  	s17 =	simm.s32 $0xA0  }
0x20: {  	[tilespmem:s18], [sflag:$0x3] =	stream.indirect.gather [hbm4b:s5+s14], $0x40, s17, s14, $0xb8;
	[tilespmem:$0x14E60] =	vst v63  }
0x21: {  	s21 =	simm.s32 $0xF0  }
0x22: {  	[tilespmem:s20], [sflag:$0x4] =	stream.indirect.gather [hbm4b:s5+s14], $0x40, s21, s14, $0xb8;
	[tilespmem:$0x14E60] =	vst v63  }
0x23: {  	s13 =	simm.s32 $0x140;
	s0 =	simm.s32 @p0 $0x1FC6;
	s21 =	sshrl.u32 @p0 s7, $0x3  }
0x24: {  	[tilespmem:s22], [sflag:$0x5] =	stream.indirect.gather [hbm4b:s5+s14], $0x40, s13, s14, $0xb8;
	[tilespmem:$0x14E60] =	vst v63  }
0x25: {  	[spmem:s21], [sflag:s0] =	dma.local @p0 [hbm:s2], $0x1400  }
0x26: {  	s0 =	simm.s32 @p0 $0x6  }
0x27: {  	s13 =	stileid.u32;
	_ =	swait.ge @p0 [sflag:s0], $0x1400  }
0x28: {  	s13 =	sshll.u32 @!p0 s13, $0x6;
	[sflag:s0] =	ssyncset.done @p0 $0x0  }
0x29: {  	s31 =	sor.u32 @!p0 $0x1C06, s13;
	[sflag:s0] =	ssyncadd.s32 @p0 $0xFFFFEC00;
	s0 =	simm.s32 @!p0 $0x6  }
0x2a: {  	[spmem:s23], [sflag:s31] =	dma.local @!p0 [hbm:s2], $0x1380  }
0x2b: {  	_ =	swait.ge @!p0 [sflag:s0], $0x1380  }
0x2c: {  	[sflag:s0] =	ssyncset.done @!p0 $0x0  }
0x2d: {  	[sflag:s0] =	ssyncadd.s32 @!p0 $0xFFFFEC80  }
0x2e: {  	[bflag:$0x0] =	sbarrier.arrive $0xFFFF  }
0x2f: {  	_ =	swait.ge [sflag:s24], $0x1400  }
0x30: {  	[sflag:s24] =	ssyncset.done $0x0  }
0x31: {  	s17 =	simm.s32 $0x2710;
	[sflag:s24] =	ssyncadd.s32 $0xFFFFEC00  }
0x32: {  	[spmem:s3] =	stream.indirect.scatter.add.f32 [tilespmem:s15], [sflag:$0x6], $0x40, s17, s14, $0xb8;
	[tilespmem:$0x14E60] =	vst v63  }
0x33: {  	_ =	swait.ge [sflag:s11], $0x1400  }
0x34: {  	[sflag:s11] =	ssyncset.done $0x0  }
0x35: {  	s13 =	simm.s32 $0x190;
	[sflag:s11] =	ssyncadd.s32 $0xFFFFEC00  }
0x36: {  	[tilespmem:s15], [sflag:$0x1] =	stream.indirect.gather [hbm4b:s5+s14], $0x40, s13, s14, $0xb8;
	[tilespmem:$0x14E60] =	vst v63  }
0x37: {  	_ =	swait.ge [sflag:s26], $0x1400  }
0x38: {  	[sflag:s26] =	ssyncset.done $0x0  }
0x39: {  	s17 =	simm.s32 $0x2760;
	[sflag:s26] =	ssyncadd.s32 $0xFFFFEC00  }
0x3a: {  	[spmem:s3] =	stream.indirect.scatter.add.f32 [tilespmem:s16], [sflag:$0x6], $0x40, s17, s14, $0xb8;
	[tilespmem:$0x14E60] =	vst v63  }
0x3b: {  	_ =	swait.ge [sflag:s11], $0x1400  }
0x3c: {  	[sflag:s11] =	ssyncset.done $0x0  }
0x3d: {  	s13 =	simm.s32 $0x1E0;
	[sflag:s11] =	ssyncadd.s32 $0xFFFFEC00  }
0x3e: {  	[tilespmem:s16], [sflag:$0x2] =	stream.indirect.gather [hbm4b:s5+s14], $0x40, s13, s14, $0xb8;
	[tilespmem:$0x14E60] =	vst v63  }
0x3f: {  	_ =	swait.ge [sflag:s28], $0x1400  }
0x40: {  	[sflag:s28] =	ssyncset.done $0x0  }
0x41: {  	s17 =	simm.s32 $0x27B0;
	[sflag:s28] =	ssyncadd.s32 $0xFFFFEC00  }
0x42: {  	[spmem:s3] =	stream.indirect.scatter.add.f32 [tilespmem:s18], [sflag:$0x6], $0x40, s17, s14, $0xb8;
	[tilespmem:$0x14E60] =	vst v63  }
0x43: {  	_ =	swait.ge [sflag:s11], $0x1400  }
0x44: {  	[sflag:s11] =	ssyncset.done $0x0  }
0x45: {  	s13 =	simm.s32 $0x230;
	[sflag:s11] =	ssyncadd.s32 $0xFFFFEC00  }
0x46: {  	[tilespmem:s18], [sflag:$0x3] =	stream.indirect.gather [hbm4b:s5+s14], $0x40, s13, s14, $0xb8;
	[tilespmem:$0x14E60] =	vst v63  }
0x47: {  	_ =	swait.ge [sflag:s29], $0x1400  }
0x48: {  	[sflag:s29] =	ssyncset.done $0x0  }
0x49: {  	s17 =	simm.s32 $0x2800;
	[sflag:s29] =	ssyncadd.s32 $0xFFFFEC00  }
0x4a: {  	[spmem:s3] =	stream.indirect.scatter.add.f32 [tilespmem:s20], [sflag:$0x6], $0x40, s17, s14, $0xb8;
	[tilespmem:$0x14E60] =	vst v63  }
0x4b: {  	_ =	swait.ge [sflag:s11], $0x1400  }
0x4c: {  	[sflag:s11] =	ssyncset.done $0x0  }
0x4d: {  	s13 =	simm.s32 $0x280;
	[sflag:s11] =	ssyncadd.s32 $0xFFFFEC00  }
0x4e: {  	[tilespmem:s20], [sflag:$0x4] =	stream.indirect.gather [hbm4b:s5+s14], $0x40, s13, s14, $0xb8;
	[tilespmem:$0x14E60] =	vst v63  }
0x4f: {  	_ =	swait.ge [sflag:s30], $0x1400  }
0x50: {  	[sflag:s30] =	ssyncset.done $0x0  }
0x51: {  	s17 =	simm.s32 $0x2850;
	[sflag:s30] =	ssyncadd.s32 $0xFFFFEC00  }
0x52: {  	[spmem:s3] =	stream.indirect.scatter.add.f32 [tilespmem:s22], [sflag:$0x6], $0x40, s17, s14, $0xb8;
	[tilespmem:$0x14E60] =	vst v63  }
0x53: {  	_ =	swait.ge [sflag:s11], $0x1400  }
0x54: {  	[sflag:s11] =	ssyncset.done $0x0  }
0x55: {  	s0 =	simm.s32 $0x640;
	s13 =	simm.s32 $0x2D0;
	[sflag:s11] =	ssyncadd.s32 $0xFFFFEC00  }
.LBB2_2:
0x56: {  	[tilespmem:s22], [sflag:$0x5] =	stream.indirect.gather [hbm4b:s5+s14], $0x40, s13, s14, $0xb8;
	[tilespmem:$0x14E60] =	vst v63  }
0x57: {  	s13 =	smov.u32 s0  }
0x58: {  	p1 =	sne.s32 s0, $0x8FC0;
	s0 =	sadd.s32 $0x640, s0;
	_ =	swait.ge [sflag:s24], $0x1400  }
0x59: {  	s13 =	sshra.s32 s13, $0x2;
	[sflag:s24] =	ssyncset.done $0x0  }
0x5a: {  	s17 =	sadd.s32 $0x2710, s13;
	[sflag:s24] =	ssyncadd.s32 $0xFFFFEC00  }
0x5b: {  	[spmem:s3] =	stream.indirect.scatter.add.f32 [tilespmem:s15], [sflag:$0x6], $0x40, s17, s14, $0xb8;
	[tilespmem:$0x14E60] =	vst v63  }
0x5c: {  	_ =	swait.ge [sflag:s11], $0x1400  }
0x5d: {  	[sflag:s11] =	ssyncset.done $0x0  }
0x5e: {  	s17 =	sadd.s32 $0x190, s13;
	[sflag:s11] =	ssyncadd.s32 $0xFFFFEC00  }
0x5f: {  	[tilespmem:s15], [sflag:$0x1] =	stream.indirect.gather [hbm4b:s5+s14], $0x40, s17, s14, $0xb8;
	[tilespmem:$0x14E60] =	vst v63  }
0x60: {  	_ =	swait.ge [sflag:s26], $0x1400  }
0x61: {  	[sflag:s26] =	ssyncset.done $0x0  }
0x62: {  	s17 =	sadd.s32 $0x2760, s13;
	[sflag:s26] =	ssyncadd.s32 $0xFFFFEC00  }
0x63: {  	[spmem:s3] =	stream.indirect.scatter.add.f32 [tilespmem:s16], [sflag:$0x6], $0x40, s17, s14, $0xb8;
	[tilespmem:$0x14E60] =	vst v63  }
0x64: {  	_ =	swait.ge [sflag:s11], $0x1400  }
0x65: {  	[sflag:s11] =	ssyncset.done $0x0  }
0x66: {  	s17 =	sadd.s32 $0x1E0, s13;
	[sflag:s11] =	ssyncadd.s32 $0xFFFFEC00  }
0x67: {  	[tilespmem:s16], [sflag:$0x2] =	stream.indirect.gather [hbm4b:s5+s14], $0x40, s17, s14, $0xb8;
	[tilespmem:$0x14E60] =	vst v63  }
0x68: {  	_ =	swait.ge [sflag:s28], $0x1400  }
0x69: {  	[sflag:s28] =	ssyncset.done $0x0  }
0x6a: {  	s17 =	sadd.s32 $0x27B0, s13;
	[sflag:s28] =	ssyncadd.s32 $0xFFFFEC00  }
0x6b: {  	[spmem:s3] =	stream.indirect.scatter.add.f32 [tilespmem:s18], [sflag:$0x6], $0x40, s17, s14, $0xb8;
	[tilespmem:$0x14E60] =	vst v63  }
0x6c: {  	_ =	swait.ge [sflag:s11], $0x1400  }
0x6d: {  	[sflag:s11] =	ssyncset.done $0x0  }
0x6e: {  	s17 =	sadd.s32 $0x230, s13;
	[sflag:s11] =	ssyncadd.s32 $0xFFFFEC00  }
0x6f: {  	[tilespmem:s18], [sflag:$0x3] =	stream.indirect.gather [hbm4b:s5+s14], $0x40, s17, s14, $0xb8;
	[tilespmem:$0x14E60] =	vst v63  }
0x70: {  	_ =	swait.ge [sflag:s29], $0x1400  }
0x71: {  	[sflag:s29] =	ssyncset.done $0x0  }
0x72: {  	s17 =	sadd.s32 $0x2800, s13;
	[sflag:s29] =	ssyncadd.s32 $0xFFFFEC00  }
0x73: {  	[spmem:s3] =	stream.indirect.scatter.add.f32 [tilespmem:s20], [sflag:$0x6], $0x40, s17, s14, $0xb8;
	[tilespmem:$0x14E60] =	vst v63  }
0x74: {  	_ =	swait.ge [sflag:s11], $0x1400  }
0x75: {  	[sflag:s11] =	ssyncset.done $0x0  }
0x76: {  	s17 =	sadd.s32 $0x280, s13;
	[sflag:s11] =	ssyncadd.s32 $0xFFFFEC00  }
0x77: {  	[tilespmem:s20], [sflag:$0x4] =	stream.indirect.gather [hbm4b:s5+s14], $0x40, s17, s14, $0xb8;
	[tilespmem:$0x14E60] =	vst v63  }
0x78: {  	_ =	swait.ge [sflag:s30], $0x1400  }
0x79: {  	[sflag:s30] =	ssyncset.done $0x0  }
.Ltmp0:
0x7a: {  	s17 =	sadd.s32 $0x2850, s13;
	[sflag:s30] =	ssyncadd.s32 $0xFFFFEC00;
	(pc) =	sbr.rel @p1 .LBB2_2-.Ltmp0, $4  }
0x7b: {  	[spmem:s3] =	stream.indirect.scatter.add.f32 [tilespmem:s22], [sflag:$0x6], $0x40, s17, s14, $0xb8;
	[tilespmem:$0x14E60] =	vst v63  }
0x7c: {  	_ =	swait.ge [sflag:s11], $0x1400  }
0x7d: {  	[sflag:s11] =	ssyncset.done $0x0  }
0x7e: {  	s13 =	sadd.s32 $0x2D0, s13;
	[sflag:s11] =	ssyncadd.s32 $0xFFFFEC00  }
0x7f: {  	[tilespmem:s22], [sflag:$0x5] =	stream.indirect.gather [hbm4b:s5+s14], $0x40, s13, s14, $0xb8;
	[tilespmem:$0x14E60] =	vst v63  }
0x80: {  	_ =	swait.ge [sflag:s24], $0x1400  }
0x81: {  	[sflag:s24] =	ssyncset.done $0x0  }
0x82: {  	s0 =	simm.s32 $0x4C90;
	[sflag:s24] =	ssyncadd.s32 $0xFFFFEC00  }
0x83: {  	[spmem:s3] =	stream.indirect.scatter.add.f32 [tilespmem:s15], [sflag:$0x6], $0x40, s0, s14, $0xb8;
	[tilespmem:$0x14E60] =	vst v63  }
0x84: {  	_ =	swait.ge [sflag:s11], $0x1400  }
0x85: {  	[sflag:s11] =	ssyncset.done $0x0  }
0x86: {  	[sflag:s11] =	ssyncadd.s32 $0xFFFFEC00  }
0x87: {  	_ =	swait.ge [sflag:s26], $0x1400  }
0x88: {  	[sflag:s26] =	ssyncset.done $0x0  }
0x89: {  	s17 =	simm.s32 $0x4CE0;
	[sflag:s26] =	ssyncadd.s32 $0xFFFFEC00  }
0x8a: {  	[spmem:s3] =	stream.indirect.scatter.add.f32 [tilespmem:s16], [sflag:$0x6], $0x40, s17, s14, $0xb8;
	[tilespmem:$0x14E60] =	vst v63  }
0x8b: {  	_ =	swait.ge [sflag:s11], $0x1400  }
0x8c: {  	[sflag:s11] =	ssyncset.done $0x0  }
0x8d: {  	[sflag:s11] =	ssyncadd.s32 $0xFFFFEC00  }
0x8e: {  	_ =	swait.ge [sflag:s28], $0x1400  }
0x8f: {  	[sflag:s28] =	ssyncset.done $0x0  }
0x90: {  	s13 =	simm.s32 $0x4D30;
	[sflag:s28] =	ssyncadd.s32 $0xFFFFEC00  }
0x91: {  	[spmem:s3] =	stream.indirect.scatter.add.f32 [tilespmem:s18], [sflag:$0x6], $0x40, s13, s14, $0xb8;
	[tilespmem:$0x14E60] =	vst v63  }
0x92: {  	_ =	swait.ge [sflag:s11], $0x1400  }
0x93: {  	[sflag:s11] =	ssyncset.done $0x0  }
0x94: {  	[sflag:s11] =	ssyncadd.s32 $0xFFFFEC00  }
0x95: {  	_ =	swait.ge [sflag:s29], $0x1400  }
0x96: {  	[sflag:s29] =	ssyncset.done $0x0  }
0x97: {  	s17 =	simm.s32 $0x4D80;
	[sflag:s29] =	ssyncadd.s32 $0xFFFFEC00  }
0x98: {  	[spmem:s3] =	stream.indirect.scatter.add.f32 [tilespmem:s20], [sflag:$0x6], $0x40, s17, s14, $0xb8;
	[tilespmem:$0x14E60] =	vst v63  }
0x99: {  	_ =	swait.ge [sflag:s11], $0x1400  }
0x9a: {  	[sflag:s11] =	ssyncset.done $0x0  }
0x9b: {  	[sflag:s11] =	ssyncadd.s32 $0xFFFFEC00  }
0x9c: {  	_ =	swait.ge [sflag:s30], $0x1400  }
0x9d: {  	[sflag:s30] =	ssyncset.done $0x0  }
0x9e: {  	[sflag:s30] =	ssyncadd.s32 $0xFFFFEC00  }
0x9f: {  	[spmem:s3] =	stream.indirect.scatter.add.f32 [tilespmem:s22], [sflag:$0x6], $0x40, s1, s14, $0xb8;
	[tilespmem:$0x14E60] =	vst v63  }
0xa0: {  	_ =	swait.ge [sflag:s11], $0x1400  }
0xa1: {  	[sflag:s11] =	ssyncset.done $0x0  }
0xa2: {  	[sflag:s11] =	ssyncadd.s32 $0xFFFFEC00  }
0xa3: {  	s0 =	simm.s32 @p0 $0x1FC6;
	[bflag:$0x0] =	sbarrier.arrive $0xFFFF  }
0xa4: {  	[hbm:s9], [sflag:s0] =	dma.local @p0 [spmem:s21], $0x1400  }
0xa5: {  	s0 =	simm.s32 @p0 $0x6  }
0xa6: {  	s19 =	sadd.s32 $0x1, s19;
	_ =	swait.ge @p0 [sflag:s0], $0x1400  }
0xa7: {  	p1 =	sne.s32 s19, s10;
	[sflag:s0] =	ssyncset.done @p0 $0x0  }
.Ltmp1:
0xa8: {  	[sflag:s0] =	ssyncadd.s32 @p0 $0xFFFFEC00;
	s0 =	simm.s32 @!p0 $0x6;
	(pc) =	sbr.rel @p1 .LBB2_1-.Ltmp1, $4  }
0xa9: {  	[hbm:s8], [sflag:s31] =	dma.local @!p0 [spmem:s25], $0x1380  }
0xaa: {  	_ =	swait.ge @!p0 [sflag:s0], $0x1380  }
0xab: {  	[sflag:s0] =	ssyncset.done @!p0 $0x0  }
0xac: {  	[sflag:s0] =	ssyncadd.s32 @!p0 $0xFFFFEC80  }
0xad: {  	_ =	sfence.sel $0x180000  }
0xae: {  	[bflag:$0x0] =	sbarrier.arrive $0xFFFF  }
0xaf: {  	_ =	strace $0x9000004A  }
0xb0: {  	s0 =	stileid.u32;
	[bflag:$0x2] =	sbarrier.arrive $0xFFFF  }
0xb1: {  	p0 =	sne.s32 s0, $0x0;
	s0 =	rddreg [dreg:$0x3]  }
0xb2: {  	s0 =	sadd.s32 @!p0 $0x100000, s0  }
0xb3: {  	[sflag:s0] =	ssyncadd.tile.s32 @!p0 $0x1;
	_ =	shalt  }
.Lfunc_end2:
_tile_overlayer_lowered:
.L_overlay_start_2:
0xb4: {  	(tag) =	ssettag $0x2  }
0xb5: {  	s0 =	rddreg [dreg:$0x0];
	s2 =	stileid.u32  }
0xb6: {  	s1 =	rddreg [dreg:$0x1];
	p0 =	sne.s32 s2, $0x0  }
0xb7: {  	s3 =	rddreg [dreg:$0x2];
	[bflag:$0x3] =	sbarrier.arrive $0xFFFF;
	s2 =	simm.s32 @!p0 $0x1C06  }
0xb8: {  	[timem:s3], [sflag:s2] =	dma.local @!p0 [hbm:s0], s1  }
0xb9: {  	s0 =	simm.s32 @!p0 $0x6  }
0xba: {  	_ =	swait.ge @!p0 [sflag:s0], s1  }
0xbb: {  	s1 =	ssub.s32 @!p0 $0x0, s1;
	[sflag:s0] =	ssyncset.done @!p0 $0x0  }
0xbc: {  	[sflag:s0] =	ssyncadd.s32 @!p0 s1  }
0xbd: {  	[bflag:$0x3] =	sbarrier.arrive $0xFFFF  }
0xbe: {  	_ =	shalt  }

// kernel: kernel.16.cloned.1.call-start
scs
__scs_entry_jumppad:
0x0: {  	(pc) =	sbr.rel $0x88, $3  }
0x1: {  	(tag) =	ssettag $0x0;
	lr =	simm.s32 $0x1  }
0x2: {  	[smem:$0x3F9B] =	sst lr;
	_ =	strace $0xD0000000  }
0x3: {  	_ = 	snop  }
0x4: {  	_ = 	snop  }
0x5: {  	_ = 	snop  }
0x6: {  	_ = 	snop  }
0x7: {  	_ = 	snop  }
__scs_overlays_trampoline_lowered:
0x8: {  	[smem:$0x3FAA] =	sst s0  }
0x9: {  	[smem:$0x3FAB] =	sst s1  }
0xa: {  	[smem:$0x3FAC] =	sst s2  }
0xb: {  	[smem:$0x3FAD] =	sst s3  }
0xc: {  	[smem:$0x3FAE] =	sst s4  }
0xd: {  	[smem:$0x3FAF] =	sst s5  }
0xe: {  	[smem:$0x3FB0] =	sst s6  }
0xf: {  	[smem:$0x3FB1] =	sst s7  }
0x10: {  	[smem:$0x3FB2] =	sst s8  }
0x11: {  	[smem:$0x3FB3] =	sst s9;
	s0 =	simm.s32 @!p0 $0x0  }
0x12: {  	s1 =	sld [smem:$0x3F99];
	s0 =	simm.s32 @p0 $0x1  }
0x13: {  	[smem:$0x3FB4] =	sst s0;
	s0 =	simm.s32 @!p1 $0x0  }
0x14: {  	s2 =	sld [smem:$0x3F98];
	s0 =	simm.s32 @p1 $0x1  }
0x15: {  	[smem:$0x3FB5] =	sst s0;
	s0 =	simm.s32 @!p2 $0x0  }
0x16: {  	s3 =	sld [smem:$0x3FDB];
	s0 =	simm.s32 @p2 $0x1  }
0x17: {  	s4 =	simm.s32 $0x1BF5;
	[smem:$0x3FB7] =	sst s0  }
0x18: {  	s0 =	sld [smem:$0x3F9A];
	_ =	swait.ge [sflag:s4], $0x0  }
0x19: {  	s7 =	sld [smem:$0x3F9B]  }
0x1a: {  	s8 =	sadd.s32 $0xFFFFE003, lr  }
0x1b: {  	s9 =	sadd.s32 $0xFFFFFEF7, lr;
	s5 =	simm.s32 $0xFFFFFFFF;
	p2 =	slt.u32 s8, $0xFFFFF086  }
0x1c: {  	p1 =	slt.u32 s9, $0xF7A;
	s5 =	simm.s32 @!p2 $0x0  }
0x1d: {  	s5 =	simm.s32 @p1 $0x1;
	p0 =	seq.s32 s7, s2  }
0x1e: {  	s7 =	smul.u32 @!p0 $0xF7A, s2;
	p2 =	seq.s32 @!p0 s5, $0x0  }
0x1f: {  	s9 =	smul.u32 $0xF7A, s1;
	s8 =	simm.s32 @!p0 $0x1BF5;
	p2 =	por !p2, p0  }
0x20: {  	[sflag:s8] =	ssyncset.s32 @!p0 $0xFFFFF086;
	s6 =	sadd.s32 @!p0 s3, s7;
	s7 =	simm.s32 @!p0 $0x108  }
0x21: {  	s3 =	sadd.s32 s3, s9;
	s6 =	sadd.s32 @!p0 $0x88, s6;
	s7 =	simm.s32 @p2 $0x1082  }
0x22: {  	[simem:s7], [sflag:s8] =	dma.local @!p0 [hbm:s6], $0xF7A  }
0x23: {  	s9 =	sor.u32 $0xD0000000, s2;
	s6 =	simm.s32 $0x108;
	_ =	swait.ge @!p0 [sflag:s8], $0x0  }
0x24: {  	s3 =	sadd.s32 $0x88, s3;
	s6 =	simm.s32 @!p1 $0x1082;
	[sflag:s4] =	ssyncset.s32 $0xFFFFF086  }
0x25: {  	[simem:s6], [sflag:s4] =	dma.local [hbm:s3], $0xF7A  }
0x26: {  	[smem:$0x3F9B] =	sst s1;
	(tag) =	ssettag s2;
	_ =	strace s9  }
0x27: {  	s1 =	sld [smem:$0x3FAB]  }
0x28: {  	s2 =	sld [smem:$0x3FAC]  }
0x29: {  	s4 =	sld [smem:$0x3FAE]  }
0x2a: {  	p0 =	seq.s32 s5, $0x0;
	s5 =	sld [smem:$0x3FAF]  }
0x2b: {  	s6 =	sld [smem:$0x3FB0]  }
0x2c: {  	s7 =	sld [smem:$0x3FB1]  }
0x2d: {  	s3 =	simm.s32 $0x108;
	s8 =	sld [smem:$0x3FB2]  }
0x2e: {  	s3 =	simm.s32 @!p0 $0x1082;
	s9 =	sld [smem:$0x3FB3]  }
0x2f: {  	lr =	sadd.s32 s0, s3;
	s0 =	sld [smem:$0x3FAA]  }
0x30: {  	s3 =	sld [smem:$0x3FAD]  }
0x31: {  	[smem:$0x3FB6] =	sst s10  }
0x32: {  	s10 =	sld [smem:$0x3FB4];
	_ =	sdelay $0x3  }
0x33: {  	p0 =	seq.s32 s10, $0x1;
	s10 =	sld [smem:$0x3FB6];
	_ =	sdelay $0x3  }
0x34: {  	[smem:$0x3FB6] =	sst s10  }
0x35: {  	s10 =	sld [smem:$0x3FB5];
	_ =	sdelay $0x3  }
0x36: {  	p1 =	seq.s32 s10, $0x1;
	s10 =	sld [smem:$0x3FB6];
	_ =	sdelay $0x3  }
0x37: {  	[smem:$0x3FB6] =	sst s10  }
0x38: {  	s10 =	sld [smem:$0x3FB7]  }
0x39: {  	_ = 	snop;
	(pc) =	sbr.ind lr, $3  }
0x3a: {  	_ = 	snop  }
0x3b: {  	_ = 	snop  }
0x3c: {  	p2 =	seq.s32 s10, $0x1;
	s10 =	sld [smem:$0x3FB6]  }
0x3d: {  	_ =	shalt  }
0x3e: {  	_ =	shalt  }
0x3f: {  	_ =	shalt  }
0x40: {  	_ =	shalt  }
0x41: {  	_ =	shalt  }
0x42: {  	_ =	shalt  }
0x43: {  	_ =	shalt  }
0x44: {  	_ =	shalt  }
0x45: {  	_ =	shalt  }
0x46: {  	_ =	shalt  }
0x47: {  	_ =	shalt  }
0x48: {  	_ =	shalt  }
0x49: {  	_ =	shalt  }
0x4a: {  	_ =	shalt  }
0x4b: {  	_ =	shalt  }
0x4c: {  	_ =	shalt  }
0x4d: {  	_ =	shalt  }
0x4e: {  	_ =	shalt  }
0x4f: {  	_ =	shalt  }
0x50: {  	_ =	shalt  }
0x51: {  	_ =	shalt  }
0x52: {  	_ =	shalt  }
0x53: {  	_ =	shalt  }
0x54: {  	_ =	shalt  }
0x55: {  	_ =	shalt  }
0x56: {  	_ =	shalt  }
0x57: {  	_ =	shalt  }
0x58: {  	_ =	shalt  }
0x59: {  	_ =	shalt  }
0x5a: {  	_ =	shalt  }
0x5b: {  	_ =	shalt  }
0x5c: {  	_ =	shalt  }
0x5d: {  	_ =	shalt  }
0x5e: {  	_ =	shalt  }
0x5f: {  	_ =	shalt  }
0x60: {  	_ =	shalt  }
0x61: {  	_ =	shalt  }
0x62: {  	_ =	shalt  }
0x63: {  	_ =	shalt  }
0x64: {  	_ =	shalt  }
0x65: {  	_ =	shalt  }
0x66: {  	_ =	shalt  }
0x67: {  	_ =	shalt  }
0x68: {  	_ =	shalt  }
0x69: {  	_ =	shalt  }
0x6a: {  	_ =	shalt  }
0x6b: {  	_ =	shalt  }
0x6c: {  	_ =	shalt  }
0x6d: {  	_ =	shalt  }
0x6e: {  	_ =	shalt  }
0x6f: {  	_ =	shalt  }
0x70: {  	_ =	shalt  }
0x71: {  	_ =	shalt  }
0x72: {  	_ =	shalt  }
0x73: {  	_ =	shalt  }
0x74: {  	_ =	shalt  }
0x75: {  	_ =	shalt  }
0x76: {  	_ =	shalt  }
0x77: {  	_ =	shalt  }
0x78: {  	_ =	shalt  }
0x79: {  	_ =	shalt  }
0x7a: {  	_ =	shalt  }
0x7b: {  	_ =	shalt  }
0x7c: {  	_ =	shalt  }
0x7d: {  	_ =	shalt  }
0x7e: {  	_ =	shalt  }
0x7f: {  	_ =	shalt  }
0x80: {  	_ =	shalt  }
0x81: {  	_ =	shalt  }
0x82: {  	_ =	shalt  }
0x83: {  	_ =	shalt  }
0x84: {  	_ =	shalt  }
0x85: {  	_ =	shalt  }
0x86: {  	_ =	shalt  }
0x87: {  	_ =	shalt  }
.Lfunc_end0:
.L_simem_size_0:
called_computation.2_lowered:
.L_overlay_start_0:
0x88: {  	s2 =	sld [smem:$0x3FD9]  }
0x89: {  	s3 =	sld [smem:$0x3FFE];
	_ =	sdelay $0x1  }
0x8a: {  	s1 =	srdreg.scid  }
0x8b: {  	s0 =	sand.u32 $0x1, s1  }
0x8c: {  	s17 =	sshll.u32 s0, $0xA;
	s2 =	sadd.s32 s3, s2  }
0x8d: {  	s2 =	sadd.s32 s2, s17  }
0x8e: {  	[smem:$0x3FC2] =	sst s2  }
0x8f: {  	_ = 	snop  }
0x90: {  	s2 =	sld [smem:$0x3FD0];
	(tm) =	ssettm $0x1  }
0x91: {  	s18 =	sld [smem:$0x3FFB];
	_ =	sdelay $0x3  }
0x92: {  	_ =	strace s18  }
0x93: {  	s3 =	sld [smem:$0x3FFC];
	_ =	sdelay $0x3  }
0x94: {  	_ =	strace s3  }
0x95: {  	s3 =	sld [smem:$0x3FFD];
	_ =	sdelay $0x3  }
0x96: {  	_ =	strace s3  }
0x97: {  	_ =	strace $0x8FFFFFFF  }
0x98: {  	s19 =	sld [smem:$0x3FDB];
	_ =	sdelay $0x1  }
0x99: {  	s4 =	simm.s32 $_scs_section_size  }
0x9a: {  	s5 =	simm.s32 $_size__tile_overlayer_lowered;
	s6 =	simm.s32 $_tile_overlayer_lowered  }
0x9b: {  	s22 =	simm.s32 $0x1BFF;
	s21 =	sshll.u32 s6, $0x1;
	s3 =	sadd.s32 s4, s19  }
0x9c: {  	s7 =	simm.s32 $0x0;
	s20 =	sshll.u32 s5, $0x1;
	s5 =	sadd.s32 s21, s3  }
0x9d: {  	[timem:s7], [sflag:s22] =	dma.local [hbm:s5], s20  }
0x9e: {  	_ =	swait.ge [sflag:s22], s20  }
0x9f: {  	s4 =	ssub.s32 $0x0, s20;
	[sflag:s22] =	ssyncset.done $0x0  }
0xa0: {  	[sflag:s22] =	ssyncadd.s32 s4;
	_ =	sdelay $0x1  }
0xa1: {  	s23 =	simm.s32 $0x1B8B  }
0xa2: {  	_ =	swait.ge [sflag:s23], $0x1  }
0xa3: {  	[sflag:s23] =	ssyncset.done $0x0  }
0xa4: {  	s25 =	simm.s32 $0x1B8E;
	s24 =	sld [smem:$0x3FFE];
	[sflag:s23] =	ssyncadd.s32 $0xFFFFFFFF  }
0xa5: {  	s26 =	simm.s32 $execute0_lowered;
	[smem:$0x3FD2] =	sst s25  }
0xa6: {  	s5 =	sshll.u32 s26, $0x1;
	_ =	strace $0x8000004C;
	[dreg:$0x1] =	wrdreg $0xFFFFFFFF  }
0xa7: {  	s28 =	simm.s32 $_size_execute0_lowered;
	s3 =	sadd.s32 s3, s5;
	[dreg:$0x0] =	wrdreg $0x0  }
0xa8: {  	s5 =	sshll.u32 s28, $0x1;
	[dreg:$0x2] =	wrdreg s3  }
0xa9: {  	[dreg:$0x3] =	wrdreg s5  }
0xaa: {  	[dreg:$0x4] =	wrdreg $0xC0  }
0xab: {  	_ =	task [dreg:s7], $0x5FFFF  }
0xac: {  	[dreg:$0x1] =	wrdreg $0xFFFFFFFF  }
0xad: {  	[dreg:$0x0] =	wrdreg $0x60  }
0xae: {  	[dreg:$0x2] =	wrdreg s2  }
0xaf: {  	[dreg:$0x3] =	wrdreg s24  }
0xb0: {  	[dreg:$0x4] =	wrdreg $0x8CA00  }
0xb1: {  	[dreg:$0x5] =	wrdreg $0x9  }
0xb2: {  	_ =	task.clear_ibuf [dreg:s7], $0x6FFFF;
	_ =	strace $0x9000004C  }
0xb3: {  	s29 =	simm.s32 $0x9;
	_ =	strace $0x8000004E  }
0xb4: {  	_ =	swait.ge [sflag:s29], $0x1  }
0xb5: {  	[sflag:s29] =	ssyncadd.s32 $0xFFFFFFFF  }
0xb6: {  	_ =	strace $0x9000004E  }
0xb7: {  	_ =	sfence  }
0xb8: {  	s30 =	sld [smem:$0x0];
	_ =	sdelay $0x2  }
0xb9: {  	s31 =	sshll.u32 s1, $0xD;
	s1 =	sshrl.u32 s1, $0x2  }
0xba: {  	s3 =	sand.u32 $0x4000, s31;
	s1 =	sadd.s32 s1, s30  }
0xbb: {  	s0 =	sor.u32 s3, s0;
	s1 =	sshll.u32 s1, $0x11  }
0xbc: {  	s0 =	sor.u32 s1, s0  }
0xbd: {  	s0 =	sadd.s32 $0x8F2B, s0  }
0xbe: {  	[sflag:s0] =	ssyncadd.remote.s32 $0x1  }
0xbf: {  	_ =	sfence.sel $0xFFFF  }
0xc0: {  	[dreg:$0x0] =	wrdreg $0xFFFFFFFF;
	(pc) =	sbr.abs _section_cstart, $3  }
0xc1: {  	[dreg:$0x1] =	wrdreg $0xFFFFFFFF  }
0xc2: {  	_ =	task.clear_ibuf [dreg:s7], $0x2FFFF;
	_ =	strace $0x9FFFFFFF  }
0xc3: {  	(tm) =	ssettm $0x7FFFFFFF  }
tec
execute0_lowered:
.L_overlay_start_1:
0x0: {  	(tag) =	ssettag $0x1  }
0x1: {  	s1 =	rddreg [dreg:$0x0]  }
0x2: {  	s0 =	rddreg [dreg:$0x1]  }
0x3: {  	s2 =	srdreg.scid;
	s14 =	stileid.u32  }
0x4: {  	s3 =	rddreg [dreg:$0x2];
	s4 =	simm.s32 $0x0;
	s15 =	simm.s32 $0x4E20  }
0x5: {  	s16 =	simm.s32 $0x5AA0;
	s18 =	simm.s32 $0x6720;
	s20 =	simm.s32 $0x73A0  }
0x6: {  	s22 =	simm.s32 $0x8020;
	s24 =	simm.s32 $0x1;
	s28 =	simm.s32 $0x3  }
0x7: {  	s29 =	simm.s32 $0x4;
	s30 =	simm.s32 $0x5;
	s19 =	simm.s32 $0x0  }
0x8: {  	s2 =	sand.u32 $0x1, s2;
	s5 =	sshll.u32 s14, $0x1;
	s8 =	smul.u32 $0x18600, s14  }
0x9: {  	[smem:$0x7FF] =	sst s4;
	s10 =	sadd.s32 $0x16E00, s0;
	s25 =	smul.u32 $0x6180, s14  }
0xa: {  	p0 =	seq.s32 s14, $0xF;
	s14 =	simm.s32 $0x50;
	s5 =	sor.u32 s2, s5  }
0xb: {  	_ =	strace $0x8000004D;
	s7 =	ssub.s32 $0x2, s2;
	s2 =	smul.u32 $0x61A80, s2  }
0xc: {  	s12 =	smul.u32 $0x4E2, s5;
	s5 =	sadd.s32 $0x16000, s0;
	s9 =	sshrl.u32 s7, $0x1  }
0xd: {  	s26 =	sshrl.u32 s8, $0x2;
	s17 =	sadd.s32 s25, s3;
	s11 =	ssub.s32 s7, s9  }
0xe: {  	s13 =	sadd.s32 s26, s3;
	s31 =	sadd.s32 s25, s2;
	s2 =	sshrl.u32 s2, $0x3  }
0xf: {  	s7 =	sadd.s32 $0x5B680, s3;
	s25 =	sshrl.u32 @!p0 s17, $0x3;
	s26 =	simm.s32 $0x2  }
0x10: {  	s17 =	simm.s32 $0x4DD0;
	s6 =	sadd.s32 s12, s0;
	s0 =	sadd.s32 $0xC240, s0  }
0x11: {  	s8 =	sshrl.u32 s31, $0x3;
	s2 =	sadd.s32 s10, s2;
	s23 =	sshrl.u32 @!p0 s13, $0x3  }
0x12: {  	s6 =	sadd.s32 $0x2600, s6;
	s8 =	sadd.s32 s10, s8;
	s9 =	sadd.s32 $0xB6D0, s2  }
0x13: {  	s10 =	smax.u32 s11, $0x1;
	s11 =	simm.s32 $0x6;
	s12 =	sadd.s32 s12, s0  }
.LBB2_1:
0x14: {  	[tilespmem:s4], [sflag:$0x6] =	stream.linear.gather [hbm4b:s6+s4], $0x2710, $0x38;
	[tilespmem:$0xEE48] =	vst v63  }
0x15: {  	_ =	swait.ge [sflag:s11], $0x2710  }
0x16: {  	[sflag:s11] =	ssyncset.done $0x0  }
0x17: {  	s0 =	simm.s32 $0x2710;
	[sflag:s11] =	ssyncadd.s32 $0xFFFFD8F0  }
0x18: {  	[tilespmem:s0], [sflag:$0x6] =	stream.linear.gather [hbm4b:s12+s4], $0x2710, $0x38;
	[tilespmem:$0xEE48] =	vst v63  }
0x19: {  	_ =	swait.ge [sflag:s11], $0x2710  }
0x1a: {  	[sflag:s11] =	ssyncset.done $0x0  }
0x1b: {  	[sflag:s11] =	ssyncadd.s32 $0xFFFFD8F0  }
0x1c: {  	[tilespmem:s15], [sflag:$0x1] =	stream.indirect.gather [hbm4b:s1+s14], $0x28, s4, s14, $0xb8;
	[tilespmem:$0xEE48] =	vst v63  }
0x1d: {  	_ = 	snop  }
0x1e: {  	[tilespmem:s16], [sflag:$0x2] =	stream.indirect.gather [hbm4b:s1+s14], $0x28, s14, s14, $0xb8;
	[tilespmem:$0xEE48] =	vst v63  }
0x1f: {  	s13 =	simm.s32 $0xA0  }
0x20: {  	[tilespmem:s18], [sflag:$0x3] =	stream.indirect.gather [hbm4b:s1+s14], $0x28, s13, s14, $0xb8;
	[tilespmem:$0xEE48] =	vst v63  }
0x21: {  	s21 =	simm.s32 $0xF0  }
0x22: {  	[tilespmem:s20], [sflag:$0x4] =	stream.indirect.gather [hbm4b:s1+s14], $0x28, s21, s14, $0xb8;
	[tilespmem:$0xEE48] =	vst v63  }
0x23: {  	s2 =	simm.s32 $0x140  }
0x24: {  	[tilespmem:s22], [sflag:$0x5] =	stream.indirect.gather [hbm4b:s1+s14], $0x28, s2, s14, $0xb8;
	[tilespmem:$0xEE48] =	vst v63  }
0x25: {  	s21 =	sshrl.u32 @p0 s7, $0x3;
	s2 =	simm.s32 @p0 $0x1FC6  }
0x26: {  	[spmem:s21], [sflag:s2] =	dma.local @p0 [hbm:s5], $0xC80  }
0x27: {  	s2 =	simm.s32 @p0 $0x6  }
0x28: {  	s0 =	stileid.u32;
	_ =	swait.ge @p0 [sflag:s2], $0xC80  }
0x29: {  	s13 =	sshll.u32 @!p0 s0, $0x6;
	[sflag:s2] =	ssyncset.done @p0 $0x0  }
0x2a: {  	s31 =	sor.u32 @!p0 $0x1C06, s13;
	[sflag:s2] =	ssyncadd.s32 @p0 $0xFFFFF380;
	s2 =	simm.s32 @!p0 $0x6  }
0x2b: {  	[spmem:s23], [sflag:s31] =	dma.local @!p0 [hbm:s5], $0xC30  }
0x2c: {  	_ =	swait.ge @!p0 [sflag:s2], $0xC30  }
0x2d: {  	[sflag:s2] =	ssyncset.done @!p0 $0x0  }
0x2e: {  	[sflag:s2] =	ssyncadd.s32 @!p0 $0xFFFFF3D0  }
0x2f: {  	[bflag:$0x0] =	sbarrier.arrive $0xFFFF  }
0x30: {  	_ =	swait.ge [sflag:s24], $0xC80  }
0x31: {  	[sflag:s24] =	ssyncset.done $0x0  }
0x32: {  	s13 =	simm.s32 $0x2710;
	[sflag:s24] =	ssyncadd.s32 $0xFFFFF380  }
0x33: {  	[spmem:s3] =	stream.indirect.scatter.add.f32 [tilespmem:s15], [sflag:$0x6], $0x28, s13, s14, $0xb8;
	[tilespmem:$0xEE48] =	vst v63  }
0x34: {  	_ =	swait.ge [sflag:s11], $0xC80  }
0x35: {  	[sflag:s11] =	ssyncset.done $0x0  }
0x36: {  	s0 =	simm.s32 $0x190;
	[sflag:s11] =	ssyncadd.s32 $0xFFFFF380  }
0x37: {  	[tilespmem:s15], [sflag:$0x1] =	stream.indirect.gather [hbm4b:s1+s14], $0x28, s0, s14, $0xb8;
	[tilespmem:$0xEE48] =	vst v63  }
0x38: {  	_ =	swait.ge [sflag:s26], $0xC80  }
0x39: {  	[sflag:s26] =	ssyncset.done $0x0  }
0x3a: {  	s13 =	simm.s32 $0x2760;
	[sflag:s26] =	ssyncadd.s32 $0xFFFFF380  }
0x3b: {  	[spmem:s3] =	stream.indirect.scatter.add.f32 [tilespmem:s16], [sflag:$0x6], $0x28, s13, s14, $0xb8;
	[tilespmem:$0xEE48] =	vst v63  }
0x3c: {  	_ =	swait.ge [sflag:s11], $0xC80  }
0x3d: {  	[sflag:s11] =	ssyncset.done $0x0  }
0x3e: {  	s0 =	simm.s32 $0x1E0;
	[sflag:s11] =	ssyncadd.s32 $0xFFFFF380  }
0x3f: {  	[tilespmem:s16], [sflag:$0x2] =	stream.indirect.gather [hbm4b:s1+s14], $0x28, s0, s14, $0xb8;
	[tilespmem:$0xEE48] =	vst v63  }
0x40: {  	_ =	swait.ge [sflag:s28], $0xC80  }
0x41: {  	[sflag:s28] =	ssyncset.done $0x0  }
0x42: {  	s13 =	simm.s32 $0x27B0;
	[sflag:s28] =	ssyncadd.s32 $0xFFFFF380  }
0x43: {  	[spmem:s3] =	stream.indirect.scatter.add.f32 [tilespmem:s18], [sflag:$0x6], $0x28, s13, s14, $0xb8;
	[tilespmem:$0xEE48] =	vst v63  }
0x44: {  	_ =	swait.ge [sflag:s11], $0xC80  }
0x45: {  	[sflag:s11] =	ssyncset.done $0x0  }
0x46: {  	s0 =	simm.s32 $0x230;
	[sflag:s11] =	ssyncadd.s32 $0xFFFFF380  }
0x47: {  	[tilespmem:s18], [sflag:$0x3] =	stream.indirect.gather [hbm4b:s1+s14], $0x28, s0, s14, $0xb8;
	[tilespmem:$0xEE48] =	vst v63  }
0x48: {  	_ =	swait.ge [sflag:s29], $0xC80  }
0x49: {  	[sflag:s29] =	ssyncset.done $0x0  }
0x4a: {  	s13 =	simm.s32 $0x2800;
	[sflag:s29] =	ssyncadd.s32 $0xFFFFF380  }
0x4b: {  	[spmem:s3] =	stream.indirect.scatter.add.f32 [tilespmem:s20], [sflag:$0x6], $0x28, s13, s14, $0xb8;
	[tilespmem:$0xEE48] =	vst v63  }
0x4c: {  	_ =	swait.ge [sflag:s11], $0xC80  }
0x4d: {  	[sflag:s11] =	ssyncset.done $0x0  }
0x4e: {  	s0 =	simm.s32 $0x280;
	[sflag:s11] =	ssyncadd.s32 $0xFFFFF380  }
0x4f: {  	[tilespmem:s20], [sflag:$0x4] =	stream.indirect.gather [hbm4b:s1+s14], $0x28, s0, s14, $0xb8;
	[tilespmem:$0xEE48] =	vst v63  }
0x50: {  	_ =	swait.ge [sflag:s30], $0xC80  }
0x51: {  	[sflag:s30] =	ssyncset.done $0x0  }
0x52: {  	s13 =	simm.s32 $0x2850;
	[sflag:s30] =	ssyncadd.s32 $0xFFFFF380  }
0x53: {  	[spmem:s3] =	stream.indirect.scatter.add.f32 [tilespmem:s22], [sflag:$0x6], $0x28, s13, s14, $0xb8;
	[tilespmem:$0xEE48] =	vst v63  }
0x54: {  	_ =	swait.ge [sflag:s11], $0xC80  }
0x55: {  	[sflag:s11] =	ssyncset.done $0x0  }
0x56: {  	s2 =	simm.s32 $0x640;
	s13 =	simm.s32 $0x2D0;
	[sflag:s11] =	ssyncadd.s32 $0xFFFFF380  }
.LBB2_2:
0x57: {  	[tilespmem:s22], [sflag:$0x5] =	stream.indirect.gather [hbm4b:s1+s14], $0x28, s13, s14, $0xb8;
	[tilespmem:$0xEE48] =	vst v63  }
0x58: {  	s13 =	smov.u32 s2  }
0x59: {  	p1 =	sne.s32 s2, $0x8FC0;
	s2 =	sadd.s32 $0x640, s2;
	_ =	swait.ge [sflag:s24], $0xC80  }
0x5a: {  	s13 =	sshra.s32 s13, $0x2;
	[sflag:s24] =	ssyncset.done $0x0  }
0x5b: {  	s0 =	sadd.s32 $0x2710, s13;
	[sflag:s24] =	ssyncadd.s32 $0xFFFFF380  }
0x5c: {  	[spmem:s3] =	stream.indirect.scatter.add.f32 [tilespmem:s15], [sflag:$0x6], $0x28, s0, s14, $0xb8;
	[tilespmem:$0xEE48] =	vst v63  }
0x5d: {  	_ =	swait.ge [sflag:s11], $0xC80  }
0x5e: {  	[sflag:s11] =	ssyncset.done $0x0  }
0x5f: {  	s0 =	sadd.s32 $0x190, s13;
	[sflag:s11] =	ssyncadd.s32 $0xFFFFF380  }
0x60: {  	[tilespmem:s15], [sflag:$0x1] =	stream.indirect.gather [hbm4b:s1+s14], $0x28, s0, s14, $0xb8;
	[tilespmem:$0xEE48] =	vst v63  }
0x61: {  	_ =	swait.ge [sflag:s26], $0xC80  }
0x62: {  	[sflag:s26] =	ssyncset.done $0x0  }
0x63: {  	s0 =	sadd.s32 $0x2760, s13;
	[sflag:s26] =	ssyncadd.s32 $0xFFFFF380  }
0x64: {  	[spmem:s3] =	stream.indirect.scatter.add.f32 [tilespmem:s16], [sflag:$0x6], $0x28, s0, s14, $0xb8;
	[tilespmem:$0xEE48] =	vst v63  }
0x65: {  	_ =	swait.ge [sflag:s11], $0xC80  }
0x66: {  	[sflag:s11] =	ssyncset.done $0x0  }
0x67: {  	s0 =	sadd.s32 $0x1E0, s13;
	[sflag:s11] =	ssyncadd.s32 $0xFFFFF380  }
0x68: {  	[tilespmem:s16], [sflag:$0x2] =	stream.indirect.gather [hbm4b:s1+s14], $0x28, s0, s14, $0xb8;
	[tilespmem:$0xEE48] =	vst v63  }
0x69: {  	_ =	swait.ge [sflag:s28], $0xC80  }
0x6a: {  	[sflag:s28] =	ssyncset.done $0x0  }
0x6b: {  	s0 =	sadd.s32 $0x27B0, s13;
	[sflag:s28] =	ssyncadd.s32 $0xFFFFF380  }
0x6c: {  	[spmem:s3] =	stream.indirect.scatter.add.f32 [tilespmem:s18], [sflag:$0x6], $0x28, s0, s14, $0xb8;
	[tilespmem:$0xEE48] =	vst v63  }
0x6d: {  	_ =	swait.ge [sflag:s11], $0xC80  }
0x6e: {  	[sflag:s11] =	ssyncset.done $0x0  }
0x6f: {  	s0 =	sadd.s32 $0x230, s13;
	[sflag:s11] =	ssyncadd.s32 $0xFFFFF380  }
0x70: {  	[tilespmem:s18], [sflag:$0x3] =	stream.indirect.gather [hbm4b:s1+s14], $0x28, s0, s14, $0xb8;
	[tilespmem:$0xEE48] =	vst v63  }
0x71: {  	_ =	swait.ge [sflag:s29], $0xC80  }
0x72: {  	[sflag:s29] =	ssyncset.done $0x0  }
0x73: {  	s0 =	sadd.s32 $0x2800, s13;
	[sflag:s29] =	ssyncadd.s32 $0xFFFFF380  }
0x74: {  	[spmem:s3] =	stream.indirect.scatter.add.f32 [tilespmem:s20], [sflag:$0x6], $0x28, s0, s14, $0xb8;
	[tilespmem:$0xEE48] =	vst v63  }
0x75: {  	_ =	swait.ge [sflag:s11], $0xC80  }
0x76: {  	[sflag:s11] =	ssyncset.done $0x0  }
0x77: {  	s0 =	sadd.s32 $0x280, s13;
	[sflag:s11] =	ssyncadd.s32 $0xFFFFF380  }
0x78: {  	[tilespmem:s20], [sflag:$0x4] =	stream.indirect.gather [hbm4b:s1+s14], $0x28, s0, s14, $0xb8;
	[tilespmem:$0xEE48] =	vst v63  }
0x79: {  	_ =	swait.ge [sflag:s30], $0xC80  }
0x7a: {  	[sflag:s30] =	ssyncset.done $0x0  }
.Ltmp0:
0x7b: {  	s0 =	sadd.s32 $0x2850, s13;
	[sflag:s30] =	ssyncadd.s32 $0xFFFFF380;
	(pc) =	sbr.rel @p1 .LBB2_2-.Ltmp0, $4  }
0x7c: {  	[spmem:s3] =	stream.indirect.scatter.add.f32 [tilespmem:s22], [sflag:$0x6], $0x28, s0, s14, $0xb8;
	[tilespmem:$0xEE48] =	vst v63  }
0x7d: {  	_ =	swait.ge [sflag:s11], $0xC80  }
0x7e: {  	[sflag:s11] =	ssyncset.done $0x0  }
0x7f: {  	s13 =	sadd.s32 $0x2D0, s13;
	[sflag:s11] =	ssyncadd.s32 $0xFFFFF380  }
0x80: {  	[tilespmem:s22], [sflag:$0x5] =	stream.indirect.gather [hbm4b:s1+s14], $0x28, s13, s14, $0xb8;
	[tilespmem:$0xEE48] =	vst v63  }
0x81: {  	_ =	swait.ge [sflag:s24], $0xC80  }
0x82: {  	[sflag:s24] =	ssyncset.done $0x0  }
0x83: {  	s0 =	simm.s32 $0x4C90;
	[sflag:s24] =	ssyncadd.s32 $0xFFFFF380  }
0x84: {  	[spmem:s3] =	stream.indirect.scatter.add.f32 [tilespmem:s15], [sflag:$0x6], $0x28, s0, s14, $0xb8;
	[tilespmem:$0xEE48] =	vst v63  }
0x85: {  	_ =	swait.ge [sflag:s11], $0xC80  }
0x86: {  	[sflag:s11] =	ssyncset.done $0x0  }
0x87: {  	[sflag:s11] =	ssyncadd.s32 $0xFFFFF380  }
0x88: {  	_ =	swait.ge [sflag:s26], $0xC80  }
0x89: {  	[sflag:s26] =	ssyncset.done $0x0  }
0x8a: {  	s13 =	simm.s32 $0x4CE0;
	[sflag:s26] =	ssyncadd.s32 $0xFFFFF380  }
0x8b: {  	[spmem:s3] =	stream.indirect.scatter.add.f32 [tilespmem:s16], [sflag:$0x6], $0x28, s13, s14, $0xb8;
	[tilespmem:$0xEE48] =	vst v63  }
0x8c: {  	_ =	swait.ge [sflag:s11], $0xC80  }
0x8d: {  	[sflag:s11] =	ssyncset.done $0x0  }
0x8e: {  	[sflag:s11] =	ssyncadd.s32 $0xFFFFF380  }
0x8f: {  	_ =	swait.ge [sflag:s28], $0xC80  }
0x90: {  	[sflag:s28] =	ssyncset.done $0x0  }
0x91: {  	s2 =	simm.s32 $0x4D30;
	[sflag:s28] =	ssyncadd.s32 $0xFFFFF380  }
0x92: {  	[spmem:s3] =	stream.indirect.scatter.add.f32 [tilespmem:s18], [sflag:$0x6], $0x28, s2, s14, $0xb8;
	[tilespmem:$0xEE48] =	vst v63  }
0x93: {  	_ =	swait.ge [sflag:s11], $0xC80  }
0x94: {  	[sflag:s11] =	ssyncset.done $0x0  }
0x95: {  	[sflag:s11] =	ssyncadd.s32 $0xFFFFF380  }
0x96: {  	_ =	swait.ge [sflag:s29], $0xC80  }
0x97: {  	[sflag:s29] =	ssyncset.done $0x0  }
0x98: {  	s13 =	simm.s32 $0x4D80;
	[sflag:s29] =	ssyncadd.s32 $0xFFFFF380  }
0x99: {  	[spmem:s3] =	stream.indirect.scatter.add.f32 [tilespmem:s20], [sflag:$0x6], $0x28, s13, s14, $0xb8;
	[tilespmem:$0xEE48] =	vst v63  }
0x9a: {  	_ =	swait.ge [sflag:s11], $0xC80  }
0x9b: {  	[sflag:s11] =	ssyncset.done $0x0  }
0x9c: {  	[sflag:s11] =	ssyncadd.s32 $0xFFFFF380  }
0x9d: {  	_ =	swait.ge [sflag:s30], $0xC80  }
0x9e: {  	[sflag:s30] =	ssyncset.done $0x0  }
0x9f: {  	[sflag:s30] =	ssyncadd.s32 $0xFFFFF380  }
0xa0: {  	[spmem:s3] =	stream.indirect.scatter.add.f32 [tilespmem:s22], [sflag:$0x6], $0x28, s17, s14, $0xb8;
	[tilespmem:$0xEE48] =	vst v63  }
0xa1: {  	_ =	swait.ge [sflag:s11], $0xC80  }
0xa2: {  	[sflag:s11] =	ssyncset.done $0x0  }
0xa3: {  	[sflag:s11] =	ssyncadd.s32 $0xFFFFF380  }
0xa4: {  	s0 =	simm.s32 @p0 $0x1FC6;
	[bflag:$0x0] =	sbarrier.arrive $0xFFFF  }
0xa5: {  	[hbm:s9], [sflag:s0] =	dma.local @p0 [spmem:s21], $0xC80  }
0xa6: {  	s0 =	simm.s32 @p0 $0x6  }
0xa7: {  	s19 =	sadd.s32 $0x1, s19;
	_ =	swait.ge @p0 [sflag:s0], $0xC80  }
0xa8: {  	p1 =	sne.s32 s19, s10;
	[sflag:s0] =	ssyncset.done @p0 $0x0  }
.Ltmp1:
0xa9: {  	[sflag:s0] =	ssyncadd.s32 @p0 $0xFFFFF380;
	s0 =	simm.s32 @!p0 $0x6;
	(pc) =	sbr.rel @p1 .LBB2_1-.Ltmp1, $4  }
0xaa: {  	[hbm:s8], [sflag:s31] =	dma.local @!p0 [spmem:s25], $0xC30  }
0xab: {  	_ =	swait.ge @!p0 [sflag:s0], $0xC30  }
0xac: {  	[sflag:s0] =	ssyncset.done @!p0 $0x0  }
0xad: {  	[sflag:s0] =	ssyncadd.s32 @!p0 $0xFFFFF3D0  }
0xae: {  	_ =	sfence.sel $0x180000  }
0xaf: {  	[bflag:$0x0] =	sbarrier.arrive $0xFFFF  }
0xb0: {  	_ =	strace $0x9000004D  }
0xb1: {  	s0 =	stileid.u32;
	[bflag:$0x2] =	sbarrier.arrive $0xFFFF  }
0xb2: {  	p0 =	sne.s32 s0, $0x0;
	s0 =	rddreg [dreg:$0x3]  }
0xb3: {  	s0 =	sadd.s32 @!p0 $0x100000, s0  }
0xb4: {  	[sflag:s0] =	ssyncadd.tile.s32 @!p0 $0x1;
	_ =	shalt  }
.Lfunc_end2:
_tile_overlayer_lowered:
.L_overlay_start_2:
0xb5: {  	(tag) =	ssettag $0x2  }
0xb6: {  	s0 =	rddreg [dreg:$0x0];
	s2 =	stileid.u32  }
0xb7: {  	s1 =	rddreg [dreg:$0x1];
	p0 =	sne.s32 s2, $0x0  }
0xb8: {  	s3 =	rddreg [dreg:$0x2];
	[bflag:$0x3] =	sbarrier.arrive $0xFFFF;
	s2 =	simm.s32 @!p0 $0x1C06  }
0xb9: {  	[timem:s3], [sflag:s2] =	dma.local @!p0 [hbm:s0], s1  }
0xba: {  	s0 =	simm.s32 @!p0 $0x6  }
0xbb: {  	_ =	swait.ge @!p0 [sflag:s0], s1  }
0xbc: {  	s1 =	ssub.s32 @!p0 $0x0, s1;
	[sflag:s0] =	ssyncset.done @!p0 $0x0  }
0xbd: {  	[sflag:s0] =	ssyncadd.s32 @!p0 s1  }
0xbe: {  	[bflag:$0x3] =	sbarrier.arrive $0xFFFF  }
0xbf: {  	_ =	shalt  }

</sc_bundles>
